<compile_context>
chip_gen: v7x
topology: tpu7x:2x2x1
jax: 0.10.2.dev20260603
libtpu: 0.0.44.dev20260713+nightly
codegen_flags: <defaults>
</compile_context>

<pallas_src>
import functools

import jax
import jax.numpy as jnp
from jax import lax
from jax.experimental import pallas as pl
from jax.experimental.pallas import tpu as pltpu
from jax.experimental.pallas import tpu_sc as plsc

B = 16384
H1 = 128
NEG = 64
V = 20

NC = 2
NS = 16
L = 16
NW = NC * NS
BPW = B // NW
GROUPS = BPW // L


def _tables_body(w_ref, out_ref):
    w = w_ref[...]
    g = lax.dot_general(
        w, w,
        dimension_numbers=(((1,), (1,)), ((), ())),
        preferred_element_type=jnp.float32,
        precision=lax.Precision.HIGHEST,
    )
    out_ref[0] = g
    out_ref[1] = jax.nn.log_sigmoid(g)
    out_ref[2] = jax.nn.log_sigmoid(-g)


def _make_tables(w):
    return pl.pallas_call(
        _tables_body,
        out_shape=jax.ShapeDtypeStruct((3, V, V), jnp.float32),
    )(w)


def _sc_body(bu, bi, blab, bw, pu, pv, nv, pw,
             dbu, dbv, dbnv, dbw, e2u, e2v, e2lab, tbl,
             out,
             tbl_v, nv_v, dbnv_v,
             bu_v, bi_v, blab_v, bw_v, pu_v, pv_v, pw_v,
             dbu_v, dbv_v, dbw_v, e2u_v, e2v_v, e2lab_v, out_v, dma_sem):
    wid = lax.axis_index("s") * NC + lax.axis_index("c")
    base = wid * BPW

    copies = [pltpu.async_copy(tbl, tbl_v, dma_sem),
              pltpu.async_copy(nv.at[:, pl.ds(base, BPW)], nv_v, dma_sem),
              pltpu.async_copy(dbnv.at[:, pl.ds(base, BPW)], dbnv_v, dma_sem)]
    for hbm, vmem in ((bu, bu_v), (bi, bi_v), (blab, blab_v), (bw, bw_v),
                      (pu, pu_v), (pv, pv_v), (pw, pw_v),
                      (dbu, dbu_v), (dbv, dbv_v), (dbw, dbw_v),
                      (e2u, e2u_v), (e2v, e2v_v), (e2lab, e2lab_v)):
        copies.append(pltpu.async_copy(hbm.at[pl.ds(base, BPW)], vmem,
                                       dma_sem))
    for c in copies:
        c.wait()

    @plsc.parallel_loop(0, GROUPS, 1, unroll=2)
    def group(g):
        o = g * L
        bu16 = bu_v[pl.ds(o, L)]
        bi16 = bi_v[pl.ds(o, L)]
        pu16 = pu_v[pl.ds(o, L)]
        pv16 = pv_v[pl.ds(o, L)]
        dbu16 = dbu_v[pl.ds(o, L)]
        dbv16 = dbv_v[pl.ds(o, L)]
        e2u16 = e2u_v[pl.ds(o, L)]
        e2v16 = e2v_v[pl.ds(o, L)]

        pu20 = pu16 * V
        dbu20 = dbu16 * V
        rating = plsc.load_gather(tbl_v, [bu16 * V + bi16])
        pos_ls = plsc.load_gather(tbl_v, [pu20 + pv16 + V * V])
        db_pos_ls = plsc.load_gather(tbl_v, [dbu20 + dbv16 + V * V])
        e2 = plsc.load_gather(tbl_v, [e2u16 * V + e2v16])

        negbase = pu20 + 2 * V * V
        dbnegbase = dbu20 + 2 * V * V
        acc = [pos_ls, jnp.zeros((L,), jnp.float32)]
        dbacc = [db_pos_ls, jnp.zeros((L,), jnp.float32)]
        for n in range(NEG):
            k = n & 1
            nv16 = nv_v[n, pl.ds(o, L)]
            acc[k] = acc[k] + plsc.load_gather(tbl_v, [negbase + nv16])
            dbnv16 = dbnv_v[n, pl.ds(o, L)]
            dbacc[k] = dbacc[k] + plsc.load_gather(tbl_v, [dbnegbase + dbnv16])

        sg = -(acc[0] + acc[1]) * pw_v[pl.ds(o, L)]
        db_sg = -(dbacc[0] + dbacc[1]) * dbw_v[pl.ds(o, L)]
        res = (rating * bw_v[pl.ds(o, L)]
               + 0.1 * (sg + db_sg)
               + 0.01 * (e2 + e2lab_v[pl.ds(o, L)])
               + 0.001 * blab_v[pl.ds(o, L)])
        out_v[pl.ds(o, L)] = res

    pltpu.sync_copy(out_v, out.at[pl.ds(base, BPW)])


@functools.cache
def _make_sc_call():
    return pl.kernel(
        _sc_body,
        out_type=jax.ShapeDtypeStruct((B,), jnp.float32),
        mesh=plsc.VectorSubcoreMesh(core_axis_name="c", subcore_axis_name="s",
                                    num_cores=NC, num_subcores=NS),
        compiler_params=pltpu.CompilerParams(needs_layout_passes=False),
        scratch_types=[
        pltpu.VMEM((3 * V * V,), jnp.float32),
        pltpu.VMEM((NEG, BPW), jnp.int32),
        pltpu.VMEM((NEG, BPW), jnp.int32),
        pltpu.VMEM((BPW,), jnp.int32),
        pltpu.VMEM((BPW,), jnp.int32),
        pltpu.VMEM((BPW,), jnp.float32),
        pltpu.VMEM((BPW,), jnp.float32),
        pltpu.VMEM((BPW,), jnp.int32),
        pltpu.VMEM((BPW,), jnp.int32),
        pltpu.VMEM((BPW,), jnp.float32),
        pltpu.VMEM((BPW,), jnp.int32),
        pltpu.VMEM((BPW,), jnp.int32),
        pltpu.VMEM((BPW,), jnp.float32),
        pltpu.VMEM((BPW,), jnp.int32),
        pltpu.VMEM((BPW,), jnp.int32),
        pltpu.VMEM((BPW,), jnp.float32),
        pltpu.VMEM((BPW,), jnp.float32),
        pltpu.SemaphoreType.DMA,
        ],
    )


@jax.jit
def kernel(batch_uid, batch_iid, batch_label, batch_w, pos_u, pos_v, neg_v,
           pos_w, db_pos_u, db_pos_v, db_neg_v, db_pos_w,
           batch_e2_uid, batch_e2_iid, batch_e2_label, W_userDoc):
    tbl = _make_tables(W_userDoc).reshape(3 * V * V)
    return _make_sc_call()(batch_uid, batch_iid, batch_label, batch_w,
                    pos_u, pos_v, jnp.swapaxes(neg_v, 0, 1), pos_w,
                    db_pos_u, db_pos_v, jnp.swapaxes(db_neg_v, 0, 1), db_pos_w,
                    batch_e2_uid, batch_e2_iid, batch_e2_label, tbl)

# --- scband reference (transcript-rebuilt; emitter-appended) ---
"""Pipeline reference for scband-wvoe-38199439131274 (READ-ONLY COPY).

The authoritative reference and input builder live on the scoring server;
editing this copy changes nothing except your own understanding.
"""

import jax, jax.numpy as jnp
import numpy as np

B = 16384
H1 = 128
NEG = 64
V = 20

def setup_inputs(seed: int = 0) -> dict:
    key = jax.random.key(seed)
    ks = jax.random.split(key, 16)
    def ri(k, shape):
        return jax.random.randint(k, shape, 0, V, dtype=jnp.int32)
    inp = {
        "batch_uid": ri(ks[0], (B,)),
        "batch_iid": ri(ks[1], (B,)),
        "batch_label": jax.random.uniform(ks[2], (B,), dtype=jnp.float32),
        "batch_w": jax.random.uniform(ks[3], (B,), dtype=jnp.float32),
        "pos_u": ri(ks[4], (B,)),
        "pos_v": ri(ks[5], (B,)),
        "neg_v": ri(ks[6], (B, NEG)),
        "pos_w": jax.random.uniform(ks[7], (B,), dtype=jnp.float32),
        "db_pos_u": ri(ks[8], (B,)),
        "db_pos_v": ri(ks[9], (B,)),
        "db_neg_v": ri(ks[10], (B, NEG)),
        "db_pos_w": jax.random.uniform(ks[11], (B,), dtype=jnp.float32),
        "batch_e2_uid": ri(ks[12], (B,)),
        "batch_e2_iid": ri(ks[13], (B,)),
        "batch_e2_label": jax.random.uniform(ks[14], (B,), dtype=jnp.float32),
        # learned parameter: the single table actually used in forward (uid_userDoc)
        "W_userDoc": jax.random.normal(ks[15], (V, H1), dtype=jnp.float32) * 0.1,
    }
    return inp

def reference(batch_uid, batch_iid, batch_label, batch_w, pos_u, pos_v, neg_v, pos_w,
              db_pos_u, db_pos_v, db_neg_v, db_pos_w,
              batch_e2_uid, batch_e2_iid, batch_e2_label, W_userDoc):
    emb = lambda idx: jnp.take(W_userDoc, idx, axis=0)
    # NOTE: original module uses self.uid_userDoc for ALL lookups (faithful to source)
    batch_userDoc = emb(batch_uid)
    batch_itemDoc = emb(batch_iid)
    batch_e2_userDoc = emb(batch_e2_uid)
    batch_e2_itemDoc = emb(batch_e2_iid)
    emb_u = emb(pos_u)
    emb_v = emb(pos_v)
    emb_neg_v = emb(neg_v)
    db_emb_u = emb(db_pos_u)
    db_emb_v = emb(db_pos_v)
    db_emb_neg_v = emb(db_neg_v)
    # ANRS_RatingPred_W (reconstructed): dot-product rating prediction combined with
    # weighted skip-gram-with-negative-sampling terms on the word/doc embeddings.
    rating_pred = jnp.sum(batch_userDoc * batch_itemDoc, axis=-1)
    pos_score = jax.nn.log_sigmoid(jnp.sum(emb_u * emb_v, axis=-1))
    neg_score = jnp.sum(jax.nn.log_sigmoid(-jnp.einsum('bd,bnd->bn', emb_u, emb_neg_v)), axis=-1)
    sg = -(pos_score + neg_score) * pos_w
    db_pos_score = jax.nn.log_sigmoid(jnp.sum(db_emb_u * db_emb_v, axis=-1))
    db_neg_score = jnp.sum(jax.nn.log_sigmoid(-jnp.einsum('bd,bnd->bn', db_emb_u, db_emb_neg_v)), axis=-1)
    db_sg = -(db_pos_score + db_neg_score) * db_pos_w
    e2_pred = jnp.sum(batch_e2_userDoc * batch_e2_itemDoc, axis=-1)
    out = rating_pred * batch_w + 0.1 * (sg + db_sg) + 0.01 * (e2_pred + batch_e2_label) + 0.001 * batch_label
    return out

if False:  # reference __main__ guard neutralized (emitter)
    o = reference(**setup_inputs())
    print(o.shape, o.dtype)

if __name__ == "__main__":
    import jax
    _d = setup_inputs()
    print(jax.jit(kernel)(*tuple(_d.values())))

</pallas_src>

<mosaic_0001>
#map = affine_map<(d0, d1) -> (0)>
#map1 = affine_map<(d0, d1) -> (0, 0)>
module attributes {stable_mosaic.version = 14 : i64} {
  func.func @_sc_body(%arg0: i32, %arg1: i32, %arg2: memref<16384xi32, #tpu.memory_space<hbm>>, %arg3: memref<16384xi32, #tpu.memory_space<hbm>>, %arg4: memref<16384xf32, #tpu.memory_space<hbm>>, %arg5: memref<16384xf32, #tpu.memory_space<hbm>>, %arg6: memref<16384xi32, #tpu.memory_space<hbm>>, %arg7: memref<16384xi32, #tpu.memory_space<hbm>>, %arg8: memref<64x16384xi32, #tpu.memory_space<hbm>>, %arg9: memref<16384xf32, #tpu.memory_space<hbm>>, %arg10: memref<16384xi32, #tpu.memory_space<hbm>>, %arg11: memref<16384xi32, #tpu.memory_space<hbm>>, %arg12: memref<64x16384xi32, #tpu.memory_space<hbm>>, %arg13: memref<16384xf32, #tpu.memory_space<hbm>>, %arg14: memref<16384xi32, #tpu.memory_space<hbm>>, %arg15: memref<16384xi32, #tpu.memory_space<hbm>>, %arg16: memref<16384xf32, #tpu.memory_space<hbm>>, %arg17: memref<1200xf32, #tpu.memory_space<hbm>>, %arg18: memref<16384xf32, #tpu.memory_space<hbm>>, %arg19: memref<1200xf32, #tpu.memory_space<vmem>>, %arg20: memref<64x512xi32, #tpu.memory_space<vmem>>, %arg21: memref<64x512xi32, #tpu.memory_space<vmem>>, %arg22: memref<512xi32, #tpu.memory_space<vmem>>, %arg23: memref<512xi32, #tpu.memory_space<vmem>>, %arg24: memref<512xf32, #tpu.memory_space<vmem>>, %arg25: memref<512xf32, #tpu.memory_space<vmem>>, %arg26: memref<512xi32, #tpu.memory_space<vmem>>, %arg27: memref<512xi32, #tpu.memory_space<vmem>>, %arg28: memref<512xf32, #tpu.memory_space<vmem>>, %arg29: memref<512xi32, #tpu.memory_space<vmem>>, %arg30: memref<512xi32, #tpu.memory_space<vmem>>, %arg31: memref<512xf32, #tpu.memory_space<vmem>>, %arg32: memref<512xi32, #tpu.memory_space<vmem>>, %arg33: memref<512xi32, #tpu.memory_space<vmem>>, %arg34: memref<512xf32, #tpu.memory_space<vmem>>, %arg35: memref<512xf32, #tpu.memory_space<vmem>>, %arg36: memref<!tpu.dma_semaphore, #tpu.memory_space<semaphore_mem>>) attributes {dimension_semantics = [#tpu.dimension_semantics<core_parallel>, #tpu.dimension_semantics<subcore_parallel>], iteration_bounds = array<i64: 2, 16>, scalar_prefetch = 0 : i64, scratch_operands = 18 : i64, tpu.core_type = #tpu.core_type<sc_vector_subcore>, window_params = [{transform_indices = #map}, {transform_indices = #map}, {transform_indices = #map}, {transform_indices = #map}, {transform_indices = #map}, {transform_indices = #map}, {transform_indices = #map1}, {transform_indices = #map}, {transform_indices = #map}, {transform_indices = #map}, {transform_indices = #map1}, {transform_indices = #map}, {transform_indices = #map}, {transform_indices = #map}, {transform_indices = #map}, {transform_indices = #map}, {transform_indices = #map}]} {
    %mul3A = arith.constant 2 : i32
    %mul3A_0 = arith.muli %arg1, %mul3A : i32
    %add3A = arith.addi %mul3A_0, %arg0 : i32
    %mul3A_1 = arith.constant 512 : i32
    %mul3A_2 = arith.muli %add3A, %mul3A_1 : i32
    tpu.enqueue_dma source(%arg17 : memref<1200xf32, #tpu.memory_space<hbm>>) target(%arg19 : memref<1200xf32, #tpu.memory_space<vmem>>) target_semaphore(%arg36 : memref<!tpu.dma_semaphore, #tpu.memory_space<semaphore_mem>>)
    %dma_start3A = arith.constant 0 : i32
    %dma_start3A_3 = tpu.memref_slice %arg8[%dma_start3A, %mul3A_2] : memref<64x16384xi32, #tpu.memory_space<hbm>> -> memref<64x512xi32, #tpu.memory_space<hbm>>
    %dma_start3A_4 = arith.constant 0 : i32
    %dma_start3A_5 = tpu.memref_slice %arg8[%dma_start3A_4, %mul3A_2] : memref<64x16384xi32, #tpu.memory_space<hbm>> -> memref<64x512xi32, #tpu.memory_space<hbm>>
    tpu.enqueue_dma source(%dma_start3A_5 : memref<64x512xi32, #tpu.memory_space<hbm>>) target(%arg20 : memref<64x512xi32, #tpu.memory_space<vmem>>) target_semaphore(%arg36 : memref<!tpu.dma_semaphore, #tpu.memory_space<semaphore_mem>>)
    %dma_start3A_6 = arith.constant 0 : i32
    %dma_start3A_7 = tpu.memref_slice %arg12[%dma_start3A_6, %mul3A_2] : memref<64x16384xi32, #tpu.memory_space<hbm>> -> memref<64x512xi32, #tpu.memory_space<hbm>>
    %dma_start3A_8 = arith.constant 0 : i32
    %dma_start3A_9 = tpu.memref_slice %arg12[%dma_start3A_8, %mul3A_2] : memref<64x16384xi32, #tpu.memory_space<hbm>> -> memref<64x512xi32, #tpu.memory_space<hbm>>
    tpu.enqueue_dma source(%dma_start3A_9 : memref<64x512xi32, #tpu.memory_space<hbm>>) target(%arg21 : memref<64x512xi32, #tpu.memory_space<vmem>>) target_semaphore(%arg36 : memref<!tpu.dma_semaphore, #tpu.memory_space<semaphore_mem>>)
    %dma_start3A_10 = tpu.memref_slice %arg2[%mul3A_2] : memref<16384xi32, #tpu.memory_space<hbm>> -> memref<512xi32, #tpu.memory_space<hbm>>
    %dma_start3A_11 = tpu.memref_slice %arg2[%mul3A_2] : memref<16384xi32, #tpu.memory_space<hbm>> -> memref<512xi32, #tpu.memory_space<hbm>>
    tpu.enqueue_dma source(%dma_start3A_11 : memref<512xi32, #tpu.memory_space<hbm>>) target(%arg22 : memref<512xi32, #tpu.memory_space<vmem>>) target_semaphore(%arg36 : memref<!tpu.dma_semaphore, #tpu.memory_space<semaphore_mem>>)
    %dma_start3A_12 = tpu.memref_slice %arg3[%mul3A_2] : memref<16384xi32, #tpu.memory_space<hbm>> -> memref<512xi32, #tpu.memory_space<hbm>>
    %dma_start3A_13 = tpu.memref_slice %arg3[%mul3A_2] : memref<16384xi32, #tpu.memory_space<hbm>> -> memref<512xi32, #tpu.memory_space<hbm>>
    tpu.enqueue_dma source(%dma_start3A_13 : memref<512xi32, #tpu.memory_space<hbm>>) target(%arg23 : memref<512xi32, #tpu.memory_space<vmem>>) target_semaphore(%arg36 : memref<!tpu.dma_semaphore, #tpu.memory_space<semaphore_mem>>)
    %dma_start3A_14 = tpu.memref_slice %arg4[%mul3A_2] : memref<16384xf32, #tpu.memory_space<hbm>> -> memref<512xf32, #tpu.memory_space<hbm>>
    %dma_start3A_15 = tpu.memref_slice %arg4[%mul3A_2] : memref<16384xf32, #tpu.memory_space<hbm>> -> memref<512xf32, #tpu.memory_space<hbm>>
    tpu.enqueue_dma source(%dma_start3A_15 : memref<512xf32, #tpu.memory_space<hbm>>) target(%arg24 : memref<512xf32, #tpu.memory_space<vmem>>) target_semaphore(%arg36 : memref<!tpu.dma_semaphore, #tpu.memory_space<semaphore_mem>>)
    %dma_start3A_16 = tpu.memref_slice %arg5[%mul3A_2] : memref<16384xf32, #tpu.memory_space<hbm>> -> memref<512xf32, #tpu.memory_space<hbm>>
    %dma_start3A_17 = tpu.memref_slice %arg5[%mul3A_2] : memref<16384xf32, #tpu.memory_space<hbm>> -> memref<512xf32, #tpu.memory_space<hbm>>
    tpu.enqueue_dma source(%dma_start3A_17 : memref<512xf32, #tpu.memory_space<hbm>>) target(%arg25 : memref<512xf32, #tpu.memory_space<vmem>>) target_semaphore(%arg36 : memref<!tpu.dma_semaphore, #tpu.memory_space<semaphore_mem>>)
    %dma_start3A_18 = tpu.memref_slice %arg6[%mul3A_2] : memref<16384xi32, #tpu.memory_space<hbm>> -> memref<512xi32, #tpu.memory_space<hbm>>
    %dma_start3A_19 = tpu.memref_slice %arg6[%mul3A_2] : memref<16384xi32, #tpu.memory_space<hbm>> -> memref<512xi32, #tpu.memory_space<hbm>>
    tpu.enqueue_dma source(%dma_start3A_19 : memref<512xi32, #tpu.memory_space<hbm>>) target(%arg26 : memref<512xi32, #tpu.memory_space<vmem>>) target_semaphore(%arg36 : memref<!tpu.dma_semaphore, #tpu.memory_space<semaphore_mem>>)
    %dma_start3A_20 = tpu.memref_slice %arg7[%mul3A_2] : memref<16384xi32, #tpu.memory_space<hbm>> -> memref<512xi32, #tpu.memory_space<hbm>>
    %dma_start3A_21 = tpu.memref_slice %arg7[%mul3A_2] : memref<16384xi32, #tpu.memory_space<hbm>> -> memref<512xi32, #tpu.memory_space<hbm>>
    tpu.enqueue_dma source(%dma_start3A_21 : memref<512xi32, #tpu.memory_space<hbm>>) target(%arg27 : memref<512xi32, #tpu.memory_space<vmem>>) target_semaphore(%arg36 : memref<!tpu.dma_semaphore, #tpu.memory_space<semaphore_mem>>)
    %dma_start3A_22 = tpu.memref_slice %arg9[%mul3A_2] : memref<16384xf32, #tpu.memory_space<hbm>> -> memref<512xf32, #tpu.memory_space<hbm>>
    %dma_start3A_23 = tpu.memref_slice %arg9[%mul3A_2] : memref<16384xf32, #tpu.memory_space<hbm>> -> memref<512xf32, #tpu.memory_space<hbm>>
    tpu.enqueue_dma source(%dma_start3A_23 : memref<512xf32, #tpu.memory_space<hbm>>) target(%arg28 : memref<512xf32, #tpu.memory_space<vmem>>) target_semaphore(%arg36 : memref<!tpu.dma_semaphore, #tpu.memory_space<semaphore_mem>>)
    %dma_start3A_24 = tpu.memref_slice %arg10[%mul3A_2] : memref<16384xi32, #tpu.memory_space<hbm>> -> memref<512xi32, #tpu.memory_space<hbm>>
    %dma_start3A_25 = tpu.memref_slice %arg10[%mul3A_2] : memref<16384xi32, #tpu.memory_space<hbm>> -> memref<512xi32, #tpu.memory_space<hbm>>
    tpu.enqueue_dma source(%dma_start3A_25 : memref<512xi32, #tpu.memory_space<hbm>>) target(%arg29 : memref<512xi32, #tpu.memory_space<vmem>>) target_semaphore(%arg36 : memref<!tpu.dma_semaphore, #tpu.memory_space<semaphore_mem>>)
    %dma_start3A_26 = tpu.memref_slice %arg11[%mul3A_2] : memref<16384xi32, #tpu.memory_space<hbm>> -> memref<512xi32, #tpu.memory_space<hbm>>
    %dma_start3A_27 = tpu.memref_slice %arg11[%mul3A_2] : memref<16384xi32, #tpu.memory_space<hbm>> -> memref<512xi32, #tpu.memory_space<hbm>>
    tpu.enqueue_dma source(%dma_start3A_27 : memref<512xi32, #tpu.memory_space<hbm>>) target(%arg30 : memref<512xi32, #tpu.memory_space<vmem>>) target_semaphore(%arg36 : memref<!tpu.dma_semaphore, #tpu.memory_space<semaphore_mem>>)
    %dma_start3A_28 = tpu.memref_slice %arg13[%mul3A_2] : memref<16384xf32, #tpu.memory_space<hbm>> -> memref<512xf32, #tpu.memory_space<hbm>>
    %dma_start3A_29 = tpu.memref_slice %arg13[%mul3A_2] : memref<16384xf32, #tpu.memory_space<hbm>> -> memref<512xf32, #tpu.memory_space<hbm>>
    tpu.enqueue_dma source(%dma_start3A_29 : memref<512xf32, #tpu.memory_space<hbm>>) target(%arg31 : memref<512xf32, #tpu.memory_space<vmem>>) target_semaphore(%arg36 : memref<!tpu.dma_semaphore, #tpu.memory_space<semaphore_mem>>)
    %dma_start3A_30 = tpu.memref_slice %arg14[%mul3A_2] : memref<16384xi32, #tpu.memory_space<hbm>> -> memref<512xi32, #tpu.memory_space<hbm>>
    %dma_start3A_31 = tpu.memref_slice %arg14[%mul3A_2] : memref<16384xi32, #tpu.memory_space<hbm>> -> memref<512xi32, #tpu.memory_space<hbm>>
    tpu.enqueue_dma source(%dma_start3A_31 : memref<512xi32, #tpu.memory_space<hbm>>) target(%arg32 : memref<512xi32, #tpu.memory_space<vmem>>) target_semaphore(%arg36 : memref<!tpu.dma_semaphore, #tpu.memory_space<semaphore_mem>>)
    %dma_start3A_32 = tpu.memref_slice %arg15[%mul3A_2] : memref<16384xi32, #tpu.memory_space<hbm>> -> memref<512xi32, #tpu.memory_space<hbm>>
    %dma_start3A_33 = tpu.memref_slice %arg15[%mul3A_2] : memref<16384xi32, #tpu.memory_space<hbm>> -> memref<512xi32, #tpu.memory_space<hbm>>
    tpu.enqueue_dma source(%dma_start3A_33 : memref<512xi32, #tpu.memory_space<hbm>>) target(%arg33 : memref<512xi32, #tpu.memory_space<vmem>>) target_semaphore(%arg36 : memref<!tpu.dma_semaphore, #tpu.memory_space<semaphore_mem>>)
    %dma_start3A_34 = tpu.memref_slice %arg16[%mul3A_2] : memref<16384xf32, #tpu.memory_space<hbm>> -> memref<512xf32, #tpu.memory_space<hbm>>
    %dma_start3A_35 = tpu.memref_slice %arg16[%mul3A_2] : memref<16384xf32, #tpu.memory_space<hbm>> -> memref<512xf32, #tpu.memory_space<hbm>>
    tpu.enqueue_dma source(%dma_start3A_35 : memref<512xf32, #tpu.memory_space<hbm>>) target(%arg34 : memref<512xf32, #tpu.memory_space<vmem>>) target_semaphore(%arg36 : memref<!tpu.dma_semaphore, #tpu.memory_space<semaphore_mem>>)
    tpu.wait_dma2 semaphore(%arg36 : memref<!tpu.dma_semaphore, #tpu.memory_space<semaphore_mem>>) src(%arg17 : memref<1200xf32, #tpu.memory_space<hbm>>) dst(%arg19 : memref<1200xf32, #tpu.memory_space<vmem>>)
    %dma_wait3A = arith.constant 0 : i32
    %dma_wait3A_36 = tpu.memref_slice %arg8[%dma_wait3A, %mul3A_2] : memref<64x16384xi32, #tpu.memory_space<hbm>> -> memref<64x512xi32, #tpu.memory_space<hbm>>
    %dma_wait3A_37 = arith.constant 0 : i32
    %dma_wait3A_38 = tpu.memref_slice %arg8[%dma_wait3A_37, %mul3A_2] : memref<64x16384xi32, #tpu.memory_space<hbm>> -> memref<64x512xi32, #tpu.memory_space<hbm>>
    tpu.wait_dma2 semaphore(%arg36 : memref<!tpu.dma_semaphore, #tpu.memory_space<semaphore_mem>>) src(%dma_wait3A_38 : memref<64x512xi32, #tpu.memory_space<hbm>>) dst(%arg20 : memref<64x512xi32, #tpu.memory_space<vmem>>)
    %dma_wait3A_39 = arith.constant 0 : i32
    %dma_wait3A_40 = tpu.memref_slice %arg12[%dma_wait3A_39, %mul3A_2] : memref<64x16384xi32, #tpu.memory_space<hbm>> -> memref<64x512xi32, #tpu.memory_space<hbm>>
    %dma_wait3A_41 = arith.constant 0 : i32
    %dma_wait3A_42 = tpu.memref_slice %arg12[%dma_wait3A_41, %mul3A_2] : memref<64x16384xi32, #tpu.memory_space<hbm>> -> memref<64x512xi32, #tpu.memory_space<hbm>>
    tpu.wait_dma2 semaphore(%arg36 : memref<!tpu.dma_semaphore, #tpu.memory_space<semaphore_mem>>) src(%dma_wait3A_42 : memref<64x512xi32, #tpu.memory_space<hbm>>) dst(%arg21 : memref<64x512xi32, #tpu.memory_space<vmem>>)
    %dma_wait3A_43 = tpu.memref_slice %arg2[%mul3A_2] : memref<16384xi32, #tpu.memory_space<hbm>> -> memref<512xi32, #tpu.memory_space<hbm>>
    %dma_wait3A_44 = tpu.memref_slice %arg2[%mul3A_2] : memref<16384xi32, #tpu.memory_space<hbm>> -> memref<512xi32, #tpu.memory_space<hbm>>
    tpu.wait_dma2 semaphore(%arg36 : memref<!tpu.dma_semaphore, #tpu.memory_space<semaphore_mem>>) src(%dma_wait3A_44 : memref<512xi32, #tpu.memory_space<hbm>>) dst(%arg22 : memref<512xi32, #tpu.memory_space<vmem>>)
    %dma_wait3A_45 = tpu.memref_slice %arg3[%mul3A_2] : memref<16384xi32, #tpu.memory_space<hbm>> -> memref<512xi32, #tpu.memory_space<hbm>>
    %dma_wait3A_46 = tpu.memref_slice %arg3[%mul3A_2] : memref<16384xi32, #tpu.memory_space<hbm>> -> memref<512xi32, #tpu.memory_space<hbm>>
    tpu.wait_dma2 semaphore(%arg36 : memref<!tpu.dma_semaphore, #tpu.memory_space<semaphore_mem>>) src(%dma_wait3A_46 : memref<512xi32, #tpu.memory_space<hbm>>) dst(%arg23 : memref<512xi32, #tpu.memory_space<vmem>>)
    %dma_wait3A_47 = tpu.memref_slice %arg4[%mul3A_2] : memref<16384xf32, #tpu.memory_space<hbm>> -> memref<512xf32, #tpu.memory_space<hbm>>
    %dma_wait3A_48 = tpu.memref_slice %arg4[%mul3A_2] : memref<16384xf32, #tpu.memory_space<hbm>> -> memref<512xf32, #tpu.memory_space<hbm>>
    tpu.wait_dma2 semaphore(%arg36 : memref<!tpu.dma_semaphore, #tpu.memory_space<semaphore_mem>>) src(%dma_wait3A_48 : memref<512xf32, #tpu.memory_space<hbm>>) dst(%arg24 : memref<512xf32, #tpu.memory_space<vmem>>)
    %dma_wait3A_49 = tpu.memref_slice %arg5[%mul3A_2] : memref<16384xf32, #tpu.memory_space<hbm>> -> memref<512xf32, #tpu.memory_space<hbm>>
    %dma_wait3A_50 = tpu.memref_slice %arg5[%mul3A_2] : memref<16384xf32, #tpu.memory_space<hbm>> -> memref<512xf32, #tpu.memory_space<hbm>>
    tpu.wait_dma2 semaphore(%arg36 : memref<!tpu.dma_semaphore, #tpu.memory_space<semaphore_mem>>) src(%dma_wait3A_50 : memref<512xf32, #tpu.memory_space<hbm>>) dst(%arg25 : memref<512xf32, #tpu.memory_space<vmem>>)
    %dma_wait3A_51 = tpu.memref_slice %arg6[%mul3A_2] : memref<16384xi32, #tpu.memory_space<hbm>> -> memref<512xi32, #tpu.memory_space<hbm>>
    %dma_wait3A_52 = tpu.memref_slice %arg6[%mul3A_2] : memref<16384xi32, #tpu.memory_space<hbm>> -> memref<512xi32, #tpu.memory_space<hbm>>
    tpu.wait_dma2 semaphore(%arg36 : memref<!tpu.dma_semaphore, #tpu.memory_space<semaphore_mem>>) src(%dma_wait3A_52 : memref<512xi32, #tpu.memory_space<hbm>>) dst(%arg26 : memref<512xi32, #tpu.memory_space<vmem>>)
    %dma_wait3A_53 = tpu.memref_slice %arg7[%mul3A_2] : memref<16384xi32, #tpu.memory_space<hbm>> -> memref<512xi32, #tpu.memory_space<hbm>>
    %dma_wait3A_54 = tpu.memref_slice %arg7[%mul3A_2] : memref<16384xi32, #tpu.memory_space<hbm>> -> memref<512xi32, #tpu.memory_space<hbm>>
    tpu.wait_dma2 semaphore(%arg36 : memref<!tpu.dma_semaphore, #tpu.memory_space<semaphore_mem>>) src(%dma_wait3A_54 : memref<512xi32, #tpu.memory_space<hbm>>) dst(%arg27 : memref<512xi32, #tpu.memory_space<vmem>>)
    %dma_wait3A_55 = tpu.memref_slice %arg9[%mul3A_2] : memref<16384xf32, #tpu.memory_space<hbm>> -> memref<512xf32, #tpu.memory_space<hbm>>
    %dma_wait3A_56 = tpu.memref_slice %arg9[%mul3A_2] : memref<16384xf32, #tpu.memory_space<hbm>> -> memref<512xf32, #tpu.memory_space<hbm>>
    tpu.wait_dma2 semaphore(%arg36 : memref<!tpu.dma_semaphore, #tpu.memory_space<semaphore_mem>>) src(%dma_wait3A_56 : memref<512xf32, #tpu.memory_space<hbm>>) dst(%arg28 : memref<512xf32, #tpu.memory_space<vmem>>)
    %dma_wait3A_57 = tpu.memref_slice %arg10[%mul3A_2] : memref<16384xi32, #tpu.memory_space<hbm>> -> memref<512xi32, #tpu.memory_space<hbm>>
    %dma_wait3A_58 = tpu.memref_slice %arg10[%mul3A_2] : memref<16384xi32, #tpu.memory_space<hbm>> -> memref<512xi32, #tpu.memory_space<hbm>>
    tpu.wait_dma2 semaphore(%arg36 : memref<!tpu.dma_semaphore, #tpu.memory_space<semaphore_mem>>) src(%dma_wait3A_58 : memref<512xi32, #tpu.memory_space<hbm>>) dst(%arg29 : memref<512xi32, #tpu.memory_space<vmem>>)
    %dma_wait3A_59 = tpu.memref_slice %arg11[%mul3A_2] : memref<16384xi32, #tpu.memory_space<hbm>> -> memref<512xi32, #tpu.memory_space<hbm>>
    %dma_wait3A_60 = tpu.memref_slice %arg11[%mul3A_2] : memref<16384xi32, #tpu.memory_space<hbm>> -> memref<512xi32, #tpu.memory_space<hbm>>
    tpu.wait_dma2 semaphore(%arg36 : memref<!tpu.dma_semaphore, #tpu.memory_space<semaphore_mem>>) src(%dma_wait3A_60 : memref<512xi32, #tpu.memory_space<hbm>>) dst(%arg30 : memref<512xi32, #tpu.memory_space<vmem>>)
    %dma_wait3A_61 = tpu.memref_slice %arg13[%mul3A_2] : memref<16384xf32, #tpu.memory_space<hbm>> -> memref<512xf32, #tpu.memory_space<hbm>>
    %dma_wait3A_62 = tpu.memref_slice %arg13[%mul3A_2] : memref<16384xf32, #tpu.memory_space<hbm>> -> memref<512xf32, #tpu.memory_space<hbm>>
    tpu.wait_dma2 semaphore(%arg36 : memref<!tpu.dma_semaphore, #tpu.memory_space<semaphore_mem>>) src(%dma_wait3A_62 : memref<512xf32, #tpu.memory_space<hbm>>) dst(%arg31 : memref<512xf32, #tpu.memory_space<vmem>>)
    %dma_wait3A_63 = tpu.memref_slice %arg14[%mul3A_2] : memref<16384xi32, #tpu.memory_space<hbm>> -> memref<512xi32, #tpu.memory_space<hbm>>
    %dma_wait3A_64 = tpu.memref_slice %arg14[%mul3A_2] : memref<16384xi32, #tpu.memory_space<hbm>> -> memref<512xi32, #tpu.memory_space<hbm>>
    tpu.wait_dma2 semaphore(%arg36 : memref<!tpu.dma_semaphore, #tpu.memory_space<semaphore_mem>>) src(%dma_wait3A_64 : memref<512xi32, #tpu.memory_space<hbm>>) dst(%arg32 : memref<512xi32, #tpu.memory_space<vmem>>)
    %dma_wait3A_65 = tpu.memref_slice %arg15[%mul3A_2] : memref<16384xi32, #tpu.memory_space<hbm>> -> memref<512xi32, #tpu.memory_space<hbm>>
    %dma_wait3A_66 = tpu.memref_slice %arg15[%mul3A_2] : memref<16384xi32, #tpu.memory_space<hbm>> -> memref<512xi32, #tpu.memory_space<hbm>>
    tpu.wait_dma2 semaphore(%arg36 : memref<!tpu.dma_semaphore, #tpu.memory_space<semaphore_mem>>) src(%dma_wait3A_66 : memref<512xi32, #tpu.memory_space<hbm>>) dst(%arg33 : memref<512xi32, #tpu.memory_space<vmem>>)
    %dma_wait3A_67 = tpu.memref_slice %arg16[%mul3A_2] : memref<16384xf32, #tpu.memory_space<hbm>> -> memref<512xf32, #tpu.memory_space<hbm>>
    %dma_wait3A_68 = tpu.memref_slice %arg16[%mul3A_2] : memref<16384xf32, #tpu.memory_space<hbm>> -> memref<512xf32, #tpu.memory_space<hbm>>
    tpu.wait_dma2 semaphore(%arg36 : memref<!tpu.dma_semaphore, #tpu.memory_space<semaphore_mem>>) src(%dma_wait3A_68 : memref<512xf32, #tpu.memory_space<hbm>>) dst(%arg34 : memref<512xf32, #tpu.memory_space<vmem>>)
    %parallel_loop3A = arith.constant 0 : i32
    %parallel_loop3A_69 = arith.constant 32 : i32
    %parallel_loop3A_70 = arith.constant 1 : i32
    scf.for %parallel_loop3A_71 = %parallel_loop3A to %parallel_loop3A_69 step %parallel_loop3A_70  : i32 {
      %parallel_loop3A_72 = arith.constant 16 : i32
      %parallel_loop3A_73 = arith.muli %parallel_loop3A_71, %parallel_loop3A_72 : i32
      %parallel_loop3A_74 = arith.index_cast %parallel_loop3A_73 : i32 to index
      %parallel_loop3A_75 = tpu.vector_load %arg22[%parallel_loop3A_74] {strides = array<i32>} : memref<512xi32, #tpu.memory_space<vmem>>, vector<16xi32>,
      %parallel_loop3A_76 = arith.index_cast %parallel_loop3A_73 : i32 to index
      %parallel_loop3A_77 = tpu.vector_load %arg23[%parallel_loop3A_76] {strides = array<i32>} : memref<512xi32, #tpu.memory_space<vmem>>, vector<16xi32>,
      %parallel_loop3A_78 = arith.index_cast %parallel_loop3A_73 : i32 to index
      %parallel_loop3A_79 = tpu.vector_load %arg26[%parallel_loop3A_78] {strides = array<i32>} : memref<512xi32, #tpu.memory_space<vmem>>, vector<16xi32>,
      %parallel_loop3A_80 = arith.index_cast %parallel_loop3A_73 : i32 to index
      %parallel_loop3A_81 = tpu.vector_load %arg27[%parallel_loop3A_80] {strides = array<i32>} : memref<512xi32, #tpu.memory_space<vmem>>, vector<16xi32>,
      %parallel_loop3A_82 = arith.index_cast %parallel_loop3A_73 : i32 to index
      %parallel_loop3A_83 = tpu.vector_load %arg29[%parallel_loop3A_82] {strides = array<i32>} : memref<512xi32, #tpu.memory_space<vmem>>, vector<16xi32>,
      %parallel_loop3A_84 = arith.index_cast %parallel_loop3A_73 : i32 to index
      %parallel_loop3A_85 = tpu.vector_load %arg30[%parallel_loop3A_84] {strides = array<i32>} : memref<512xi32, #tpu.memory_space<vmem>>, vector<16xi32>,
      %parallel_loop3A_86 = arith.index_cast %parallel_loop3A_73 : i32 to index
      %parallel_loop3A_87 = tpu.vector_load %arg32[%parallel_loop3A_86] {strides = array<i32>} : memref<512xi32, #tpu.memory_space<vmem>>, vector<16xi32>,
      %parallel_loop3A_88 = arith.index_cast %parallel_loop3A_73 : i32 to index
      %parallel_loop3A_89 = tpu.vector_load %arg33[%parallel_loop3A_88] {strides = array<i32>} : memref<512xi32, #tpu.memory_space<vmem>>, vector<16xi32>,
      %parallel_loop3A_90 = arith.constant 20 : i32
      %parallel_loop3A_91 = vector.broadcast %parallel_loop3A_90 : i32 to vector<16xi32>
      %parallel_loop3A_92 = arith.muli %parallel_loop3A_79, %parallel_loop3A_91 : vector<16xi32>
      %parallel_loop3A_93 = arith.constant 20 : i32
      %parallel_loop3A_94 = vector.broadcast %parallel_loop3A_93 : i32 to vector<16xi32>
      %parallel_loop3A_95 = arith.muli %parallel_loop3A_83, %parallel_loop3A_94 : vector<16xi32>
      %parallel_loop3A_96 = arith.constant 20 : i32
      %parallel_loop3A_97 = vector.broadcast %parallel_loop3A_96 : i32 to vector<16xi32>
      %parallel_loop3A_98 = arith.muli %parallel_loop3A_75, %parallel_loop3A_97 : vector<16xi32>
      %parallel_loop3A_99 = arith.addi %parallel_loop3A_98, %parallel_loop3A_77 : vector<16xi32>
      %parallel_loop3A_100 = tpu.vector_load_idx %arg19[%parallel_loop3A_99] : memref<1200xf32, #tpu.memory_space<vmem>>[vector<16xi32>], vector<16xf32>,
      %parallel_loop3A_101 = arith.addi %parallel_loop3A_92, %parallel_loop3A_81 : vector<16xi32>
      %parallel_loop3A_102 = arith.constant 400 : i32
      %parallel_loop3A_103 = vector.broadcast %parallel_loop3A_102 : i32 to vector<16xi32>
      %parallel_loop3A_104 = arith.addi %parallel_loop3A_101, %parallel_loop3A_103 : vector<16xi32>
      %parallel_loop3A_105 = tpu.vector_load_idx %arg19[%parallel_loop3A_104] : memref<1200xf32, #tpu.memory_space<vmem>>[vector<16xi32>], vector<16xf32>,
      %parallel_loop3A_106 = arith.addi %parallel_loop3A_95, %parallel_loop3A_85 : vector<16xi32>
      %parallel_loop3A_107 = arith.constant 400 : i32
      %parallel_loop3A_108 = vector.broadcast %parallel_loop3A_107 : i32 to vector<16xi32>
      %parallel_loop3A_109 = arith.addi %parallel_loop3A_106, %parallel_loop3A_108 : vector<16xi32>
      %parallel_loop3A_110 = tpu.vector_load_idx %arg19[%parallel_loop3A_109] : memref<1200xf32, #tpu.memory_space<vmem>>[vector<16xi32>], vector<16xf32>,
      %parallel_loop3A_111 = arith.constant 20 : i32
      %parallel_loop3A_112 = vector.broadcast %parallel_loop3A_111 : i32 to vector<16xi32>
      %parallel_loop3A_113 = arith.muli %parallel_loop3A_87, %parallel_loop3A_112 : vector<16xi32>
      %parallel_loop3A_114 = arith.addi %parallel_loop3A_113, %parallel_loop3A_89 : vector<16xi32>
      %parallel_loop3A_115 = tpu.vector_load_idx %arg19[%parallel_loop3A_114] : memref<1200xf32, #tpu.memory_space<vmem>>[vector<16xi32>], vector<16xf32>,
      %parallel_loop3A_116 = arith.constant 800 : i32
      %parallel_loop3A_117 = vector.broadcast %parallel_loop3A_116 : i32 to vector<16xi32>
      %parallel_loop3A_118 = arith.addi %parallel_loop3A_92, %parallel_loop3A_117 : vector<16xi32>
      %parallel_loop3A_119 = arith.constant 800 : i32
      %parallel_loop3A_120 = vector.broadcast %parallel_loop3A_119 : i32 to vector<16xi32>
      %parallel_loop3A_121 = arith.addi %parallel_loop3A_95, %parallel_loop3A_120 : vector<16xi32>
      %parallel_loop3A_122 = arith.constant 0.000000e+00 : f32
      %parallel_loop3A_123 = vector.broadcast %parallel_loop3A_122 : f32 to vector<16xf32>
      %parallel_loop3A_124 = arith.constant 0.000000e+00 : f32
      %parallel_loop3A_125 = vector.broadcast %parallel_loop3A_124 : f32 to vector<16xf32>
      %parallel_loop3A_126 = arith.constant 0 : i32
      %parallel_loop3A_127 = arith.index_cast %parallel_loop3A_126 : i32 to index
      %parallel_loop3A_128 = arith.index_cast %parallel_loop3A_73 : i32 to index
      %parallel_loop3A_129 = tpu.vector_load %arg20[%parallel_loop3A_127, %parallel_loop3A_128] {strides = array<i32>} : memref<64x512xi32, #tpu.memory_space<vmem>>, vector<16xi32>,
      %parallel_loop3A_130 = arith.addi %parallel_loop3A_118, %parallel_loop3A_129 : vector<16xi32>
      %parallel_loop3A_131 = tpu.vector_load_idx %arg19[%parallel_loop3A_130] : memref<1200xf32, #tpu.memory_space<vmem>>[vector<16xi32>], vector<16xf32>,
      %parallel_loop3A_132 = arith.addf %parallel_loop3A_105, %parallel_loop3A_131 : vector<16xf32>
      %parallel_loop3A_133 = arith.constant 0 : i32
      %parallel_loop3A_134 = arith.index_cast %parallel_loop3A_133 : i32 to index
      %parallel_loop3A_135 = arith.index_cast %parallel_loop3A_73 : i32 to index
      %parallel_loop3A_136 = tpu.vector_load %arg21[%parallel_loop3A_134, %parallel_loop3A_135] {strides = array<i32>} : memref<64x512xi32, #tpu.memory_space<vmem>>, vector<16xi32>,
      %parallel_loop3A_137 = arith.addi %parallel_loop3A_121, %parallel_loop3A_136 : vector<16xi32>
      %parallel_loop3A_138 = tpu.vector_load_idx %arg19[%parallel_loop3A_137] : memref<1200xf32, #tpu.memory_space<vmem>>[vector<16xi32>], vector<16xf32>,
      %parallel_loop3A_139 = arith.addf %parallel_loop3A_110, %parallel_loop3A_138 : vector<16xf32>
      %parallel_loop3A_140 = arith.constant 1 : i32
      %parallel_loop3A_141 = arith.index_cast %parallel_loop3A_140 : i32 to index
      %parallel_loop3A_142 = arith.index_cast %parallel_loop3A_73 : i32 to index
      %parallel_loop3A_143 = tpu.vector_load %arg20[%parallel_loop3A_141, %parallel_loop3A_142] {strides = array<i32>} : memref<64x512xi32, #tpu.memory_space<vmem>>, vector<16xi32>,
      %parallel_loop3A_144 = arith.addi %parallel_loop3A_118, %parallel_loop3A_143 : vector<16xi32>
      %parallel_loop3A_145 = tpu.vector_load_idx %arg19[%parallel_loop3A_144] : memref<1200xf32, #tpu.memory_space<vmem>>[vector<16xi32>], vector<16xf32>,
      %parallel_loop3A_146 = arith.addf %parallel_loop3A_123, %parallel_loop3A_145 : vector<16xf32>
      %parallel_loop3A_147 = arith.constant 1 : i32
      %parallel_loop3A_148 = arith.index_cast %parallel_loop3A_147 : i32 to index
      %parallel_loop3A_149 = arith.index_cast %parallel_loop3A_73 : i32 to index
      %parallel_loop3A_150 = tpu.vector_load %arg21[%parallel_loop3A_148, %parallel_loop3A_149] {strides = array<i32>} : memref<64x512xi32, #tpu.memory_space<vmem>>, vector<16xi32>,
      %parallel_loop3A_151 = arith.addi %parallel_loop3A_121, %parallel_loop3A_150 : vector<16xi32>
      %parallel_loop3A_152 = tpu.vector_load_idx %arg19[%parallel_loop3A_151] : memref<1200xf32, #tpu.memory_space<vmem>>[vector<16xi32>], vector<16xf32>,
      %parallel_loop3A_153 = arith.addf %parallel_loop3A_125, %parallel_loop3A_152 : vector<16xf32>
      %parallel_loop3A_154 = arith.constant 2 : i32
      %parallel_loop3A_155 = arith.index_cast %parallel_loop3A_154 : i32 to index
      %parallel_loop3A_156 = arith.index_cast %parallel_loop3A_73 : i32 to index
      %parallel_loop3A_157 = tpu.vector_load %arg20[%parallel_loop3A_155, %parallel_loop3A_156] {strides = array<i32>} : memref<64x512xi32, #tpu.memory_space<vmem>>, vector<16xi32>,
      %parallel_loop3A_158 = arith.addi %parallel_loop3A_118, %parallel_loop3A_157 : vector<16xi32>
      %parallel_loop3A_159 = tpu.vector_load_idx %arg19[%parallel_loop3A_158] : memref<1200xf32, #tpu.memory_space<vmem>>[vector<16xi32>], vector<16xf32>,
      %parallel_loop3A_160 = arith.addf %parallel_loop3A_132, %parallel_loop3A_159 : vector<16xf32>
      %parallel_loop3A_161 = arith.constant 2 : i32
      %parallel_loop3A_162 = arith.index_cast %parallel_loop3A_161 : i32 to index
      %parallel_loop3A_163 = arith.index_cast %parallel_loop3A_73 : i32 to index
      %parallel_loop3A_164 = tpu.vector_load %arg21[%parallel_loop3A_162, %parallel_loop3A_163] {strides = array<i32>} : memref<64x512xi32, #tpu.memory_space<vmem>>, vector<16xi32>,
      %parallel_loop3A_165 = arith.addi %parallel_loop3A_121, %parallel_loop3A_164 : vector<16xi32>
      %parallel_loop3A_166 = tpu.vector_load_idx %arg19[%parallel_loop3A_165] : memref<1200xf32, #tpu.memory_space<vmem>>[vector<16xi32>], vector<16xf32>,
      %parallel_loop3A_167 = arith.addf %parallel_loop3A_139, %parallel_loop3A_166 : vector<16xf32>
      %parallel_loop3A_168 = arith.constant 3 : i32
      %parallel_loop3A_169 = arith.index_cast %parallel_loop3A_168 : i32 to index
      %parallel_loop3A_170 = arith.index_cast %parallel_loop3A_73 : i32 to index
      %parallel_loop3A_171 = tpu.vector_load %arg20[%parallel_loop3A_169, %parallel_loop3A_170] {strides = array<i32>} : memref<64x512xi32, #tpu.memory_space<vmem>>, vector<16xi32>,
      %parallel_loop3A_172 = arith.addi %parallel_loop3A_118, %parallel_loop3A_171 : vector<16xi32>
      %parallel_loop3A_173 = tpu.vector_load_idx %arg19[%parallel_loop3A_172] : memref<1200xf32, #tpu.memory_space<vmem>>[vector<16xi32>], vector<16xf32>,
      %parallel_loop3A_174 = arith.addf %parallel_loop3A_146, %parallel_loop3A_173 : vector<16xf32>
      %parallel_loop3A_175 = arith.constant 3 : i32
      %parallel_loop3A_176 = arith.index_cast %parallel_loop3A_175 : i32 to index
      %parallel_loop3A_177 = arith.index_cast %parallel_loop3A_73 : i32 to index
      %parallel_loop3A_178 = tpu.vector_load %arg21[%parallel_loop3A_176, %parallel_loop3A_177] {strides = array<i32>} : memref<64x512xi32, #tpu.memory_space<vmem>>, vector<16xi32>,
      %parallel_loop3A_179 = arith.addi %parallel_loop3A_121, %parallel_loop3A_178 : vector<16xi32>
      %parallel_loop3A_180 = tpu.vector_load_idx %arg19[%parallel_loop3A_179] : memref<1200xf32, #tpu.memory_space<vmem>>[vector<16xi32>], vector<16xf32>,
      %parallel_loop3A_181 = arith.addf %parallel_loop3A_153, %parallel_loop3A_180 : vector<16xf32>
      %parallel_loop3A_182 = arith.constant 4 : i32
      %parallel_loop3A_183 = arith.index_cast %parallel_loop3A_182 : i32 to index
      %parallel_loop3A_184 = arith.index_cast %parallel_loop3A_73 : i32 to index
      %parallel_loop3A_185 = tpu.vector_load %arg20[%parallel_loop3A_183, %parallel_loop3A_184] {strides = array<i32>} : memref<64x512xi32, #tpu.memory_space<vmem>>, vector<16xi32>,
      %parallel_loop3A_186 = arith.addi %parallel_loop3A_118, %parallel_loop3A_185 : vector<16xi32>
      %parallel_loop3A_187 = tpu.vector_load_idx %arg19[%parallel_loop3A_186] : memref<1200xf32, #tpu.memory_space<vmem>>[vector<16xi32>], vector<16xf32>,
      %parallel_loop3A_188 = arith.addf %parallel_loop3A_160, %parallel_loop3A_187 : vector<16xf32>
      %parallel_loop3A_189 = arith.constant 4 : i32
      %parallel_loop3A_190 = arith.index_cast %parallel_loop3A_189 : i32 to index
      %parallel_loop3A_191 = arith.index_cast %parallel_loop3A_73 : i32 to index
      %parallel_loop3A_192 = tpu.vector_load %arg21[%parallel_loop3A_190, %parallel_loop3A_191] {strides = array<i32>} : memref<64x512xi32, #tpu.memory_space<vmem>>, vector<16xi32>,
      %parallel_loop3A_193 = arith.addi %parallel_loop3A_121, %parallel_loop3A_192 : vector<16xi32>
      %parallel_loop3A_194 = tpu.vector_load_idx %arg19[%parallel_loop3A_193] : memref<1200xf32, #tpu.memory_space<vmem>>[vector<16xi32>], vector<16xf32>,
      %parallel_loop3A_195 = arith.addf %parallel_loop3A_167, %parallel_loop3A_194 : vector<16xf32>
      %parallel_loop3A_196 = arith.constant 5 : i32
      %parallel_loop3A_197 = arith.index_cast %parallel_loop3A_196 : i32 to index
      %parallel_loop3A_198 = arith.index_cast %parallel_loop3A_73 : i32 to index
      %parallel_loop3A_199 = tpu.vector_load %arg20[%parallel_loop3A_197, %parallel_loop3A_198] {strides = array<i32>} : memref<64x512xi32, #tpu.memory_space<vmem>>, vector<16xi32>,
      %parallel_loop3A_200 = arith.addi %parallel_loop3A_118, %parallel_loop3A_199 : vector<16xi32>
      %parallel_loop3A_201 = tpu.vector_load_idx %arg19[%parallel_loop3A_200] : memref<1200xf32, #tpu.memory_space<vmem>>[vector<16xi32>], vector<16xf32>,
      %parallel_loop3A_202 = arith.addf %parallel_loop3A_174, %parallel_loop3A_201 : vector<16xf32>
      %parallel_loop3A_203 = arith.constant 5 : i32
      %parallel_loop3A_204 = arith.index_cast %parallel_loop3A_203 : i32 to index
      %parallel_loop3A_205 = arith.index_cast %parallel_loop3A_73 : i32 to index
      %parallel_loop3A_206 = tpu.vector_load %arg21[%parallel_loop3A_204, %parallel_loop3A_205] {strides = array<i32>} : memref<64x512xi32, #tpu.memory_space<vmem>>, vector<16xi32>,
      %parallel_loop3A_207 = arith.addi %parallel_loop3A_121, %parallel_loop3A_206 : vector<16xi32>
      %parallel_loop3A_208 = tpu.vector_load_idx %arg19[%parallel_loop3A_207] : memref<1200xf32, #tpu.memory_space<vmem>>[vector<16xi32>], vector<16xf32>,
      %parallel_loop3A_209 = arith.addf %parallel_loop3A_181, %parallel_loop3A_208 : vector<16xf32>
      %parallel_loop3A_210 = arith.constant 6 : i32
      %parallel_loop3A_211 = arith.index_cast %parallel_loop3A_210 : i32 to index
      %parallel_loop3A_212 = arith.index_cast %parallel_loop3A_73 : i32 to index
      %parallel_loop3A_213 = tpu.vector_load %arg20[%parallel_loop3A_211, %parallel_loop3A_212] {strides = array<i32>} : memref<64x512xi32, #tpu.memory_space<vmem>>, vector<16xi32>,
      %parallel_loop3A_214 = arith.addi %parallel_loop3A_118, %parallel_loop3A_213 : vector<16xi32>
      %parallel_loop3A_215 = tpu.vector_load_idx %arg19[%parallel_loop3A_214] : memref<1200xf32, #tpu.memory_space<vmem>>[vector<16xi32>], vector<16xf32>,
      %parallel_loop3A_216 = arith.addf %parallel_loop3A_188, %parallel_loop3A_215 : vector<16xf32>
      %parallel_loop3A_217 = arith.constant 6 : i32
      %parallel_loop3A_218 = arith.index_cast %parallel_loop3A_217 : i32 to index
      %parallel_loop3A_219 = arith.index_cast %parallel_loop3A_73 : i32 to index
      %parallel_loop3A_220 = tpu.vector_load %arg21[%parallel_loop3A_218, %parallel_loop3A_219] {strides = array<i32>} : memref<64x512xi32, #tpu.memory_space<vmem>>, vector<16xi32>,
      %parallel_loop3A_221 = arith.addi %parallel_loop3A_121, %parallel_loop3A_220 : vector<16xi32>
      %parallel_loop3A_222 = tpu.vector_load_idx %arg19[%parallel_loop3A_221] : memref<1200xf32, #tpu.memory_space<vmem>>[vector<16xi32>], vector<16xf32>,
      %parallel_loop3A_223 = arith.addf %parallel_loop3A_195, %parallel_loop3A_222 : vector<16xf32>
      %parallel_loop3A_224 = arith.constant 7 : i32
      %parallel_loop3A_225 = arith.index_cast %parallel_loop3A_224 : i32 to index
      %parallel_loop3A_226 = arith.index_cast %parallel_loop3A_73 : i32 to index
      %parallel_loop3A_227 = tpu.vector_load %arg20[%parallel_loop3A_225, %parallel_loop3A_226] {strides = array<i32>} : memref<64x512xi32, #tpu.memory_space<vmem>>, vector<16xi32>,
      %parallel_loop3A_228 = arith.addi %parallel_loop3A_118, %parallel_loop3A_227 : vector<16xi32>
      %parallel_loop3A_229 = tpu.vector_load_idx %arg19[%parallel_loop3A_228] : memref<1200xf32, #tpu.memory_space<vmem>>[vector<16xi32>], vector<16xf32>,
      %parallel_loop3A_230 = arith.addf %parallel_loop3A_202, %parallel_loop3A_229 : vector<16xf32>
      %parallel_loop3A_231 = arith.constant 7 : i32
      %parallel_loop3A_232 = arith.index_cast %parallel_loop3A_231 : i32 to index
      %parallel_loop3A_233 = arith.index_cast %parallel_loop3A_73 : i32 to index
      %parallel_loop3A_234 = tpu.vector_load %arg21[%parallel_loop3A_232, %parallel_loop3A_233] {strides = array<i32>} : memref<64x512xi32, #tpu.memory_space<vmem>>, vector<16xi32>,
      %parallel_loop3A_235 = arith.addi %parallel_loop3A_121, %parallel_loop3A_234 : vector<16xi32>
      %parallel_loop3A_236 = tpu.vector_load_idx %arg19[%parallel_loop3A_235] : memref<1200xf32, #tpu.memory_space<vmem>>[vector<16xi32>], vector<16xf32>,
      %parallel_loop3A_237 = arith.addf %parallel_loop3A_209, %parallel_loop3A_236 : vector<16xf32>
      %parallel_loop3A_238 = arith.constant 8 : i32
      %parallel_loop3A_239 = arith.index_cast %parallel_loop3A_238 : i32 to index
      %parallel_loop3A_240 = arith.index_cast %parallel_loop3A_73 : i32 to index
      %parallel_loop3A_241 = tpu.vector_load %arg20[%parallel_loop3A_239, %parallel_loop3A_240] {strides = array<i32>} : memref<64x512xi32, #tpu.memory_space<vmem>>, vector<16xi32>,
      %parallel_loop3A_242 = arith.addi %parallel_loop3A_118, %parallel_loop3A_241 : vector<16xi32>
      %parallel_loop3A_243 = tpu.vector_load_idx %arg19[%parallel_loop3A_242] : memref<1200xf32, #tpu.memory_space<vmem>>[vector<16xi32>], vector<16xf32>,
      %parallel_loop3A_244 = arith.addf %parallel_loop3A_216, %parallel_loop3A_243 : vector<16xf32>
      %parallel_loop3A_245 = arith.constant 8 : i32
      %parallel_loop3A_246 = arith.index_cast %parallel_loop3A_245 : i32 to index
      %parallel_loop3A_247 = arith.index_cast %parallel_loop3A_73 : i32 to index
      %parallel_loop3A_248 = tpu.vector_load %arg21[%parallel_loop3A_246, %parallel_loop3A_247] {strides = array<i32>} : memref<64x512xi32, #tpu.memory_space<vmem>>, vector<16xi32>,
      %parallel_loop3A_249 = arith.addi %parallel_loop3A_121, %parallel_loop3A_248 : vector<16xi32>
      %parallel_loop3A_250 = tpu.vector_load_idx %arg19[%parallel_loop3A_249] : memref<1200xf32, #tpu.memory_space<vmem>>[vector<16xi32>], vector<16xf32>,
      %parallel_loop3A_251 = arith.addf %parallel_loop3A_223, %parallel_loop3A_250 : vector<16xf32>
      %parallel_loop3A_252 = arith.constant 9 : i32
      %parallel_loop3A_253 = arith.index_cast %parallel_loop3A_252 : i32 to index
      %parallel_loop3A_254 = arith.index_cast %parallel_loop3A_73 : i32 to index
      %parallel_loop3A_255 = tpu.vector_load %arg20[%parallel_loop3A_253, %parallel_loop3A_254] {strides = array<i32>} : memref<64x512xi32, #tpu.memory_space<vmem>>, vector<16xi32>,
      %parallel_loop3A_256 = arith.addi %parallel_loop3A_118, %parallel_loop3A_255 : vector<16xi32>
      %parallel_loop3A_257 = tpu.vector_load_idx %arg19[%parallel_loop3A_256] : memref<1200xf32, #tpu.memory_space<vmem>>[vector<16xi32>], vector<16xf32>,
      %parallel_loop3A_258 = arith.addf %parallel_loop3A_230, %parallel_loop3A_257 : vector<16xf32>
      %parallel_loop3A_259 = arith.constant 9 : i32
      %parallel_loop3A_260 = arith.index_cast %parallel_loop3A_259 : i32 to index
      %parallel_loop3A_261 = arith.index_cast %parallel_loop3A_73 : i32 to index
      %parallel_loop3A_262 = tpu.vector_load %arg21[%parallel_loop3A_260, %parallel_loop3A_261] {strides = array<i32>} : memref<64x512xi32, #tpu.memory_space<vmem>>, vector<16xi32>,
      %parallel_loop3A_263 = arith.addi %parallel_loop3A_121, %parallel_loop3A_262 : vector<16xi32>
      %parallel_loop3A_264 = tpu.vector_load_idx %arg19[%parallel_loop3A_263] : memref<1200xf32, #tpu.memory_space<vmem>>[vector<16xi32>], vector<16xf32>,
      %parallel_loop3A_265 = arith.addf %parallel_loop3A_237, %parallel_loop3A_264 : vector<16xf32>
      %parallel_loop3A_266 = arith.constant 10 : i32
      %parallel_loop3A_267 = arith.index_cast %parallel_loop3A_266 : i32 to index
      %parallel_loop3A_268 = arith.index_cast %parallel_loop3A_73 : i32 to index
      %parallel_loop3A_269 = tpu.vector_load %arg20[%parallel_loop3A_267, %parallel_loop3A_268] {strides = array<i32>} : memref<64x512xi32, #tpu.memory_space<vmem>>, vector<16xi32>,
      %parallel_loop3A_270 = arith.addi %parallel_loop3A_118, %parallel_loop3A_269 : vector<16xi32>
      %parallel_loop3A_271 = tpu.vector_load_idx %arg19[%parallel_loop3A_270] : memref<1200xf32, #tpu.memory_space<vmem>>[vector<16xi32>], vector<16xf32>,
      %parallel_loop3A_272 = arith.addf %parallel_loop3A_244, %parallel_loop3A_271 : vector<16xf32>
      %parallel_loop3A_273 = arith.constant 10 : i32
      %parallel_loop3A_274 = arith.index_cast %parallel_loop3A_273 : i32 to index
      %parallel_loop3A_275 = arith.index_cast %parallel_loop3A_73 : i32 to index
      %parallel_loop3A_276 = tpu.vector_load %arg21[%parallel_loop3A_274, %parallel_loop3A_275] {strides = array<i32>} : memref<64x512xi32, #tpu.memory_space<vmem>>, vector<16xi32>,
      %parallel_loop3A_277 = arith.addi %parallel_loop3A_121, %parallel_loop3A_276 : vector<16xi32>
      %parallel_loop3A_278 = tpu.vector_load_idx %arg19[%parallel_loop3A_277] : memref<1200xf32, #tpu.memory_space<vmem>>[vector<16xi32>], vector<16xf32>,
      %parallel_loop3A_279 = arith.addf %parallel_loop3A_251, %parallel_loop3A_278 : vector<16xf32>
      %parallel_loop3A_280 = arith.constant 11 : i32
      %parallel_loop3A_281 = arith.index_cast %parallel_loop3A_280 : i32 to index
      %parallel_loop3A_282 = arith.index_cast %parallel_loop3A_73 : i32 to index
      %parallel_loop3A_283 = tpu.vector_load %arg20[%parallel_loop3A_281, %parallel_loop3A_282] {strides = array<i32>} : memref<64x512xi32, #tpu.memory_space<vmem>>, vector<16xi32>,
      %parallel_loop3A_284 = arith.addi %parallel_loop3A_118, %parallel_loop3A_283 : vector<16xi32>
      %parallel_loop3A_285 = tpu.vector_load_idx %arg19[%parallel_loop3A_284] : memref<1200xf32, #tpu.memory_space<vmem>>[vector<16xi32>], vector<16xf32>,
      %parallel_loop3A_286 = arith.addf %parallel_loop3A_258, %parallel_loop3A_285 : vector<16xf32>
      %parallel_loop3A_287 = arith.constant 11 : i32
      %parallel_loop3A_288 = arith.index_cast %parallel_loop3A_287 : i32 to index
      %parallel_loop3A_289 = arith.index_cast %parallel_loop3A_73 : i32 to index
      %parallel_loop3A_290 = tpu.vector_load %arg21[%parallel_loop3A_288, %parallel_loop3A_289] {strides = array<i32>} : memref<64x512xi32, #tpu.memory_space<vmem>>, vector<16xi32>,
      %parallel_loop3A_291 = arith.addi %parallel_loop3A_121, %parallel_loop3A_290 : vector<16xi32>
      %parallel_loop3A_292 = tpu.vector_load_idx %arg19[%parallel_loop3A_291] : memref<1200xf32, #tpu.memory_space<vmem>>[vector<16xi32>], vector<16xf32>,
      %parallel_loop3A_293 = arith.addf %parallel_loop3A_265, %parallel_loop3A_292 : vector<16xf32>
      %parallel_loop3A_294 = arith.constant 12 : i32
      %parallel_loop3A_295 = arith.index_cast %parallel_loop3A_294 : i32 to index
      %parallel_loop3A_296 = arith.index_cast %parallel_loop3A_73 : i32 to index
      %parallel_loop3A_297 = tpu.vector_load %arg20[%parallel_loop3A_295, %parallel_loop3A_296] {strides = array<i32>} : memref<64x512xi32, #tpu.memory_space<vmem>>, vector<16xi32>,
      %parallel_loop3A_298 = arith.addi %parallel_loop3A_118, %parallel_loop3A_297 : vector<16xi32>
      %parallel_loop3A_299 = tpu.vector_load_idx %arg19[%parallel_loop3A_298] : memref<1200xf32, #tpu.memory_space<vmem>>[vector<16xi32>], vector<16xf32>,
      %parallel_loop3A_300 = arith.addf %parallel_loop3A_272, %parallel_loop3A_299 : vector<16xf32>
      %parallel_loop3A_301 = arith.constant 12 : i32
      %parallel_loop3A_302 = arith.index_cast %parallel_loop3A_301 : i32 to index
      %parallel_loop3A_303 = arith.index_cast %parallel_loop3A_73 : i32 to index
      %parallel_loop3A_304 = tpu.vector_load %arg21[%parallel_loop3A_302, %parallel_loop3A_303] {strides = array<i32>} : memref<64x512xi32, #tpu.memory_space<vmem>>, vector<16xi32>,
      %parallel_loop3A_305 = arith.addi %parallel_loop3A_121, %parallel_loop3A_304 : vector<16xi32>
      %parallel_loop3A_306 = tpu.vector_load_idx %arg19[%parallel_loop3A_305] : memref<1200xf32, #tpu.memory_space<vmem>>[vector<16xi32>], vector<16xf32>,
      %parallel_loop3A_307 = arith.addf %parallel_loop3A_279, %parallel_loop3A_306 : vector<16xf32>
      %parallel_loop3A_308 = arith.constant 13 : i32
      %parallel_loop3A_309 = arith.index_cast %parallel_loop3A_308 : i32 to index
      %parallel_loop3A_310 = arith.index_cast %parallel_loop3A_73 : i32 to index
      %parallel_loop3A_311 = tpu.vector_load %arg20[%parallel_loop3A_309, %parallel_loop3A_310] {strides = array<i32>} : memref<64x512xi32, #tpu.memory_space<vmem>>, vector<16xi32>,
      %parallel_loop3A_312 = arith.addi %parallel_loop3A_118, %parallel_loop3A_311 : vector<16xi32>
      %parallel_loop3A_313 = tpu.vector_load_idx %arg19[%parallel_loop3A_312] : memref<1200xf32, #tpu.memory_space<vmem>>[vector<16xi32>], vector<16xf32>,
      %parallel_loop3A_314 = arith.addf %parallel_loop3A_286, %parallel_loop3A_313 : vector<16xf32>
      %parallel_loop3A_315 = arith.constant 13 : i32
      %parallel_loop3A_316 = arith.index_cast %parallel_loop3A_315 : i32 to index
      %parallel_loop3A_317 = arith.index_cast %parallel_loop3A_73 : i32 to index
      %parallel_loop3A_318 = tpu.vector_load %arg21[%parallel_loop3A_316, %parallel_loop3A_317] {strides = array<i32>} : memref<64x512xi32, #tpu.memory_space<vmem>>, vector<16xi32>,
      %parallel_loop3A_319 = arith.addi %parallel_loop3A_121, %parallel_loop3A_318 : vector<16xi32>
      %parallel_loop3A_320 = tpu.vector_load_idx %arg19[%parallel_loop3A_319] : memref<1200xf32, #tpu.memory_space<vmem>>[vector<16xi32>], vector<16xf32>,
      %parallel_loop3A_321 = arith.addf %parallel_loop3A_293, %parallel_loop3A_320 : vector<16xf32>
      %parallel_loop3A_322 = arith.constant 14 : i32
      %parallel_loop3A_323 = arith.index_cast %parallel_loop3A_322 : i32 to index
      %parallel_loop3A_324 = arith.index_cast %parallel_loop3A_73 : i32 to index
      %parallel_loop3A_325 = tpu.vector_load %arg20[%parallel_loop3A_323, %parallel_loop3A_324] {strides = array<i32>} : memref<64x512xi32, #tpu.memory_space<vmem>>, vector<16xi32>,
      %parallel_loop3A_326 = arith.addi %parallel_loop3A_118, %parallel_loop3A_325 : vector<16xi32>
      %parallel_loop3A_327 = tpu.vector_load_idx %arg19[%parallel_loop3A_326] : memref<1200xf32, #tpu.memory_space<vmem>>[vector<16xi32>], vector<16xf32>,
      %parallel_loop3A_328 = arith.addf %parallel_loop3A_300, %parallel_loop3A_327 : vector<16xf32>
      %parallel_loop3A_329 = arith.constant 14 : i32
      %parallel_loop3A_330 = arith.index_cast %parallel_loop3A_329 : i32 to index
      %parallel_loop3A_331 = arith.index_cast %parallel_loop3A_73 : i32 to index
      %parallel_loop3A_332 = tpu.vector_load %arg21[%parallel_loop3A_330, %parallel_loop3A_331] {strides = array<i32>} : memref<64x512xi32, #tpu.memory_space<vmem>>, vector<16xi32>,
      %parallel_loop3A_333 = arith.addi %parallel_loop3A_121, %parallel_loop3A_332 : vector<16xi32>
      %parallel_loop3A_334 = tpu.vector_load_idx %arg19[%parallel_loop3A_333] : memref<1200xf32, #tpu.memory_space<vmem>>[vector<16xi32>], vector<16xf32>,
      %parallel_loop3A_335 = arith.addf %parallel_loop3A_307, %parallel_loop3A_334 : vector<16xf32>
      %parallel_loop3A_336 = arith.constant 15 : i32
      %parallel_loop3A_337 = arith.index_cast %parallel_loop3A_336 : i32 to index
      %parallel_loop3A_338 = arith.index_cast %parallel_loop3A_73 : i32 to index
      %parallel_loop3A_339 = tpu.vector_load %arg20[%parallel_loop3A_337, %parallel_loop3A_338] {strides = array<i32>} : memref<64x512xi32, #tpu.memory_space<vmem>>, vector<16xi32>,
      %parallel_loop3A_340 = arith.addi %parallel_loop3A_118, %parallel_loop3A_339 : vector<16xi32>
      %parallel_loop3A_341 = tpu.vector_load_idx %arg19[%parallel_loop3A_340] : memref<1200xf32, #tpu.memory_space<vmem>>[vector<16xi32>], vector<16xf32>,
      %parallel_loop3A_342 = arith.addf %parallel_loop3A_314, %parallel_loop3A_341 : vector<16xf32>
      %parallel_loop3A_343 = arith.constant 15 : i32
      %parallel_loop3A_344 = arith.index_cast %parallel_loop3A_343 : i32 to index
      %parallel_loop3A_345 = arith.index_cast %parallel_loop3A_73 : i32 to index
      %parallel_loop3A_346 = tpu.vector_load %arg21[%parallel_loop3A_344, %parallel_loop3A_345] {strides = array<i32>} : memref<64x512xi32, #tpu.memory_space<vmem>>, vector<16xi32>,
      %parallel_loop3A_347 = arith.addi %parallel_loop3A_121, %parallel_loop3A_346 : vector<16xi32>
      %parallel_loop3A_348 = tpu.vector_load_idx %arg19[%parallel_loop3A_347] : memref<1200xf32, #tpu.memory_space<vmem>>[vector<16xi32>], vector<16xf32>,
      %parallel_loop3A_349 = arith.addf %parallel_loop3A_321, %parallel_loop3A_348 : vector<16xf32>
      %parallel_loop3A_350 = arith.constant 16 : i32
      %parallel_loop3A_351 = arith.index_cast %parallel_loop3A_350 : i32 to index
      %parallel_loop3A_352 = arith.index_cast %parallel_loop3A_73 : i32 to index
      %parallel_loop3A_353 = tpu.vector_load %arg20[%parallel_loop3A_351, %parallel_loop3A_352] {strides = array<i32>} : memref<64x512xi32, #tpu.memory_space<vmem>>, vector<16xi32>,
      %parallel_loop3A_354 = arith.addi %parallel_loop3A_118, %parallel_loop3A_353 : vector<16xi32>
      %parallel_loop3A_355 = tpu.vector_load_idx %arg19[%parallel_loop3A_354] : memref<1200xf32, #tpu.memory_space<vmem>>[vector<16xi32>], vector<16xf32>,
      %parallel_loop3A_356 = arith.addf %parallel_loop3A_328, %parallel_loop3A_355 : vector<16xf32>
      %parallel_loop3A_357 = arith.constant 16 : i32
      %parallel_loop3A_358 = arith.index_cast %parallel_loop3A_357 : i32 to index
      %parallel_loop3A_359 = arith.index_cast %parallel_loop3A_73 : i32 to index
      %parallel_loop3A_360 = tpu.vector_load %arg21[%parallel_loop3A_358, %parallel_loop3A_359] {strides = array<i32>} : memref<64x512xi32, #tpu.memory_space<vmem>>, vector<16xi32>,
      %parallel_loop3A_361 = arith.addi %parallel_loop3A_121, %parallel_loop3A_360 : vector<16xi32>
      %parallel_loop3A_362 = tpu.vector_load_idx %arg19[%parallel_loop3A_361] : memref<1200xf32, #tpu.memory_space<vmem>>[vector<16xi32>], vector<16xf32>,
      %parallel_loop3A_363 = arith.addf %parallel_loop3A_335, %parallel_loop3A_362 : vector<16xf32>
      %parallel_loop3A_364 = arith.constant 17 : i32
      %parallel_loop3A_365 = arith.index_cast %parallel_loop3A_364 : i32 to index
      %parallel_loop3A_366 = arith.index_cast %parallel_loop3A_73 : i32 to index
      %parallel_loop3A_367 = tpu.vector_load %arg20[%parallel_loop3A_365, %parallel_loop3A_366] {strides = array<i32>} : memref<64x512xi32, #tpu.memory_space<vmem>>, vector<16xi32>,
      %parallel_loop3A_368 = arith.addi %parallel_loop3A_118, %parallel_loop3A_367 : vector<16xi32>
      %parallel_loop3A_369 = tpu.vector_load_idx %arg19[%parallel_loop3A_368] : memref<1200xf32, #tpu.memory_space<vmem>>[vector<16xi32>], vector<16xf32>,
      %parallel_loop3A_370 = arith.addf %parallel_loop3A_342, %parallel_loop3A_369 : vector<16xf32>
      %parallel_loop3A_371 = arith.constant 17 : i32
      %parallel_loop3A_372 = arith.index_cast %parallel_loop3A_371 : i32 to index
      %parallel_loop3A_373 = arith.index_cast %parallel_loop3A_73 : i32 to index
      %parallel_loop3A_374 = tpu.vector_load %arg21[%parallel_loop3A_372, %parallel_loop3A_373] {strides = array<i32>} : memref<64x512xi32, #tpu.memory_space<vmem>>, vector<16xi32>,
      %parallel_loop3A_375 = arith.addi %parallel_loop3A_121, %parallel_loop3A_374 : vector<16xi32>
      %parallel_loop3A_376 = tpu.vector_load_idx %arg19[%parallel_loop3A_375] : memref<1200xf32, #tpu.memory_space<vmem>>[vector<16xi32>], vector<16xf32>,
      %parallel_loop3A_377 = arith.addf %parallel_loop3A_349, %parallel_loop3A_376 : vector<16xf32>
      %parallel_loop3A_378 = arith.constant 18 : i32
      %parallel_loop3A_379 = arith.index_cast %parallel_loop3A_378 : i32 to index
      %parallel_loop3A_380 = arith.index_cast %parallel_loop3A_73 : i32 to index
      %parallel_loop3A_381 = tpu.vector_load %arg20[%parallel_loop3A_379, %parallel_loop3A_380] {strides = array<i32>} : memref<64x512xi32, #tpu.memory_space<vmem>>, vector<16xi32>,
      %parallel_loop3A_382 = arith.addi %parallel_loop3A_118, %parallel_loop3A_381 : vector<16xi32>
      %parallel_loop3A_383 = tpu.vector_load_idx %arg19[%parallel_loop3A_382] : memref<1200xf32, #tpu.memory_space<vmem>>[vector<16xi32>], vector<16xf32>,
      %parallel_loop3A_384 = arith.addf %parallel_loop3A_356, %parallel_loop3A_383 : vector<16xf32>
      %parallel_loop3A_385 = arith.constant 18 : i32
      %parallel_loop3A_386 = arith.index_cast %parallel_loop3A_385 : i32 to index
      %parallel_loop3A_387 = arith.index_cast %parallel_loop3A_73 : i32 to index
      %parallel_loop3A_388 = tpu.vector_load %arg21[%parallel_loop3A_386, %parallel_loop3A_387] {strides = array<i32>} : memref<64x512xi32, #tpu.memory_space<vmem>>, vector<16xi32>,
      %parallel_loop3A_389 = arith.addi %parallel_loop3A_121, %parallel_loop3A_388 : vector<16xi32>
      %parallel_loop3A_390 = tpu.vector_load_idx %arg19[%parallel_loop3A_389] : memref<1200xf32, #tpu.memory_space<vmem>>[vector<16xi32>], vector<16xf32>,
      %parallel_loop3A_391 = arith.addf %parallel_loop3A_363, %parallel_loop3A_390 : vector<16xf32>
      %parallel_loop3A_392 = arith.constant 19 : i32
      %parallel_loop3A_393 = arith.index_cast %parallel_loop3A_392 : i32 to index
      %parallel_loop3A_394 = arith.index_cast %parallel_loop3A_73 : i32 to index
      %parallel_loop3A_395 = tpu.vector_load %arg20[%parallel_loop3A_393, %parallel_loop3A_394] {strides = array<i32>} : memref<64x512xi32, #tpu.memory_space<vmem>>, vector<16xi32>,
      %parallel_loop3A_396 = arith.addi %parallel_loop3A_118, %parallel_loop3A_395 : vector<16xi32>
      %parallel_loop3A_397 = tpu.vector_load_idx %arg19[%parallel_loop3A_396] : memref<1200xf32, #tpu.memory_space<vmem>>[vector<16xi32>], vector<16xf32>,
      %parallel_loop3A_398 = arith.addf %parallel_loop3A_370, %parallel_loop3A_397 : vector<16xf32>
      %parallel_loop3A_399 = arith.constant 19 : i32
      %parallel_loop3A_400 = arith.index_cast %parallel_loop3A_399 : i32 to index
      %parallel_loop3A_401 = arith.index_cast %parallel_loop3A_73 : i32 to index
      %parallel_loop3A_402 = tpu.vector_load %arg21[%parallel_loop3A_400, %parallel_loop3A_401] {strides = array<i32>} : memref<64x512xi32, #tpu.memory_space<vmem>>, vector<16xi32>,
      %parallel_loop3A_403 = arith.addi %parallel_loop3A_121, %parallel_loop3A_402 : vector<16xi32>
      %parallel_loop3A_404 = tpu.vector_load_idx %arg19[%parallel_loop3A_403] : memref<1200xf32, #tpu.memory_space<vmem>>[vector<16xi32>], vector<16xf32>,
      %parallel_loop3A_405 = arith.addf %parallel_loop3A_377, %parallel_loop3A_404 : vector<16xf32>
      %parallel_loop3A_406 = arith.constant 20 : i32
      %parallel_loop3A_407 = arith.index_cast %parallel_loop3A_406 : i32 to index
      %parallel_loop3A_408 = arith.index_cast %parallel_loop3A_73 : i32 to index
      %parallel_loop3A_409 = tpu.vector_load %arg20[%parallel_loop3A_407, %parallel_loop3A_408] {strides = array<i32>} : memref<64x512xi32, #tpu.memory_space<vmem>>, vector<16xi32>,
      %parallel_loop3A_410 = arith.addi %parallel_loop3A_118, %parallel_loop3A_409 : vector<16xi32>
      %parallel_loop3A_411 = tpu.vector_load_idx %arg19[%parallel_loop3A_410] : memref<1200xf32, #tpu.memory_space<vmem>>[vector<16xi32>], vector<16xf32>,
      %parallel_loop3A_412 = arith.addf %parallel_loop3A_384, %parallel_loop3A_411 : vector<16xf32>
      %parallel_loop3A_413 = arith.constant 20 : i32
      %parallel_loop3A_414 = arith.index_cast %parallel_loop3A_413 : i32 to index
      %parallel_loop3A_415 = arith.index_cast %parallel_loop3A_73 : i32 to index
      %parallel_loop3A_416 = tpu.vector_load %arg21[%parallel_loop3A_414, %parallel_loop3A_415] {strides = array<i32>} : memref<64x512xi32, #tpu.memory_space<vmem>>, vector<16xi32>,
      %parallel_loop3A_417 = arith.addi %parallel_loop3A_121, %parallel_loop3A_416 : vector<16xi32>
      %parallel_loop3A_418 = tpu.vector_load_idx %arg19[%parallel_loop3A_417] : memref<1200xf32, #tpu.memory_space<vmem>>[vector<16xi32>], vector<16xf32>,
      %parallel_loop3A_419 = arith.addf %parallel_loop3A_391, %parallel_loop3A_418 : vector<16xf32>
      %parallel_loop3A_420 = arith.constant 21 : i32
      %parallel_loop3A_421 = arith.index_cast %parallel_loop3A_420 : i32 to index
      %parallel_loop3A_422 = arith.index_cast %parallel_loop3A_73 : i32 to index
      %parallel_loop3A_423 = tpu.vector_load %arg20[%parallel_loop3A_421, %parallel_loop3A_422] {strides = array<i32>} : memref<64x512xi32, #tpu.memory_space<vmem>>, vector<16xi32>,
      %parallel_loop3A_424 = arith.addi %parallel_loop3A_118, %parallel_loop3A_423 : vector<16xi32>
      %parallel_loop3A_425 = tpu.vector_load_idx %arg19[%parallel_loop3A_424] : memref<1200xf32, #tpu.memory_space<vmem>>[vector<16xi32>], vector<16xf32>,
      %parallel_loop3A_426 = arith.addf %parallel_loop3A_398, %parallel_loop3A_425 : vector<16xf32>
      %parallel_loop3A_427 = arith.constant 21 : i32
      %parallel_loop3A_428 = arith.index_cast %parallel_loop3A_427 : i32 to index
      %parallel_loop3A_429 = arith.index_cast %parallel_loop3A_73 : i32 to index
      %parallel_loop3A_430 = tpu.vector_load %arg21[%parallel_loop3A_428, %parallel_loop3A_429] {strides = array<i32>} : memref<64x512xi32, #tpu.memory_space<vmem>>, vector<16xi32>,
      %parallel_loop3A_431 = arith.addi %parallel_loop3A_121, %parallel_loop3A_430 : vector<16xi32>
      %parallel_loop3A_432 = tpu.vector_load_idx %arg19[%parallel_loop3A_431] : memref<1200xf32, #tpu.memory_space<vmem>>[vector<16xi32>], vector<16xf32>,
      %parallel_loop3A_433 = arith.addf %parallel_loop3A_405, %parallel_loop3A_432 : vector<16xf32>
      %parallel_loop3A_434 = arith.constant 22 : i32
      %parallel_loop3A_435 = arith.index_cast %parallel_loop3A_434 : i32 to index
      %parallel_loop3A_436 = arith.index_cast %parallel_loop3A_73 : i32 to index
      %parallel_loop3A_437 = tpu.vector_load %arg20[%parallel_loop3A_435, %parallel_loop3A_436] {strides = array<i32>} : memref<64x512xi32, #tpu.memory_space<vmem>>, vector<16xi32>,
      %parallel_loop3A_438 = arith.addi %parallel_loop3A_118, %parallel_loop3A_437 : vector<16xi32>
      %parallel_loop3A_439 = tpu.vector_load_idx %arg19[%parallel_loop3A_438] : memref<1200xf32, #tpu.memory_space<vmem>>[vector<16xi32>], vector<16xf32>,
      %parallel_loop3A_440 = arith.addf %parallel_loop3A_412, %parallel_loop3A_439 : vector<16xf32>
      %parallel_loop3A_441 = arith.constant 22 : i32
      %parallel_loop3A_442 = arith.index_cast %parallel_loop3A_441 : i32 to index
      %parallel_loop3A_443 = arith.index_cast %parallel_loop3A_73 : i32 to index
      %parallel_loop3A_444 = tpu.vector_load %arg21[%parallel_loop3A_442, %parallel_loop3A_443] {strides = array<i32>} : memref<64x512xi32, #tpu.memory_space<vmem>>, vector<16xi32>,
      %parallel_loop3A_445 = arith.addi %parallel_loop3A_121, %parallel_loop3A_444 : vector<16xi32>
      %parallel_loop3A_446 = tpu.vector_load_idx %arg19[%parallel_loop3A_445] : memref<1200xf32, #tpu.memory_space<vmem>>[vector<16xi32>], vector<16xf32>,
      %parallel_loop3A_447 = arith.addf %parallel_loop3A_419, %parallel_loop3A_446 : vector<16xf32>
      %parallel_loop3A_448 = arith.constant 23 : i32
      %parallel_loop3A_449 = arith.index_cast %parallel_loop3A_448 : i32 to index
      %parallel_loop3A_450 = arith.index_cast %parallel_loop3A_73 : i32 to index
      %parallel_loop3A_451 = tpu.vector_load %arg20[%parallel_loop3A_449, %parallel_loop3A_450] {strides = array<i32>} : memref<64x512xi32, #tpu.memory_space<vmem>>, vector<16xi32>,
      %parallel_loop3A_452 = arith.addi %parallel_loop3A_118, %parallel_loop3A_451 : vector<16xi32>
      %parallel_loop3A_453 = tpu.vector_load_idx %arg19[%parallel_loop3A_452] : memref<1200xf32, #tpu.memory_space<vmem>>[vector<16xi32>], vector<16xf32>,
      %parallel_loop3A_454 = arith.addf %parallel_loop3A_426, %parallel_loop3A_453 : vector<16xf32>
      %parallel_loop3A_455 = arith.constant 23 : i32
      %parallel_loop3A_456 = arith.index_cast %parallel_loop3A_455 : i32 to index
      %parallel_loop3A_457 = arith.index_cast %parallel_loop3A_73 : i32 to index
      %parallel_loop3A_458 = tpu.vector_load %arg21[%parallel_loop3A_456, %parallel_loop3A_457] {strides = array<i32>} : memref<64x512xi32, #tpu.memory_space<vmem>>, vector<16xi32>,
      %parallel_loop3A_459 = arith.addi %parallel_loop3A_121, %parallel_loop3A_458 : vector<16xi32>
      %parallel_loop3A_460 = tpu.vector_load_idx %arg19[%parallel_loop3A_459] : memref<1200xf32, #tpu.memory_space<vmem>>[vector<16xi32>], vector<16xf32>,
      %parallel_loop3A_461 = arith.addf %parallel_loop3A_433, %parallel_loop3A_460 : vector<16xf32>
      %parallel_loop3A_462 = arith.constant 24 : i32
      %parallel_loop3A_463 = arith.index_cast %parallel_loop3A_462 : i32 to index
      %parallel_loop3A_464 = arith.index_cast %parallel_loop3A_73 : i32 to index
      %parallel_loop3A_465 = tpu.vector_load %arg20[%parallel_loop3A_463, %parallel_loop3A_464] {strides = array<i32>} : memref<64x512xi32, #tpu.memory_space<vmem>>, vector<16xi32>,
      %parallel_loop3A_466 = arith.addi %parallel_loop3A_118, %parallel_loop3A_465 : vector<16xi32>
      %parallel_loop3A_467 = tpu.vector_load_idx %arg19[%parallel_loop3A_466] : memref<1200xf32, #tpu.memory_space<vmem>>[vector<16xi32>], vector<16xf32>,
      %parallel_loop3A_468 = arith.addf %parallel_loop3A_440, %parallel_loop3A_467 : vector<16xf32>
      %parallel_loop3A_469 = arith.constant 24 : i32
      %parallel_loop3A_470 = arith.index_cast %parallel_loop3A_469 : i32 to index
      %parallel_loop3A_471 = arith.index_cast %parallel_loop3A_73 : i32 to index
      %parallel_loop3A_472 = tpu.vector_load %arg21[%parallel_loop3A_470, %parallel_loop3A_471] {strides = array<i32>} : memref<64x512xi32, #tpu.memory_space<vmem>>, vector<16xi32>,
      %parallel_loop3A_473 = arith.addi %parallel_loop3A_121, %parallel_loop3A_472 : vector<16xi32>
      %parallel_loop3A_474 = tpu.vector_load_idx %arg19[%parallel_loop3A_473] : memref<1200xf32, #tpu.memory_space<vmem>>[vector<16xi32>], vector<16xf32>,
      %parallel_loop3A_475 = arith.addf %parallel_loop3A_447, %parallel_loop3A_474 : vector<16xf32>
      %parallel_loop3A_476 = arith.constant 25 : i32
      %parallel_loop3A_477 = arith.index_cast %parallel_loop3A_476 : i32 to index
      %parallel_loop3A_478 = arith.index_cast %parallel_loop3A_73 : i32 to index
      %parallel_loop3A_479 = tpu.vector_load %arg20[%parallel_loop3A_477, %parallel_loop3A_478] {strides = array<i32>} : memref<64x512xi32, #tpu.memory_space<vmem>>, vector<16xi32>,
      %parallel_loop3A_480 = arith.addi %parallel_loop3A_118, %parallel_loop3A_479 : vector<16xi32>
      %parallel_loop3A_481 = tpu.vector_load_idx %arg19[%parallel_loop3A_480] : memref<1200xf32, #tpu.memory_space<vmem>>[vector<16xi32>], vector<16xf32>,
      %parallel_loop3A_482 = arith.addf %parallel_loop3A_454, %parallel_loop3A_481 : vector<16xf32>
      %parallel_loop3A_483 = arith.constant 25 : i32
      %parallel_loop3A_484 = arith.index_cast %parallel_loop3A_483 : i32 to index
      %parallel_loop3A_485 = arith.index_cast %parallel_loop3A_73 : i32 to index
      %parallel_loop3A_486 = tpu.vector_load %arg21[%parallel_loop3A_484, %parallel_loop3A_485] {strides = array<i32>} : memref<64x512xi32, #tpu.memory_space<vmem>>, vector<16xi32>,
      %parallel_loop3A_487 = arith.addi %parallel_loop3A_121, %parallel_loop3A_486 : vector<16xi32>
      %parallel_loop3A_488 = tpu.vector_load_idx %arg19[%parallel_loop3A_487] : memref<1200xf32, #tpu.memory_space<vmem>>[vector<16xi32>], vector<16xf32>,
      %parallel_loop3A_489 = arith.addf %parallel_loop3A_461, %parallel_loop3A_488 : vector<16xf32>
      %parallel_loop3A_490 = arith.constant 26 : i32
      %parallel_loop3A_491 = arith.index_cast %parallel_loop3A_490 : i32 to index
      %parallel_loop3A_492 = arith.index_cast %parallel_loop3A_73 : i32 to index
      %parallel_loop3A_493 = tpu.vector_load %arg20[%parallel_loop3A_491, %parallel_loop3A_492] {strides = array<i32>} : memref<64x512xi32, #tpu.memory_space<vmem>>, vector<16xi32>,
      %parallel_loop3A_494 = arith.addi %parallel_loop3A_118, %parallel_loop3A_493 : vector<16xi32>
      %parallel_loop3A_495 = tpu.vector_load_idx %arg19[%parallel_loop3A_494] : memref<1200xf32, #tpu.memory_space<vmem>>[vector<16xi32>], vector<16xf32>,
      %parallel_loop3A_496 = arith.addf %parallel_loop3A_468, %parallel_loop3A_495 : vector<16xf32>
      %parallel_loop3A_497 = arith.constant 26 : i32
      %parallel_loop3A_498 = arith.index_cast %parallel_loop3A_497 : i32 to index
      %parallel_loop3A_499 = arith.index_cast %parallel_loop3A_73 : i32 to index
      %parallel_loop3A_500 = tpu.vector_load %arg21[%parallel_loop3A_498, %parallel_loop3A_499] {strides = array<i32>} : memref<64x512xi32, #tpu.memory_space<vmem>>, vector<16xi32>,
      %parallel_loop3A_501 = arith.addi %parallel_loop3A_121, %parallel_loop3A_500 : vector<16xi32>
      %parallel_loop3A_502 = tpu.vector_load_idx %arg19[%parallel_loop3A_501] : memref<1200xf32, #tpu.memory_space<vmem>>[vector<16xi32>], vector<16xf32>,
      %parallel_loop3A_503 = arith.addf %parallel_loop3A_475, %parallel_loop3A_502 : vector<16xf32>
      %parallel_loop3A_504 = arith.constant 27 : i32
      %parallel_loop3A_505 = arith.index_cast %parallel_loop3A_504 : i32 to index
      %parallel_loop3A_506 = arith.index_cast %parallel_loop3A_73 : i32 to index
      %parallel_loop3A_507 = tpu.vector_load %arg20[%parallel_loop3A_505, %parallel_loop3A_506] {strides = array<i32>} : memref<64x512xi32, #tpu.memory_space<vmem>>, vector<16xi32>,
      %parallel_loop3A_508 = arith.addi %parallel_loop3A_118, %parallel_loop3A_507 : vector<16xi32>
      %parallel_loop3A_509 = tpu.vector_load_idx %arg19[%parallel_loop3A_508] : memref<1200xf32, #tpu.memory_space<vmem>>[vector<16xi32>], vector<16xf32>,
      %parallel_loop3A_510 = arith.addf %parallel_loop3A_482, %parallel_loop3A_509 : vector<16xf32>
      %parallel_loop3A_511 = arith.constant 27 : i32
      %parallel_loop3A_512 = arith.index_cast %parallel_loop3A_511 : i32 to index
      %parallel_loop3A_513 = arith.index_cast %parallel_loop3A_73 : i32 to index
      %parallel_loop3A_514 = tpu.vector_load %arg21[%parallel_loop3A_512, %parallel_loop3A_513] {strides = array<i32>} : memref<64x512xi32, #tpu.memory_space<vmem>>, vector<16xi32>,
      %parallel_loop3A_515 = arith.addi %parallel_loop3A_121, %parallel_loop3A_514 : vector<16xi32>
      %parallel_loop3A_516 = tpu.vector_load_idx %arg19[%parallel_loop3A_515] : memref<1200xf32, #tpu.memory_space<vmem>>[vector<16xi32>], vector<16xf32>,
      %parallel_loop3A_517 = arith.addf %parallel_loop3A_489, %parallel_loop3A_516 : vector<16xf32>
      %parallel_loop3A_518 = arith.constant 28 : i32
      %parallel_loop3A_519 = arith.index_cast %parallel_loop3A_518 : i32 to index
      %parallel_loop3A_520 = arith.index_cast %parallel_loop3A_73 : i32 to index
      %parallel_loop3A_521 = tpu.vector_load %arg20[%parallel_loop3A_519, %parallel_loop3A_520] {strides = array<i32>} : memref<64x512xi32, #tpu.memory_space<vmem>>, vector<16xi32>,
      %parallel_loop3A_522 = arith.addi %parallel_loop3A_118, %parallel_loop3A_521 : vector<16xi32>
      %parallel_loop3A_523 = tpu.vector_load_idx %arg19[%parallel_loop3A_522] : memref<1200xf32, #tpu.memory_space<vmem>>[vector<16xi32>], vector<16xf32>,
      %parallel_loop3A_524 = arith.addf %parallel_loop3A_496, %parallel_loop3A_523 : vector<16xf32>
      %parallel_loop3A_525 = arith.constant 28 : i32
      %parallel_loop3A_526 = arith.index_cast %parallel_loop3A_525 : i32 to index
      %parallel_loop3A_527 = arith.index_cast %parallel_loop3A_73 : i32 to index
      %parallel_loop3A_528 = tpu.vector_load %arg21[%parallel_loop3A_526, %parallel_loop3A_527] {strides = array<i32>} : memref<64x512xi32, #tpu.memory_space<vmem>>, vector<16xi32>,
      %parallel_loop3A_529 = arith.addi %parallel_loop3A_121, %parallel_loop3A_528 : vector<16xi32>
      %parallel_loop3A_530 = tpu.vector_load_idx %arg19[%parallel_loop3A_529] : memref<1200xf32, #tpu.memory_space<vmem>>[vector<16xi32>], vector<16xf32>,
      %parallel_loop3A_531 = arith.addf %parallel_loop3A_503, %parallel_loop3A_530 : vector<16xf32>
      %parallel_loop3A_532 = arith.constant 29 : i32
      %parallel_loop3A_533 = arith.index_cast %parallel_loop3A_532 : i32 to index
      %parallel_loop3A_534 = arith.index_cast %parallel_loop3A_73 : i32 to index
      %parallel_loop3A_535 = tpu.vector_load %arg20[%parallel_loop3A_533, %parallel_loop3A_534] {strides = array<i32>} : memref<64x512xi32, #tpu.memory_space<vmem>>, vector<16xi32>,
      %parallel_loop3A_536 = arith.addi %parallel_loop3A_118, %parallel_loop3A_535 : vector<16xi32>
      %parallel_loop3A_537 = tpu.vector_load_idx %arg19[%parallel_loop3A_536] : memref<1200xf32, #tpu.memory_space<vmem>>[vector<16xi32>], vector<16xf32>,
      %parallel_loop3A_538 = arith.addf %parallel_loop3A_510, %parallel_loop3A_537 : vector<16xf32>
      %parallel_loop3A_539 = arith.constant 29 : i32
      %parallel_loop3A_540 = arith.index_cast %parallel_loop3A_539 : i32 to index
      %parallel_loop3A_541 = arith.index_cast %parallel_loop3A_73 : i32 to index
      %parallel_loop3A_542 = tpu.vector_load %arg21[%parallel_loop3A_540, %parallel_loop3A_541] {strides = array<i32>} : memref<64x512xi32, #tpu.memory_space<vmem>>, vector<16xi32>,
      %parallel_loop3A_543 = arith.addi %parallel_loop3A_121, %parallel_loop3A_542 : vector<16xi32>
      %parallel_loop3A_544 = tpu.vector_load_idx %arg19[%parallel_loop3A_543] : memref<1200xf32, #tpu.memory_space<vmem>>[vector<16xi32>], vector<16xf32>,
      %parallel_loop3A_545 = arith.addf %parallel_loop3A_517, %parallel_loop3A_544 : vector<16xf32>
      %parallel_loop3A_546 = arith.constant 30 : i32
      %parallel_loop3A_547 = arith.index_cast %parallel_loop3A_546 : i32 to index
      %parallel_loop3A_548 = arith.index_cast %parallel_loop3A_73 : i32 to index
      %parallel_loop3A_549 = tpu.vector_load %arg20[%parallel_loop3A_547, %parallel_loop3A_548] {strides = array<i32>} : memref<64x512xi32, #tpu.memory_space<vmem>>, vector<16xi32>,
      %parallel_loop3A_550 = arith.addi %parallel_loop3A_118, %parallel_loop3A_549 : vector<16xi32>
      %parallel_loop3A_551 = tpu.vector_load_idx %arg19[%parallel_loop3A_550] : memref<1200xf32, #tpu.memory_space<vmem>>[vector<16xi32>], vector<16xf32>,
      %parallel_loop3A_552 = arith.addf %parallel_loop3A_524, %parallel_loop3A_551 : vector<16xf32>
      %parallel_loop3A_553 = arith.constant 30 : i32
      %parallel_loop3A_554 = arith.index_cast %parallel_loop3A_553 : i32 to index
      %parallel_loop3A_555 = arith.index_cast %parallel_loop3A_73 : i32 to index
      %parallel_loop3A_556 = tpu.vector_load %arg21[%parallel_loop3A_554, %parallel_loop3A_555] {strides = array<i32>} : memref<64x512xi32, #tpu.memory_space<vmem>>, vector<16xi32>,
      %parallel_loop3A_557 = arith.addi %parallel_loop3A_121, %parallel_loop3A_556 : vector<16xi32>
      %parallel_loop3A_558 = tpu.vector_load_idx %arg19[%parallel_loop3A_557] : memref<1200xf32, #tpu.memory_space<vmem>>[vector<16xi32>], vector<16xf32>,
      %parallel_loop3A_559 = arith.addf %parallel_loop3A_531, %parallel_loop3A_558 : vector<16xf32>
      %parallel_loop3A_560 = arith.constant 31 : i32
      %parallel_loop3A_561 = arith.index_cast %parallel_loop3A_560 : i32 to index
      %parallel_loop3A_562 = arith.index_cast %parallel_loop3A_73 : i32 to index
      %parallel_loop3A_563 = tpu.vector_load %arg20[%parallel_loop3A_561, %parallel_loop3A_562] {strides = array<i32>} : memref<64x512xi32, #tpu.memory_space<vmem>>, vector<16xi32>,
      %parallel_loop3A_564 = arith.addi %parallel_loop3A_118, %parallel_loop3A_563 : vector<16xi32>
      %parallel_loop3A_565 = tpu.vector_load_idx %arg19[%parallel_loop3A_564] : memref<1200xf32, #tpu.memory_space<vmem>>[vector<16xi32>], vector<16xf32>,
      %parallel_loop3A_566 = arith.addf %parallel_loop3A_538, %parallel_loop3A_565 : vector<16xf32>
      %parallel_loop3A_567 = arith.constant 31 : i32
      %parallel_loop3A_568 = arith.index_cast %parallel_loop3A_567 : i32 to index
      %parallel_loop3A_569 = arith.index_cast %parallel_loop3A_73 : i32 to index
      %parallel_loop3A_570 = tpu.vector_load %arg21[%parallel_loop3A_568, %parallel_loop3A_569] {strides = array<i32>} : memref<64x512xi32, #tpu.memory_space<vmem>>, vector<16xi32>,
      %parallel_loop3A_571 = arith.addi %parallel_loop3A_121, %parallel_loop3A_570 : vector<16xi32>
      %parallel_loop3A_572 = tpu.vector_load_idx %arg19[%parallel_loop3A_571] : memref<1200xf32, #tpu.memory_space<vmem>>[vector<16xi32>], vector<16xf32>,
      %parallel_loop3A_573 = arith.addf %parallel_loop3A_545, %parallel_loop3A_572 : vector<16xf32>
      %parallel_loop3A_574 = arith.constant 32 : i32
      %parallel_loop3A_575 = arith.index_cast %parallel_loop3A_574 : i32 to index
      %parallel_loop3A_576 = arith.index_cast %parallel_loop3A_73 : i32 to index
      %parallel_loop3A_577 = tpu.vector_load %arg20[%parallel_loop3A_575, %parallel_loop3A_576] {strides = array<i32>} : memref<64x512xi32, #tpu.memory_space<vmem>>, vector<16xi32>,
      %parallel_loop3A_578 = arith.addi %parallel_loop3A_118, %parallel_loop3A_577 : vector<16xi32>
      %parallel_loop3A_579 = tpu.vector_load_idx %arg19[%parallel_loop3A_578] : memref<1200xf32, #tpu.memory_space<vmem>>[vector<16xi32>], vector<16xf32>,
      %parallel_loop3A_580 = arith.addf %parallel_loop3A_552, %parallel_loop3A_579 : vector<16xf32>
      %parallel_loop3A_581 = arith.constant 32 : i32
      %parallel_loop3A_582 = arith.index_cast %parallel_loop3A_581 : i32 to index
      %parallel_loop3A_583 = arith.index_cast %parallel_loop3A_73 : i32 to index
      %parallel_loop3A_584 = tpu.vector_load %arg21[%parallel_loop3A_582, %parallel_loop3A_583] {strides = array<i32>} : memref<64x512xi32, #tpu.memory_space<vmem>>, vector<16xi32>,
      %parallel_loop3A_585 = arith.addi %parallel_loop3A_121, %parallel_loop3A_584 : vector<16xi32>
      %parallel_loop3A_586 = tpu.vector_load_idx %arg19[%parallel_loop3A_585] : memref<1200xf32, #tpu.memory_space<vmem>>[vector<16xi32>], vector<16xf32>,
      %parallel_loop3A_587 = arith.addf %parallel_loop3A_559, %parallel_loop3A_586 : vector<16xf32>
      %parallel_loop3A_588 = arith.constant 33 : i32
      %parallel_loop3A_589 = arith.index_cast %parallel_loop3A_588 : i32 to index
      %parallel_loop3A_590 = arith.index_cast %parallel_loop3A_73 : i32 to index
      %parallel_loop3A_591 = tpu.vector_load %arg20[%parallel_loop3A_589, %parallel_loop3A_590] {strides = array<i32>} : memref<64x512xi32, #tpu.memory_space<vmem>>, vector<16xi32>,
      %parallel_loop3A_592 = arith.addi %parallel_loop3A_118, %parallel_loop3A_591 : vector<16xi32>
      %parallel_loop3A_593 = tpu.vector_load_idx %arg19[%parallel_loop3A_592] : memref<1200xf32, #tpu.memory_space<vmem>>[vector<16xi32>], vector<16xf32>,
      %parallel_loop3A_594 = arith.addf %parallel_loop3A_566, %parallel_loop3A_593 : vector<16xf32>
      %parallel_loop3A_595 = arith.constant 33 : i32
      %parallel_loop3A_596 = arith.index_cast %parallel_loop3A_595 : i32 to index
      %parallel_loop3A_597 = arith.index_cast %parallel_loop3A_73 : i32 to index
      %parallel_loop3A_598 = tpu.vector_load %arg21[%parallel_loop3A_596, %parallel_loop3A_597] {strides = array<i32>} : memref<64x512xi32, #tpu.memory_space<vmem>>, vector<16xi32>,
      %parallel_loop3A_599 = arith.addi %parallel_loop3A_121, %parallel_loop3A_598 : vector<16xi32>
      %parallel_loop3A_600 = tpu.vector_load_idx %arg19[%parallel_loop3A_599] : memref<1200xf32, #tpu.memory_space<vmem>>[vector<16xi32>], vector<16xf32>,
      %parallel_loop3A_601 = arith.addf %parallel_loop3A_573, %parallel_loop3A_600 : vector<16xf32>
      %parallel_loop3A_602 = arith.constant 34 : i32
      %parallel_loop3A_603 = arith.index_cast %parallel_loop3A_602 : i32 to index
      %parallel_loop3A_604 = arith.index_cast %parallel_loop3A_73 : i32 to index
      %parallel_loop3A_605 = tpu.vector_load %arg20[%parallel_loop3A_603, %parallel_loop3A_604] {strides = array<i32>} : memref<64x512xi32, #tpu.memory_space<vmem>>, vector<16xi32>,
      %parallel_loop3A_606 = arith.addi %parallel_loop3A_118, %parallel_loop3A_605 : vector<16xi32>
      %parallel_loop3A_607 = tpu.vector_load_idx %arg19[%parallel_loop3A_606] : memref<1200xf32, #tpu.memory_space<vmem>>[vector<16xi32>], vector<16xf32>,
      %parallel_loop3A_608 = arith.addf %parallel_loop3A_580, %parallel_loop3A_607 : vector<16xf32>
      %parallel_loop3A_609 = arith.constant 34 : i32
      %parallel_loop3A_610 = arith.index_cast %parallel_loop3A_609 : i32 to index
      %parallel_loop3A_611 = arith.index_cast %parallel_loop3A_73 : i32 to index
      %parallel_loop3A_612 = tpu.vector_load %arg21[%parallel_loop3A_610, %parallel_loop3A_611] {strides = array<i32>} : memref<64x512xi32, #tpu.memory_space<vmem>>, vector<16xi32>,
      %parallel_loop3A_613 = arith.addi %parallel_loop3A_121, %parallel_loop3A_612 : vector<16xi32>
      %parallel_loop3A_614 = tpu.vector_load_idx %arg19[%parallel_loop3A_613] : memref<1200xf32, #tpu.memory_space<vmem>>[vector<16xi32>], vector<16xf32>,
      %parallel_loop3A_615 = arith.addf %parallel_loop3A_587, %parallel_loop3A_614 : vector<16xf32>
      %parallel_loop3A_616 = arith.constant 35 : i32
      %parallel_loop3A_617 = arith.index_cast %parallel_loop3A_616 : i32 to index
      %parallel_loop3A_618 = arith.index_cast %parallel_loop3A_73 : i32 to index
      %parallel_loop3A_619 = tpu.vector_load %arg20[%parallel_loop3A_617, %parallel_loop3A_618] {strides = array<i32>} : memref<64x512xi32, #tpu.memory_space<vmem>>, vector<16xi32>,
      %parallel_loop3A_620 = arith.addi %parallel_loop3A_118, %parallel_loop3A_619 : vector<16xi32>
      %parallel_loop3A_621 = tpu.vector_load_idx %arg19[%parallel_loop3A_620] : memref<1200xf32, #tpu.memory_space<vmem>>[vector<16xi32>], vector<16xf32>,
      %parallel_loop3A_622 = arith.addf %parallel_loop3A_594, %parallel_loop3A_621 : vector<16xf32>
      %parallel_loop3A_623 = arith.constant 35 : i32
      %parallel_loop3A_624 = arith.index_cast %parallel_loop3A_623 : i32 to index
      %parallel_loop3A_625 = arith.index_cast %parallel_loop3A_73 : i32 to index
      %parallel_loop3A_626 = tpu.vector_load %arg21[%parallel_loop3A_624, %parallel_loop3A_625] {strides = array<i32>} : memref<64x512xi32, #tpu.memory_space<vmem>>, vector<16xi32>,
      %parallel_loop3A_627 = arith.addi %parallel_loop3A_121, %parallel_loop3A_626 : vector<16xi32>
      %parallel_loop3A_628 = tpu.vector_load_idx %arg19[%parallel_loop3A_627] : memref<1200xf32, #tpu.memory_space<vmem>>[vector<16xi32>], vector<16xf32>,
      %parallel_loop3A_629 = arith.addf %parallel_loop3A_601, %parallel_loop3A_628 : vector<16xf32>
      %parallel_loop3A_630 = arith.constant 36 : i32
      %parallel_loop3A_631 = arith.index_cast %parallel_loop3A_630 : i32 to index
      %parallel_loop3A_632 = arith.index_cast %parallel_loop3A_73 : i32 to index
      %parallel_loop3A_633 = tpu.vector_load %arg20[%parallel_loop3A_631, %parallel_loop3A_632] {strides = array<i32>} : memref<64x512xi32, #tpu.memory_space<vmem>>, vector<16xi32>,
      %parallel_loop3A_634 = arith.addi %parallel_loop3A_118, %parallel_loop3A_633 : vector<16xi32>
      %parallel_loop3A_635 = tpu.vector_load_idx %arg19[%parallel_loop3A_634] : memref<1200xf32, #tpu.memory_space<vmem>>[vector<16xi32>], vector<16xf32>,
      %parallel_loop3A_636 = arith.addf %parallel_loop3A_608, %parallel_loop3A_635 : vector<16xf32>
      %parallel_loop3A_637 = arith.constant 36 : i32
      %parallel_loop3A_638 = arith.index_cast %parallel_loop3A_637 : i32 to index
      %parallel_loop3A_639 = arith.index_cast %parallel_loop3A_73 : i32 to index
      %parallel_loop3A_640 = tpu.vector_load %arg21[%parallel_loop3A_638, %parallel_loop3A_639] {strides = array<i32>} : memref<64x512xi32, #tpu.memory_space<vmem>>, vector<16xi32>,
      %parallel_loop3A_641 = arith.addi %parallel_loop3A_121, %parallel_loop3A_640 : vector<16xi32>
      %parallel_loop3A_642 = tpu.vector_load_idx %arg19[%parallel_loop3A_641] : memref<1200xf32, #tpu.memory_space<vmem>>[vector<16xi32>], vector<16xf32>,
      %parallel_loop3A_643 = arith.addf %parallel_loop3A_615, %parallel_loop3A_642 : vector<16xf32>
      %parallel_loop3A_644 = arith.constant 37 : i32
      %parallel_loop3A_645 = arith.index_cast %parallel_loop3A_644 : i32 to index
      %parallel_loop3A_646 = arith.index_cast %parallel_loop3A_73 : i32 to index
      %parallel_loop3A_647 = tpu.vector_load %arg20[%parallel_loop3A_645, %parallel_loop3A_646] {strides = array<i32>} : memref<64x512xi32, #tpu.memory_space<vmem>>, vector<16xi32>,
      %parallel_loop3A_648 = arith.addi %parallel_loop3A_118, %parallel_loop3A_647 : vector<16xi32>
      %parallel_loop3A_649 = tpu.vector_load_idx %arg19[%parallel_loop3A_648] : memref<1200xf32, #tpu.memory_space<vmem>>[vector<16xi32>], vector<16xf32>,
      %parallel_loop3A_650 = arith.addf %parallel_loop3A_622, %parallel_loop3A_649 : vector<16xf32>
      %parallel_loop3A_651 = arith.constant 37 : i32
      %parallel_loop3A_652 = arith.index_cast %parallel_loop3A_651 : i32 to index
      %parallel_loop3A_653 = arith.index_cast %parallel_loop3A_73 : i32 to index
      %parallel_loop3A_654 = tpu.vector_load %arg21[%parallel_loop3A_652, %parallel_loop3A_653] {strides = array<i32>} : memref<64x512xi32, #tpu.memory_space<vmem>>, vector<16xi32>,
      %parallel_loop3A_655 = arith.addi %parallel_loop3A_121, %parallel_loop3A_654 : vector<16xi32>
      %parallel_loop3A_656 = tpu.vector_load_idx %arg19[%parallel_loop3A_655] : memref<1200xf32, #tpu.memory_space<vmem>>[vector<16xi32>], vector<16xf32>,
      %parallel_loop3A_657 = arith.addf %parallel_loop3A_629, %parallel_loop3A_656 : vector<16xf32>
      %parallel_loop3A_658 = arith.constant 38 : i32
      %parallel_loop3A_659 = arith.index_cast %parallel_loop3A_658 : i32 to index
      %parallel_loop3A_660 = arith.index_cast %parallel_loop3A_73 : i32 to index
      %parallel_loop3A_661 = tpu.vector_load %arg20[%parallel_loop3A_659, %parallel_loop3A_660] {strides = array<i32>} : memref<64x512xi32, #tpu.memory_space<vmem>>, vector<16xi32>,
      %parallel_loop3A_662 = arith.addi %parallel_loop3A_118, %parallel_loop3A_661 : vector<16xi32>
      %parallel_loop3A_663 = tpu.vector_load_idx %arg19[%parallel_loop3A_662] : memref<1200xf32, #tpu.memory_space<vmem>>[vector<16xi32>], vector<16xf32>,
      %parallel_loop3A_664 = arith.addf %parallel_loop3A_636, %parallel_loop3A_663 : vector<16xf32>
      %parallel_loop3A_665 = arith.constant 38 : i32
      %parallel_loop3A_666 = arith.index_cast %parallel_loop3A_665 : i32 to index
      %parallel_loop3A_667 = arith.index_cast %parallel_loop3A_73 : i32 to index
      %parallel_loop3A_668 = tpu.vector_load %arg21[%parallel_loop3A_666, %parallel_loop3A_667] {strides = array<i32>} : memref<64x512xi32, #tpu.memory_space<vmem>>, vector<16xi32>,
      %parallel_loop3A_669 = arith.addi %parallel_loop3A_121, %parallel_loop3A_668 : vector<16xi32>
      %parallel_loop3A_670 = tpu.vector_load_idx %arg19[%parallel_loop3A_669] : memref<1200xf32, #tpu.memory_space<vmem>>[vector<16xi32>], vector<16xf32>,
      %parallel_loop3A_671 = arith.addf %parallel_loop3A_643, %parallel_loop3A_670 : vector<16xf32>
      %parallel_loop3A_672 = arith.constant 39 : i32
      %parallel_loop3A_673 = arith.index_cast %parallel_loop3A_672 : i32 to index
      %parallel_loop3A_674 = arith.index_cast %parallel_loop3A_73 : i32 to index
      %parallel_loop3A_675 = tpu.vector_load %arg20[%parallel_loop3A_673, %parallel_loop3A_674] {strides = array<i32>} : memref<64x512xi32, #tpu.memory_space<vmem>>, vector<16xi32>,
      %parallel_loop3A_676 = arith.addi %parallel_loop3A_118, %parallel_loop3A_675 : vector<16xi32>
      %parallel_loop3A_677 = tpu.vector_load_idx %arg19[%parallel_loop3A_676] : memref<1200xf32, #tpu.memory_space<vmem>>[vector<16xi32>], vector<16xf32>,
      %parallel_loop3A_678 = arith.addf %parallel_loop3A_650, %parallel_loop3A_677 : vector<16xf32>
      %parallel_loop3A_679 = arith.constant 39 : i32
      %parallel_loop3A_680 = arith.index_cast %parallel_loop3A_679 : i32 to index
      %parallel_loop3A_681 = arith.index_cast %parallel_loop3A_73 : i32 to index
      %parallel_loop3A_682 = tpu.vector_load %arg21[%parallel_loop3A_680, %parallel_loop3A_681] {strides = array<i32>} : memref<64x512xi32, #tpu.memory_space<vmem>>, vector<16xi32>,
      %parallel_loop3A_683 = arith.addi %parallel_loop3A_121, %parallel_loop3A_682 : vector<16xi32>
      %parallel_loop3A_684 = tpu.vector_load_idx %arg19[%parallel_loop3A_683] : memref<1200xf32, #tpu.memory_space<vmem>>[vector<16xi32>], vector<16xf32>,
      %parallel_loop3A_685 = arith.addf %parallel_loop3A_657, %parallel_loop3A_684 : vector<16xf32>
      %parallel_loop3A_686 = arith.constant 40 : i32
      %parallel_loop3A_687 = arith.index_cast %parallel_loop3A_686 : i32 to index
      %parallel_loop3A_688 = arith.index_cast %parallel_loop3A_73 : i32 to index
      %parallel_loop3A_689 = tpu.vector_load %arg20[%parallel_loop3A_687, %parallel_loop3A_688] {strides = array<i32>} : memref<64x512xi32, #tpu.memory_space<vmem>>, vector<16xi32>,
      %parallel_loop3A_690 = arith.addi %parallel_loop3A_118, %parallel_loop3A_689 : vector<16xi32>
      %parallel_loop3A_691 = tpu.vector_load_idx %arg19[%parallel_loop3A_690] : memref<1200xf32, #tpu.memory_space<vmem>>[vector<16xi32>], vector<16xf32>,
      %parallel_loop3A_692 = arith.addf %parallel_loop3A_664, %parallel_loop3A_691 : vector<16xf32>
      %parallel_loop3A_693 = arith.constant 40 : i32
      %parallel_loop3A_694 = arith.index_cast %parallel_loop3A_693 : i32 to index
      %parallel_loop3A_695 = arith.index_cast %parallel_loop3A_73 : i32 to index
      %parallel_loop3A_696 = tpu.vector_load %arg21[%parallel_loop3A_694, %parallel_loop3A_695] {strides = array<i32>} : memref<64x512xi32, #tpu.memory_space<vmem>>, vector<16xi32>,
      %parallel_loop3A_697 = arith.addi %parallel_loop3A_121, %parallel_loop3A_696 : vector<16xi32>
      %parallel_loop3A_698 = tpu.vector_load_idx %arg19[%parallel_loop3A_697] : memref<1200xf32, #tpu.memory_space<vmem>>[vector<16xi32>], vector<16xf32>,
      %parallel_loop3A_699 = arith.addf %parallel_loop3A_671, %parallel_loop3A_698 : vector<16xf32>
      %parallel_loop3A_700 = arith.constant 41 : i32
      %parallel_loop3A_701 = arith.index_cast %parallel_loop3A_700 : i32 to index
      %parallel_loop3A_702 = arith.index_cast %parallel_loop3A_73 : i32 to index
      %parallel_loop3A_703 = tpu.vector_load %arg20[%parallel_loop3A_701, %parallel_loop3A_702] {strides = array<i32>} : memref<64x512xi32, #tpu.memory_space<vmem>>, vector<16xi32>,
      %parallel_loop3A_704 = arith.addi %parallel_loop3A_118, %parallel_loop3A_703 : vector<16xi32>
      %parallel_loop3A_705 = tpu.vector_load_idx %arg19[%parallel_loop3A_704] : memref<1200xf32, #tpu.memory_space<vmem>>[vector<16xi32>], vector<16xf32>,
      %parallel_loop3A_706 = arith.addf %parallel_loop3A_678, %parallel_loop3A_705 : vector<16xf32>
      %parallel_loop3A_707 = arith.constant 41 : i32
      %parallel_loop3A_708 = arith.index_cast %parallel_loop3A_707 : i32 to index
      %parallel_loop3A_709 = arith.index_cast %parallel_loop3A_73 : i32 to index
      %parallel_loop3A_710 = tpu.vector_load %arg21[%parallel_loop3A_708, %parallel_loop3A_709] {strides = array<i32>} : memref<64x512xi32, #tpu.memory_space<vmem>>, vector<16xi32>,
      %parallel_loop3A_711 = arith.addi %parallel_loop3A_121, %parallel_loop3A_710 : vector<16xi32>
      %parallel_loop3A_712 = tpu.vector_load_idx %arg19[%parallel_loop3A_711] : memref<1200xf32, #tpu.memory_space<vmem>>[vector<16xi32>], vector<16xf32>,
      %parallel_loop3A_713 = arith.addf %parallel_loop3A_685, %parallel_loop3A_712 : vector<16xf32>
      %parallel_loop3A_714 = arith.constant 42 : i32
      %parallel_loop3A_715 = arith.index_cast %parallel_loop3A_714 : i32 to index
      %parallel_loop3A_716 = arith.index_cast %parallel_loop3A_73 : i32 to index
      %parallel_loop3A_717 = tpu.vector_load %arg20[%parallel_loop3A_715, %parallel_loop3A_716] {strides = array<i32>} : memref<64x512xi32, #tpu.memory_space<vmem>>, vector<16xi32>,
      %parallel_loop3A_718 = arith.addi %parallel_loop3A_118, %parallel_loop3A_717 : vector<16xi32>
      %parallel_loop3A_719 = tpu.vector_load_idx %arg19[%parallel_loop3A_718] : memref<1200xf32, #tpu.memory_space<vmem>>[vector<16xi32>], vector<16xf32>,
      %parallel_loop3A_720 = arith.addf %parallel_loop3A_692, %parallel_loop3A_719 : vector<16xf32>
      %parallel_loop3A_721 = arith.constant 42 : i32
      %parallel_loop3A_722 = arith.index_cast %parallel_loop3A_721 : i32 to index
      %parallel_loop3A_723 = arith.index_cast %parallel_loop3A_73 : i32 to index
      %parallel_loop3A_724 = tpu.vector_load %arg21[%parallel_loop3A_722, %parallel_loop3A_723] {strides = array<i32>} : memref<64x512xi32, #tpu.memory_space<vmem>>, vector<16xi32>,
      %parallel_loop3A_725 = arith.addi %parallel_loop3A_121, %parallel_loop3A_724 : vector<16xi32>
      %parallel_loop3A_726 = tpu.vector_load_idx %arg19[%parallel_loop3A_725] : memref<1200xf32, #tpu.memory_space<vmem>>[vector<16xi32>], vector<16xf32>,
      %parallel_loop3A_727 = arith.addf %parallel_loop3A_699, %parallel_loop3A_726 : vector<16xf32>
      %parallel_loop3A_728 = arith.constant 43 : i32
      %parallel_loop3A_729 = arith.index_cast %parallel_loop3A_728 : i32 to index
      %parallel_loop3A_730 = arith.index_cast %parallel_loop3A_73 : i32 to index
      %parallel_loop3A_731 = tpu.vector_load %arg20[%parallel_loop3A_729, %parallel_loop3A_730] {strides = array<i32>} : memref<64x512xi32, #tpu.memory_space<vmem>>, vector<16xi32>,
      %parallel_loop3A_732 = arith.addi %parallel_loop3A_118, %parallel_loop3A_731 : vector<16xi32>
      %parallel_loop3A_733 = tpu.vector_load_idx %arg19[%parallel_loop3A_732] : memref<1200xf32, #tpu.memory_space<vmem>>[vector<16xi32>], vector<16xf32>,
      %parallel_loop3A_734 = arith.addf %parallel_loop3A_706, %parallel_loop3A_733 : vector<16xf32>
      %parallel_loop3A_735 = arith.constant 43 : i32
      %parallel_loop3A_736 = arith.index_cast %parallel_loop3A_735 : i32 to index
      %parallel_loop3A_737 = arith.index_cast %parallel_loop3A_73 : i32 to index
      %parallel_loop3A_738 = tpu.vector_load %arg21[%parallel_loop3A_736, %parallel_loop3A_737] {strides = array<i32>} : memref<64x512xi32, #tpu.memory_space<vmem>>, vector<16xi32>,
      %parallel_loop3A_739 = arith.addi %parallel_loop3A_121, %parallel_loop3A_738 : vector<16xi32>
      %parallel_loop3A_740 = tpu.vector_load_idx %arg19[%parallel_loop3A_739] : memref<1200xf32, #tpu.memory_space<vmem>>[vector<16xi32>], vector<16xf32>,
      %parallel_loop3A_741 = arith.addf %parallel_loop3A_713, %parallel_loop3A_740 : vector<16xf32>
      %parallel_loop3A_742 = arith.constant 44 : i32
      %parallel_loop3A_743 = arith.index_cast %parallel_loop3A_742 : i32 to index
      %parallel_loop3A_744 = arith.index_cast %parallel_loop3A_73 : i32 to index
      %parallel_loop3A_745 = tpu.vector_load %arg20[%parallel_loop3A_743, %parallel_loop3A_744] {strides = array<i32>} : memref<64x512xi32, #tpu.memory_space<vmem>>, vector<16xi32>,
      %parallel_loop3A_746 = arith.addi %parallel_loop3A_118, %parallel_loop3A_745 : vector<16xi32>
      %parallel_loop3A_747 = tpu.vector_load_idx %arg19[%parallel_loop3A_746] : memref<1200xf32, #tpu.memory_space<vmem>>[vector<16xi32>], vector<16xf32>,
      %parallel_loop3A_748 = arith.addf %parallel_loop3A_720, %parallel_loop3A_747 : vector<16xf32>
      %parallel_loop3A_749 = arith.constant 44 : i32
      %parallel_loop3A_750 = arith.index_cast %parallel_loop3A_749 : i32 to index
      %parallel_loop3A_751 = arith.index_cast %parallel_loop3A_73 : i32 to index
      %parallel_loop3A_752 = tpu.vector_load %arg21[%parallel_loop3A_750, %parallel_loop3A_751] {strides = array<i32>} : memref<64x512xi32, #tpu.memory_space<vmem>>, vector<16xi32>,
      %parallel_loop3A_753 = arith.addi %parallel_loop3A_121, %parallel_loop3A_752 : vector<16xi32>
      %parallel_loop3A_754 = tpu.vector_load_idx %arg19[%parallel_loop3A_753] : memref<1200xf32, #tpu.memory_space<vmem>>[vector<16xi32>], vector<16xf32>,
      %parallel_loop3A_755 = arith.addf %parallel_loop3A_727, %parallel_loop3A_754 : vector<16xf32>
      %parallel_loop3A_756 = arith.constant 45 : i32
      %parallel_loop3A_757 = arith.index_cast %parallel_loop3A_756 : i32 to index
      %parallel_loop3A_758 = arith.index_cast %parallel_loop3A_73 : i32 to index
      %parallel_loop3A_759 = tpu.vector_load %arg20[%parallel_loop3A_757, %parallel_loop3A_758] {strides = array<i32>} : memref<64x512xi32, #tpu.memory_space<vmem>>, vector<16xi32>,
      %parallel_loop3A_760 = arith.addi %parallel_loop3A_118, %parallel_loop3A_759 : vector<16xi32>
      %parallel_loop3A_761 = tpu.vector_load_idx %arg19[%parallel_loop3A_760] : memref<1200xf32, #tpu.memory_space<vmem>>[vector<16xi32>], vector<16xf32>,
      %parallel_loop3A_762 = arith.addf %parallel_loop3A_734, %parallel_loop3A_761 : vector<16xf32>
      %parallel_loop3A_763 = arith.constant 45 : i32
      %parallel_loop3A_764 = arith.index_cast %parallel_loop3A_763 : i32 to index
      %parallel_loop3A_765 = arith.index_cast %parallel_loop3A_73 : i32 to index
      %parallel_loop3A_766 = tpu.vector_load %arg21[%parallel_loop3A_764, %parallel_loop3A_765] {strides = array<i32>} : memref<64x512xi32, #tpu.memory_space<vmem>>, vector<16xi32>,
      %parallel_loop3A_767 = arith.addi %parallel_loop3A_121, %parallel_loop3A_766 : vector<16xi32>
      %parallel_loop3A_768 = tpu.vector_load_idx %arg19[%parallel_loop3A_767] : memref<1200xf32, #tpu.memory_space<vmem>>[vector<16xi32>], vector<16xf32>,
      %parallel_loop3A_769 = arith.addf %parallel_loop3A_741, %parallel_loop3A_768 : vector<16xf32>
      %parallel_loop3A_770 = arith.constant 46 : i32
      %parallel_loop3A_771 = arith.index_cast %parallel_loop3A_770 : i32 to index
      %parallel_loop3A_772 = arith.index_cast %parallel_loop3A_73 : i32 to index
      %parallel_loop3A_773 = tpu.vector_load %arg20[%parallel_loop3A_771, %parallel_loop3A_772] {strides = array<i32>} : memref<64x512xi32, #tpu.memory_space<vmem>>, vector<16xi32>,
      %parallel_loop3A_774 = arith.addi %parallel_loop3A_118, %parallel_loop3A_773 : vector<16xi32>
      %parallel_loop3A_775 = tpu.vector_load_idx %arg19[%parallel_loop3A_774] : memref<1200xf32, #tpu.memory_space<vmem>>[vector<16xi32>], vector<16xf32>,
      %parallel_loop3A_776 = arith.addf %parallel_loop3A_748, %parallel_loop3A_775 : vector<16xf32>
      %parallel_loop3A_777 = arith.constant 46 : i32
      %parallel_loop3A_778 = arith.index_cast %parallel_loop3A_777 : i32 to index
      %parallel_loop3A_779 = arith.index_cast %parallel_loop3A_73 : i32 to index
      %parallel_loop3A_780 = tpu.vector_load %arg21[%parallel_loop3A_778, %parallel_loop3A_779] {strides = array<i32>} : memref<64x512xi32, #tpu.memory_space<vmem>>, vector<16xi32>,
      %parallel_loop3A_781 = arith.addi %parallel_loop3A_121, %parallel_loop3A_780 : vector<16xi32>
      %parallel_loop3A_782 = tpu.vector_load_idx %arg19[%parallel_loop3A_781] : memref<1200xf32, #tpu.memory_space<vmem>>[vector<16xi32>], vector<16xf32>,
      %parallel_loop3A_783 = arith.addf %parallel_loop3A_755, %parallel_loop3A_782 : vector<16xf32>
      %parallel_loop3A_784 = arith.constant 47 : i32
      %parallel_loop3A_785 = arith.index_cast %parallel_loop3A_784 : i32 to index
      %parallel_loop3A_786 = arith.index_cast %parallel_loop3A_73 : i32 to index
      %parallel_loop3A_787 = tpu.vector_load %arg20[%parallel_loop3A_785, %parallel_loop3A_786] {strides = array<i32>} : memref<64x512xi32, #tpu.memory_space<vmem>>, vector<16xi32>,
      %parallel_loop3A_788 = arith.addi %parallel_loop3A_118, %parallel_loop3A_787 : vector<16xi32>
      %parallel_loop3A_789 = tpu.vector_load_idx %arg19[%parallel_loop3A_788] : memref<1200xf32, #tpu.memory_space<vmem>>[vector<16xi32>], vector<16xf32>,
      %parallel_loop3A_790 = arith.addf %parallel_loop3A_762, %parallel_loop3A_789 : vector<16xf32>
      %parallel_loop3A_791 = arith.constant 47 : i32
      %parallel_loop3A_792 = arith.index_cast %parallel_loop3A_791 : i32 to index
      %parallel_loop3A_793 = arith.index_cast %parallel_loop3A_73 : i32 to index
      %parallel_loop3A_794 = tpu.vector_load %arg21[%parallel_loop3A_792, %parallel_loop3A_793] {strides = array<i32>} : memref<64x512xi32, #tpu.memory_space<vmem>>, vector<16xi32>,
      %parallel_loop3A_795 = arith.addi %parallel_loop3A_121, %parallel_loop3A_794 : vector<16xi32>
      %parallel_loop3A_796 = tpu.vector_load_idx %arg19[%parallel_loop3A_795] : memref<1200xf32, #tpu.memory_space<vmem>>[vector<16xi32>], vector<16xf32>,
      %parallel_loop3A_797 = arith.addf %parallel_loop3A_769, %parallel_loop3A_796 : vector<16xf32>
      %parallel_loop3A_798 = arith.constant 48 : i32
      %parallel_loop3A_799 = arith.index_cast %parallel_loop3A_798 : i32 to index
      %parallel_loop3A_800 = arith.index_cast %parallel_loop3A_73 : i32 to index
      %parallel_loop3A_801 = tpu.vector_load %arg20[%parallel_loop3A_799, %parallel_loop3A_800] {strides = array<i32>} : memref<64x512xi32, #tpu.memory_space<vmem>>, vector<16xi32>,
      %parallel_loop3A_802 = arith.addi %parallel_loop3A_118, %parallel_loop3A_801 : vector<16xi32>
      %parallel_loop3A_803 = tpu.vector_load_idx %arg19[%parallel_loop3A_802] : memref<1200xf32, #tpu.memory_space<vmem>>[vector<16xi32>], vector<16xf32>,
      %parallel_loop3A_804 = arith.addf %parallel_loop3A_776, %parallel_loop3A_803 : vector<16xf32>
      %parallel_loop3A_805 = arith.constant 48 : i32
      %parallel_loop3A_806 = arith.index_cast %parallel_loop3A_805 : i32 to index
      %parallel_loop3A_807 = arith.index_cast %parallel_loop3A_73 : i32 to index
      %parallel_loop3A_808 = tpu.vector_load %arg21[%parallel_loop3A_806, %parallel_loop3A_807] {strides = array<i32>} : memref<64x512xi32, #tpu.memory_space<vmem>>, vector<16xi32>,
      %parallel_loop3A_809 = arith.addi %parallel_loop3A_121, %parallel_loop3A_808 : vector<16xi32>
      %parallel_loop3A_810 = tpu.vector_load_idx %arg19[%parallel_loop3A_809] : memref<1200xf32, #tpu.memory_space<vmem>>[vector<16xi32>], vector<16xf32>,
      %parallel_loop3A_811 = arith.addf %parallel_loop3A_783, %parallel_loop3A_810 : vector<16xf32>
      %parallel_loop3A_812 = arith.constant 49 : i32
      %parallel_loop3A_813 = arith.index_cast %parallel_loop3A_812 : i32 to index
      %parallel_loop3A_814 = arith.index_cast %parallel_loop3A_73 : i32 to index
      %parallel_loop3A_815 = tpu.vector_load %arg20[%parallel_loop3A_813, %parallel_loop3A_814] {strides = array<i32>} : memref<64x512xi32, #tpu.memory_space<vmem>>, vector<16xi32>,
      %parallel_loop3A_816 = arith.addi %parallel_loop3A_118, %parallel_loop3A_815 : vector<16xi32>
      %parallel_loop3A_817 = tpu.vector_load_idx %arg19[%parallel_loop3A_816] : memref<1200xf32, #tpu.memory_space<vmem>>[vector<16xi32>], vector<16xf32>,
      %parallel_loop3A_818 = arith.addf %parallel_loop3A_790, %parallel_loop3A_817 : vector<16xf32>
      %parallel_loop3A_819 = arith.constant 49 : i32
      %parallel_loop3A_820 = arith.index_cast %parallel_loop3A_819 : i32 to index
      %parallel_loop3A_821 = arith.index_cast %parallel_loop3A_73 : i32 to index
      %parallel_loop3A_822 = tpu.vector_load %arg21[%parallel_loop3A_820, %parallel_loop3A_821] {strides = array<i32>} : memref<64x512xi32, #tpu.memory_space<vmem>>, vector<16xi32>,
      %parallel_loop3A_823 = arith.addi %parallel_loop3A_121, %parallel_loop3A_822 : vector<16xi32>
      %parallel_loop3A_824 = tpu.vector_load_idx %arg19[%parallel_loop3A_823] : memref<1200xf32, #tpu.memory_space<vmem>>[vector<16xi32>], vector<16xf32>,
      %parallel_loop3A_825 = arith.addf %parallel_loop3A_797, %parallel_loop3A_824 : vector<16xf32>
      %parallel_loop3A_826 = arith.constant 50 : i32
      %parallel_loop3A_827 = arith.index_cast %parallel_loop3A_826 : i32 to index
      %parallel_loop3A_828 = arith.index_cast %parallel_loop3A_73 : i32 to index
      %parallel_loop3A_829 = tpu.vector_load %arg20[%parallel_loop3A_827, %parallel_loop3A_828] {strides = array<i32>} : memref<64x512xi32, #tpu.memory_space<vmem>>, vector<16xi32>,
      %parallel_loop3A_830 = arith.addi %parallel_loop3A_118, %parallel_loop3A_829 : vector<16xi32>
      %parallel_loop3A_831 = tpu.vector_load_idx %arg19[%parallel_loop3A_830] : memref<1200xf32, #tpu.memory_space<vmem>>[vector<16xi32>], vector<16xf32>,
      %parallel_loop3A_832 = arith.addf %parallel_loop3A_804, %parallel_loop3A_831 : vector<16xf32>
      %parallel_loop3A_833 = arith.constant 50 : i32
      %parallel_loop3A_834 = arith.index_cast %parallel_loop3A_833 : i32 to index
      %parallel_loop3A_835 = arith.index_cast %parallel_loop3A_73 : i32 to index
      %parallel_loop3A_836 = tpu.vector_load %arg21[%parallel_loop3A_834, %parallel_loop3A_835] {strides = array<i32>} : memref<64x512xi32, #tpu.memory_space<vmem>>, vector<16xi32>,
      %parallel_loop3A_837 = arith.addi %parallel_loop3A_121, %parallel_loop3A_836 : vector<16xi32>
      %parallel_loop3A_838 = tpu.vector_load_idx %arg19[%parallel_loop3A_837] : memref<1200xf32, #tpu.memory_space<vmem>>[vector<16xi32>], vector<16xf32>,
      %parallel_loop3A_839 = arith.addf %parallel_loop3A_811, %parallel_loop3A_838 : vector<16xf32>
      %parallel_loop3A_840 = arith.constant 51 : i32
      %parallel_loop3A_841 = arith.index_cast %parallel_loop3A_840 : i32 to index
      %parallel_loop3A_842 = arith.index_cast %parallel_loop3A_73 : i32 to index
      %parallel_loop3A_843 = tpu.vector_load %arg20[%parallel_loop3A_841, %parallel_loop3A_842] {strides = array<i32>} : memref<64x512xi32, #tpu.memory_space<vmem>>, vector<16xi32>,
      %parallel_loop3A_844 = arith.addi %parallel_loop3A_118, %parallel_loop3A_843 : vector<16xi32>
      %parallel_loop3A_845 = tpu.vector_load_idx %arg19[%parallel_loop3A_844] : memref<1200xf32, #tpu.memory_space<vmem>>[vector<16xi32>], vector<16xf32>,
      %parallel_loop3A_846 = arith.addf %parallel_loop3A_818, %parallel_loop3A_845 : vector<16xf32>
      %parallel_loop3A_847 = arith.constant 51 : i32
      %parallel_loop3A_848 = arith.index_cast %parallel_loop3A_847 : i32 to index
      %parallel_loop3A_849 = arith.index_cast %parallel_loop3A_73 : i32 to index
      %parallel_loop3A_850 = tpu.vector_load %arg21[%parallel_loop3A_848, %parallel_loop3A_849] {strides = array<i32>} : memref<64x512xi32, #tpu.memory_space<vmem>>, vector<16xi32>,
      %parallel_loop3A_851 = arith.addi %parallel_loop3A_121, %parallel_loop3A_850 : vector<16xi32>
      %parallel_loop3A_852 = tpu.vector_load_idx %arg19[%parallel_loop3A_851] : memref<1200xf32, #tpu.memory_space<vmem>>[vector<16xi32>], vector<16xf32>,
      %parallel_loop3A_853 = arith.addf %parallel_loop3A_825, %parallel_loop3A_852 : vector<16xf32>
      %parallel_loop3A_854 = arith.constant 52 : i32
      %parallel_loop3A_855 = arith.index_cast %parallel_loop3A_854 : i32 to index
      %parallel_loop3A_856 = arith.index_cast %parallel_loop3A_73 : i32 to index
      %parallel_loop3A_857 = tpu.vector_load %arg20[%parallel_loop3A_855, %parallel_loop3A_856] {strides = array<i32>} : memref<64x512xi32, #tpu.memory_space<vmem>>, vector<16xi32>,
      %parallel_loop3A_858 = arith.addi %parallel_loop3A_118, %parallel_loop3A_857 : vector<16xi32>
      %parallel_loop3A_859 = tpu.vector_load_idx %arg19[%parallel_loop3A_858] : memref<1200xf32, #tpu.memory_space<vmem>>[vector<16xi32>], vector<16xf32>,
      %parallel_loop3A_860 = arith.addf %parallel_loop3A_832, %parallel_loop3A_859 : vector<16xf32>
      %parallel_loop3A_861 = arith.constant 52 : i32
      %parallel_loop3A_862 = arith.index_cast %parallel_loop3A_861 : i32 to index
      %parallel_loop3A_863 = arith.index_cast %parallel_loop3A_73 : i32 to index
      %parallel_loop3A_864 = tpu.vector_load %arg21[%parallel_loop3A_862, %parallel_loop3A_863] {strides = array<i32>} : memref<64x512xi32, #tpu.memory_space<vmem>>, vector<16xi32>,
      %parallel_loop3A_865 = arith.addi %parallel_loop3A_121, %parallel_loop3A_864 : vector<16xi32>
      %parallel_loop3A_866 = tpu.vector_load_idx %arg19[%parallel_loop3A_865] : memref<1200xf32, #tpu.memory_space<vmem>>[vector<16xi32>], vector<16xf32>,
      %parallel_loop3A_867 = arith.addf %parallel_loop3A_839, %parallel_loop3A_866 : vector<16xf32>
      %parallel_loop3A_868 = arith.constant 53 : i32
      %parallel_loop3A_869 = arith.index_cast %parallel_loop3A_868 : i32 to index
      %parallel_loop3A_870 = arith.index_cast %parallel_loop3A_73 : i32 to index
      %parallel_loop3A_871 = tpu.vector_load %arg20[%parallel_loop3A_869, %parallel_loop3A_870] {strides = array<i32>} : memref<64x512xi32, #tpu.memory_space<vmem>>, vector<16xi32>,
      %parallel_loop3A_872 = arith.addi %parallel_loop3A_118, %parallel_loop3A_871 : vector<16xi32>
      %parallel_loop3A_873 = tpu.vector_load_idx %arg19[%parallel_loop3A_872] : memref<1200xf32, #tpu.memory_space<vmem>>[vector<16xi32>], vector<16xf32>,
      %parallel_loop3A_874 = arith.addf %parallel_loop3A_846, %parallel_loop3A_873 : vector<16xf32>
      %parallel_loop3A_875 = arith.constant 53 : i32
      %parallel_loop3A_876 = arith.index_cast %parallel_loop3A_875 : i32 to index
      %parallel_loop3A_877 = arith.index_cast %parallel_loop3A_73 : i32 to index
      %parallel_loop3A_878 = tpu.vector_load %arg21[%parallel_loop3A_876, %parallel_loop3A_877] {strides = array<i32>} : memref<64x512xi32, #tpu.memory_space<vmem>>, vector<16xi32>,
      %parallel_loop3A_879 = arith.addi %parallel_loop3A_121, %parallel_loop3A_878 : vector<16xi32>
      %parallel_loop3A_880 = tpu.vector_load_idx %arg19[%parallel_loop3A_879] : memref<1200xf32, #tpu.memory_space<vmem>>[vector<16xi32>], vector<16xf32>,
      %parallel_loop3A_881 = arith.addf %parallel_loop3A_853, %parallel_loop3A_880 : vector<16xf32>
      %parallel_loop3A_882 = arith.constant 54 : i32
      %parallel_loop3A_883 = arith.index_cast %parallel_loop3A_882 : i32 to index
      %parallel_loop3A_884 = arith.index_cast %parallel_loop3A_73 : i32 to index
      %parallel_loop3A_885 = tpu.vector_load %arg20[%parallel_loop3A_883, %parallel_loop3A_884] {strides = array<i32>} : memref<64x512xi32, #tpu.memory_space<vmem>>, vector<16xi32>,
      %parallel_loop3A_886 = arith.addi %parallel_loop3A_118, %parallel_loop3A_885 : vector<16xi32>
      %parallel_loop3A_887 = tpu.vector_load_idx %arg19[%parallel_loop3A_886] : memref<1200xf32, #tpu.memory_space<vmem>>[vector<16xi32>], vector<16xf32>,
      %parallel_loop3A_888 = arith.addf %parallel_loop3A_860, %parallel_loop3A_887 : vector<16xf32>
      %parallel_loop3A_889 = arith.constant 54 : i32
      %parallel_loop3A_890 = arith.index_cast %parallel_loop3A_889 : i32 to index
      %parallel_loop3A_891 = arith.index_cast %parallel_loop3A_73 : i32 to index
      %parallel_loop3A_892 = tpu.vector_load %arg21[%parallel_loop3A_890, %parallel_loop3A_891] {strides = array<i32>} : memref<64x512xi32, #tpu.memory_space<vmem>>, vector<16xi32>,
      %parallel_loop3A_893 = arith.addi %parallel_loop3A_121, %parallel_loop3A_892 : vector<16xi32>
      %parallel_loop3A_894 = tpu.vector_load_idx %arg19[%parallel_loop3A_893] : memref<1200xf32, #tpu.memory_space<vmem>>[vector<16xi32>], vector<16xf32>,
      %parallel_loop3A_895 = arith.addf %parallel_loop3A_867, %parallel_loop3A_894 : vector<16xf32>
      %parallel_loop3A_896 = arith.constant 55 : i32
      %parallel_loop3A_897 = arith.index_cast %parallel_loop3A_896 : i32 to index
      %parallel_loop3A_898 = arith.index_cast %parallel_loop3A_73 : i32 to index
      %parallel_loop3A_899 = tpu.vector_load %arg20[%parallel_loop3A_897, %parallel_loop3A_898] {strides = array<i32>} : memref<64x512xi32, #tpu.memory_space<vmem>>, vector<16xi32>,
      %parallel_loop3A_900 = arith.addi %parallel_loop3A_118, %parallel_loop3A_899 : vector<16xi32>
      %parallel_loop3A_901 = tpu.vector_load_idx %arg19[%parallel_loop3A_900] : memref<1200xf32, #tpu.memory_space<vmem>>[vector<16xi32>], vector<16xf32>,
      %parallel_loop3A_902 = arith.addf %parallel_loop3A_874, %parallel_loop3A_901 : vector<16xf32>
      %parallel_loop3A_903 = arith.constant 55 : i32
      %parallel_loop3A_904 = arith.index_cast %parallel_loop3A_903 : i32 to index
      %parallel_loop3A_905 = arith.index_cast %parallel_loop3A_73 : i32 to index
      %parallel_loop3A_906 = tpu.vector_load %arg21[%parallel_loop3A_904, %parallel_loop3A_905] {strides = array<i32>} : memref<64x512xi32, #tpu.memory_space<vmem>>, vector<16xi32>,
      %parallel_loop3A_907 = arith.addi %parallel_loop3A_121, %parallel_loop3A_906 : vector<16xi32>
      %parallel_loop3A_908 = tpu.vector_load_idx %arg19[%parallel_loop3A_907] : memref<1200xf32, #tpu.memory_space<vmem>>[vector<16xi32>], vector<16xf32>,
      %parallel_loop3A_909 = arith.addf %parallel_loop3A_881, %parallel_loop3A_908 : vector<16xf32>
      %parallel_loop3A_910 = arith.constant 56 : i32
      %parallel_loop3A_911 = arith.index_cast %parallel_loop3A_910 : i32 to index
      %parallel_loop3A_912 = arith.index_cast %parallel_loop3A_73 : i32 to index
      %parallel_loop3A_913 = tpu.vector_load %arg20[%parallel_loop3A_911, %parallel_loop3A_912] {strides = array<i32>} : memref<64x512xi32, #tpu.memory_space<vmem>>, vector<16xi32>,
      %parallel_loop3A_914 = arith.addi %parallel_loop3A_118, %parallel_loop3A_913 : vector<16xi32>
      %parallel_loop3A_915 = tpu.vector_load_idx %arg19[%parallel_loop3A_914] : memref<1200xf32, #tpu.memory_space<vmem>>[vector<16xi32>], vector<16xf32>,
      %parallel_loop3A_916 = arith.addf %parallel_loop3A_888, %parallel_loop3A_915 : vector<16xf32>
      %parallel_loop3A_917 = arith.constant 56 : i32
      %parallel_loop3A_918 = arith.index_cast %parallel_loop3A_917 : i32 to index
      %parallel_loop3A_919 = arith.index_cast %parallel_loop3A_73 : i32 to index
      %parallel_loop3A_920 = tpu.vector_load %arg21[%parallel_loop3A_918, %parallel_loop3A_919] {strides = array<i32>} : memref<64x512xi32, #tpu.memory_space<vmem>>, vector<16xi32>,
      %parallel_loop3A_921 = arith.addi %parallel_loop3A_121, %parallel_loop3A_920 : vector<16xi32>
      %parallel_loop3A_922 = tpu.vector_load_idx %arg19[%parallel_loop3A_921] : memref<1200xf32, #tpu.memory_space<vmem>>[vector<16xi32>], vector<16xf32>,
      %parallel_loop3A_923 = arith.addf %parallel_loop3A_895, %parallel_loop3A_922 : vector<16xf32>
      %parallel_loop3A_924 = arith.constant 57 : i32
      %parallel_loop3A_925 = arith.index_cast %parallel_loop3A_924 : i32 to index
      %parallel_loop3A_926 = arith.index_cast %parallel_loop3A_73 : i32 to index
      %parallel_loop3A_927 = tpu.vector_load %arg20[%parallel_loop3A_925, %parallel_loop3A_926] {strides = array<i32>} : memref<64x512xi32, #tpu.memory_space<vmem>>, vector<16xi32>,
      %parallel_loop3A_928 = arith.addi %parallel_loop3A_118, %parallel_loop3A_927 : vector<16xi32>
      %parallel_loop3A_929 = tpu.vector_load_idx %arg19[%parallel_loop3A_928] : memref<1200xf32, #tpu.memory_space<vmem>>[vector<16xi32>], vector<16xf32>,
      %parallel_loop3A_930 = arith.addf %parallel_loop3A_902, %parallel_loop3A_929 : vector<16xf32>
      %parallel_loop3A_931 = arith.constant 57 : i32
      %parallel_loop3A_932 = arith.index_cast %parallel_loop3A_931 : i32 to index
      %parallel_loop3A_933 = arith.index_cast %parallel_loop3A_73 : i32 to index
      %parallel_loop3A_934 = tpu.vector_load %arg21[%parallel_loop3A_932, %parallel_loop3A_933] {strides = array<i32>} : memref<64x512xi32, #tpu.memory_space<vmem>>, vector<16xi32>,
      %parallel_loop3A_935 = arith.addi %parallel_loop3A_121, %parallel_loop3A_934 : vector<16xi32>
      %parallel_loop3A_936 = tpu.vector_load_idx %arg19[%parallel_loop3A_935] : memref<1200xf32, #tpu.memory_space<vmem>>[vector<16xi32>], vector<16xf32>,
      %parallel_loop3A_937 = arith.addf %parallel_loop3A_909, %parallel_loop3A_936 : vector<16xf32>
      %parallel_loop3A_938 = arith.constant 58 : i32
      %parallel_loop3A_939 = arith.index_cast %parallel_loop3A_938 : i32 to index
      %parallel_loop3A_940 = arith.index_cast %parallel_loop3A_73 : i32 to index
      %parallel_loop3A_941 = tpu.vector_load %arg20[%parallel_loop3A_939, %parallel_loop3A_940] {strides = array<i32>} : memref<64x512xi32, #tpu.memory_space<vmem>>, vector<16xi32>,
      %parallel_loop3A_942 = arith.addi %parallel_loop3A_118, %parallel_loop3A_941 : vector<16xi32>
      %parallel_loop3A_943 = tpu.vector_load_idx %arg19[%parallel_loop3A_942] : memref<1200xf32, #tpu.memory_space<vmem>>[vector<16xi32>], vector<16xf32>,
      %parallel_loop3A_944 = arith.addf %parallel_loop3A_916, %parallel_loop3A_943 : vector<16xf32>
      %parallel_loop3A_945 = arith.constant 58 : i32
      %parallel_loop3A_946 = arith.index_cast %parallel_loop3A_945 : i32 to index
      %parallel_loop3A_947 = arith.index_cast %parallel_loop3A_73 : i32 to index
      %parallel_loop3A_948 = tpu.vector_load %arg21[%parallel_loop3A_946, %parallel_loop3A_947] {strides = array<i32>} : memref<64x512xi32, #tpu.memory_space<vmem>>, vector<16xi32>,
      %parallel_loop3A_949 = arith.addi %parallel_loop3A_121, %parallel_loop3A_948 : vector<16xi32>
      %parallel_loop3A_950 = tpu.vector_load_idx %arg19[%parallel_loop3A_949] : memref<1200xf32, #tpu.memory_space<vmem>>[vector<16xi32>], vector<16xf32>,
      %parallel_loop3A_951 = arith.addf %parallel_loop3A_923, %parallel_loop3A_950 : vector<16xf32>
      %parallel_loop3A_952 = arith.constant 59 : i32
      %parallel_loop3A_953 = arith.index_cast %parallel_loop3A_952 : i32 to index
      %parallel_loop3A_954 = arith.index_cast %parallel_loop3A_73 : i32 to index
      %parallel_loop3A_955 = tpu.vector_load %arg20[%parallel_loop3A_953, %parallel_loop3A_954] {strides = array<i32>} : memref<64x512xi32, #tpu.memory_space<vmem>>, vector<16xi32>,
      %parallel_loop3A_956 = arith.addi %parallel_loop3A_118, %parallel_loop3A_955 : vector<16xi32>
      %parallel_loop3A_957 = tpu.vector_load_idx %arg19[%parallel_loop3A_956] : memref<1200xf32, #tpu.memory_space<vmem>>[vector<16xi32>], vector<16xf32>,
      %parallel_loop3A_958 = arith.addf %parallel_loop3A_930, %parallel_loop3A_957 : vector<16xf32>
      %parallel_loop3A_959 = arith.constant 59 : i32
      %parallel_loop3A_960 = arith.index_cast %parallel_loop3A_959 : i32 to index
      %parallel_loop3A_961 = arith.index_cast %parallel_loop3A_73 : i32 to index
      %parallel_loop3A_962 = tpu.vector_load %arg21[%parallel_loop3A_960, %parallel_loop3A_961] {strides = array<i32>} : memref<64x512xi32, #tpu.memory_space<vmem>>, vector<16xi32>,
      %parallel_loop3A_963 = arith.addi %parallel_loop3A_121, %parallel_loop3A_962 : vector<16xi32>
      %parallel_loop3A_964 = tpu.vector_load_idx %arg19[%parallel_loop3A_963] : memref<1200xf32, #tpu.memory_space<vmem>>[vector<16xi32>], vector<16xf32>,
      %parallel_loop3A_965 = arith.addf %parallel_loop3A_937, %parallel_loop3A_964 : vector<16xf32>
      %parallel_loop3A_966 = arith.constant 60 : i32
      %parallel_loop3A_967 = arith.index_cast %parallel_loop3A_966 : i32 to index
      %parallel_loop3A_968 = arith.index_cast %parallel_loop3A_73 : i32 to index
      %parallel_loop3A_969 = tpu.vector_load %arg20[%parallel_loop3A_967, %parallel_loop3A_968] {strides = array<i32>} : memref<64x512xi32, #tpu.memory_space<vmem>>, vector<16xi32>,
      %parallel_loop3A_970 = arith.addi %parallel_loop3A_118, %parallel_loop3A_969 : vector<16xi32>
      %parallel_loop3A_971 = tpu.vector_load_idx %arg19[%parallel_loop3A_970] : memref<1200xf32, #tpu.memory_space<vmem>>[vector<16xi32>], vector<16xf32>,
      %parallel_loop3A_972 = arith.addf %parallel_loop3A_944, %parallel_loop3A_971 : vector<16xf32>
      %parallel_loop3A_973 = arith.constant 60 : i32
      %parallel_loop3A_974 = arith.index_cast %parallel_loop3A_973 : i32 to index
      %parallel_loop3A_975 = arith.index_cast %parallel_loop3A_73 : i32 to index
      %parallel_loop3A_976 = tpu.vector_load %arg21[%parallel_loop3A_974, %parallel_loop3A_975] {strides = array<i32>} : memref<64x512xi32, #tpu.memory_space<vmem>>, vector<16xi32>,
      %parallel_loop3A_977 = arith.addi %parallel_loop3A_121, %parallel_loop3A_976 : vector<16xi32>
      %parallel_loop3A_978 = tpu.vector_load_idx %arg19[%parallel_loop3A_977] : memref<1200xf32, #tpu.memory_space<vmem>>[vector<16xi32>], vector<16xf32>,
      %parallel_loop3A_979 = arith.addf %parallel_loop3A_951, %parallel_loop3A_978 : vector<16xf32>
      %parallel_loop3A_980 = arith.constant 61 : i32
      %parallel_loop3A_981 = arith.index_cast %parallel_loop3A_980 : i32 to index
      %parallel_loop3A_982 = arith.index_cast %parallel_loop3A_73 : i32 to index
      %parallel_loop3A_983 = tpu.vector_load %arg20[%parallel_loop3A_981, %parallel_loop3A_982] {strides = array<i32>} : memref<64x512xi32, #tpu.memory_space<vmem>>, vector<16xi32>,
      %parallel_loop3A_984 = arith.addi %parallel_loop3A_118, %parallel_loop3A_983 : vector<16xi32>
      %parallel_loop3A_985 = tpu.vector_load_idx %arg19[%parallel_loop3A_984] : memref<1200xf32, #tpu.memory_space<vmem>>[vector<16xi32>], vector<16xf32>,
      %parallel_loop3A_986 = arith.addf %parallel_loop3A_958, %parallel_loop3A_985 : vector<16xf32>
      %parallel_loop3A_987 = arith.constant 61 : i32
      %parallel_loop3A_988 = arith.index_cast %parallel_loop3A_987 : i32 to index
      %parallel_loop3A_989 = arith.index_cast %parallel_loop3A_73 : i32 to index
      %parallel_loop3A_990 = tpu.vector_load %arg21[%parallel_loop3A_988, %parallel_loop3A_989] {strides = array<i32>} : memref<64x512xi32, #tpu.memory_space<vmem>>, vector<16xi32>,
      %parallel_loop3A_991 = arith.addi %parallel_loop3A_121, %parallel_loop3A_990 : vector<16xi32>
      %parallel_loop3A_992 = tpu.vector_load_idx %arg19[%parallel_loop3A_991] : memref<1200xf32, #tpu.memory_space<vmem>>[vector<16xi32>], vector<16xf32>,
      %parallel_loop3A_993 = arith.addf %parallel_loop3A_965, %parallel_loop3A_992 : vector<16xf32>
      %parallel_loop3A_994 = arith.constant 62 : i32
      %parallel_loop3A_995 = arith.index_cast %parallel_loop3A_994 : i32 to index
      %parallel_loop3A_996 = arith.index_cast %parallel_loop3A_73 : i32 to index
      %parallel_loop3A_997 = tpu.vector_load %arg20[%parallel_loop3A_995, %parallel_loop3A_996] {strides = array<i32>} : memref<64x512xi32, #tpu.memory_space<vmem>>, vector<16xi32>,
      %parallel_loop3A_998 = arith.addi %parallel_loop3A_118, %parallel_loop3A_997 : vector<16xi32>
      %parallel_loop3A_999 = tpu.vector_load_idx %arg19[%parallel_loop3A_998] : memref<1200xf32, #tpu.memory_space<vmem>>[vector<16xi32>], vector<16xf32>,
      %parallel_loop3A_1000 = arith.addf %parallel_loop3A_972, %parallel_loop3A_999 : vector<16xf32>
      %parallel_loop3A_1001 = arith.constant 62 : i32
      %parallel_loop3A_1002 = arith.index_cast %parallel_loop3A_1001 : i32 to index
      %parallel_loop3A_1003 = arith.index_cast %parallel_loop3A_73 : i32 to index
      %parallel_loop3A_1004 = tpu.vector_load %arg21[%parallel_loop3A_1002, %parallel_loop3A_1003] {strides = array<i32>} : memref<64x512xi32, #tpu.memory_space<vmem>>, vector<16xi32>,
      %parallel_loop3A_1005 = arith.addi %parallel_loop3A_121, %parallel_loop3A_1004 : vector<16xi32>
      %parallel_loop3A_1006 = tpu.vector_load_idx %arg19[%parallel_loop3A_1005] : memref<1200xf32, #tpu.memory_space<vmem>>[vector<16xi32>], vector<16xf32>,
      %parallel_loop3A_1007 = arith.addf %parallel_loop3A_979, %parallel_loop3A_1006 : vector<16xf32>
      %parallel_loop3A_1008 = arith.constant 63 : i32
      %parallel_loop3A_1009 = arith.index_cast %parallel_loop3A_1008 : i32 to index
      %parallel_loop3A_1010 = arith.index_cast %parallel_loop3A_73 : i32 to index
      %parallel_loop3A_1011 = tpu.vector_load %arg20[%parallel_loop3A_1009, %parallel_loop3A_1010] {strides = array<i32>} : memref<64x512xi32, #tpu.memory_space<vmem>>, vector<16xi32>,
      %parallel_loop3A_1012 = arith.addi %parallel_loop3A_118, %parallel_loop3A_1011 : vector<16xi32>
      %parallel_loop3A_1013 = tpu.vector_load_idx %arg19[%parallel_loop3A_1012] : memref<1200xf32, #tpu.memory_space<vmem>>[vector<16xi32>], vector<16xf32>,
      %parallel_loop3A_1014 = arith.addf %parallel_loop3A_986, %parallel_loop3A_1013 : vector<16xf32>
      %parallel_loop3A_1015 = arith.constant 63 : i32
      %parallel_loop3A_1016 = arith.index_cast %parallel_loop3A_1015 : i32 to index
      %parallel_loop3A_1017 = arith.index_cast %parallel_loop3A_73 : i32 to index
      %parallel_loop3A_1018 = tpu.vector_load %arg21[%parallel_loop3A_1016, %parallel_loop3A_1017] {strides = array<i32>} : memref<64x512xi32, #tpu.memory_space<vmem>>, vector<16xi32>,
      %parallel_loop3A_1019 = arith.addi %parallel_loop3A_121, %parallel_loop3A_1018 : vector<16xi32>
      %parallel_loop3A_1020 = tpu.vector_load_idx %arg19[%parallel_loop3A_1019] : memref<1200xf32, #tpu.memory_space<vmem>>[vector<16xi32>], vector<16xf32>,
      %parallel_loop3A_1021 = arith.addf %parallel_loop3A_993, %parallel_loop3A_1020 : vector<16xf32>
      %parallel_loop3A_1022 = arith.addf %parallel_loop3A_1000, %parallel_loop3A_1014 : vector<16xf32>
      %parallel_loop3A_1023 = arith.constant 0.000000e+00 : f32
      %parallel_loop3A_1024 = vector.broadcast %parallel_loop3A_1023 : f32 to vector<16xf32>
      %parallel_loop3A_1025 = arith.subf %parallel_loop3A_1024, %parallel_loop3A_1022 : vector<16xf32>
      %parallel_loop3A_1026 = arith.index_cast %parallel_loop3A_73 : i32 to index
      %parallel_loop3A_1027 = tpu.vector_load %arg28[%parallel_loop3A_1026] {strides = array<i32>} : memref<512xf32, #tpu.memory_space<vmem>>, vector<16xf32>,
      %parallel_loop3A_1028 = arith.mulf %parallel_loop3A_1025, %parallel_loop3A_1027 : vector<16xf32>
      %parallel_loop3A_1029 = arith.addf %parallel_loop3A_1007, %parallel_loop3A_1021 : vector<16xf32>
      %parallel_loop3A_1030 = arith.constant 0.000000e+00 : f32
      %parallel_loop3A_1031 = vector.broadcast %parallel_loop3A_1030 : f32 to vector<16xf32>
      %parallel_loop3A_1032 = arith.subf %parallel_loop3A_1031, %parallel_loop3A_1029 : vector<16xf32>
      %parallel_loop3A_1033 = arith.index_cast %parallel_loop3A_73 : i32 to index
      %parallel_loop3A_1034 = tpu.vector_load %arg31[%parallel_loop3A_1033] {strides = array<i32>} : memref<512xf32, #tpu.memory_space<vmem>>, vector<16xf32>,
      %parallel_loop3A_1035 = arith.mulf %parallel_loop3A_1032, %parallel_loop3A_1034 : vector<16xf32>
      %parallel_loop3A_1036 = arith.index_cast %parallel_loop3A_73 : i32 to index
      %parallel_loop3A_1037 = tpu.vector_load %arg25[%parallel_loop3A_1036] {strides = array<i32>} : memref<512xf32, #tpu.memory_space<vmem>>, vector<16xf32>,
      %parallel_loop3A_1038 = arith.mulf %parallel_loop3A_100, %parallel_loop3A_1037 : vector<16xf32>
      %parallel_loop3A_1039 = arith.addf %parallel_loop3A_1028, %parallel_loop3A_1035 : vector<16xf32>
      %parallel_loop3A_1040 = arith.constant 1.000000e-01 : f32
      %parallel_loop3A_1041 = vector.broadcast %parallel_loop3A_1040 : f32 to vector<16xf32>
      %parallel_loop3A_1042 = arith.mulf %parallel_loop3A_1041, %parallel_loop3A_1039 : vector<16xf32>
      %parallel_loop3A_1043 = arith.addf %parallel_loop3A_1038, %parallel_loop3A_1042 : vector<16xf32>
      %parallel_loop3A_1044 = arith.index_cast %parallel_loop3A_73 : i32 to index
      %parallel_loop3A_1045 = tpu.vector_load %arg34[%parallel_loop3A_1044] {strides = array<i32>} : memref<512xf32, #tpu.memory_space<vmem>>, vector<16xf32>,
      %parallel_loop3A_1046 = arith.addf %parallel_loop3A_115, %parallel_loop3A_1045 : vector<16xf32>
      %parallel_loop3A_1047 = arith.constant 0.00999999977 : f32
      %parallel_loop3A_1048 = vector.broadcast %parallel_loop3A_1047 : f32 to vector<16xf32>
      %parallel_loop3A_1049 = arith.mulf %parallel_loop3A_1048, %parallel_loop3A_1046 : vector<16xf32>
      %parallel_loop3A_1050 = arith.addf %parallel_loop3A_1043, %parallel_loop3A_1049 : vector<16xf32>
      %parallel_loop3A_1051 = arith.index_cast %parallel_loop3A_73 : i32 to index
      %parallel_loop3A_1052 = tpu.vector_load %arg24[%parallel_loop3A_1051] {strides = array<i32>} : memref<512xf32, #tpu.memory_space<vmem>>, vector<16xf32>,
      %parallel_loop3A_1053 = arith.constant 1.000000e-03 : f32
      %parallel_loop3A_1054 = vector.broadcast %parallel_loop3A_1053 : f32 to vector<16xf32>
      %parallel_loop3A_1055 = arith.mulf %parallel_loop3A_1054, %parallel_loop3A_1052 : vector<16xf32>
      %parallel_loop3A_1056 = arith.addf %parallel_loop3A_1050, %parallel_loop3A_1055 : vector<16xf32>
      %parallel_loop3A_1057 = arith.index_cast %parallel_loop3A_73 : i32 to index
      %parallel_loop3A_1058 = tpu.vector_load %arg35[%parallel_loop3A_1057] {strides = array<i32>} : memref<512xf32, #tpu.memory_space<vmem>>, vector<16xf32>,
      tpu.vector_store %arg35[%parallel_loop3A_1057], %parallel_loop3A_1056 {strides = array<i32>} : memref<512xf32, #tpu.memory_space<vmem>>, vector<16xf32>,
    } {sc.loop_unroll_factor = 2 : i64, sc.parallel_access}
    "tpu.region"() ({
      %run_scoped3A = tpu.sem_alloc : memref<!tpu.dma_semaphore, #tpu.memory_space<semaphore_mem>>
      %dma_start3A_71 = tpu.memref_slice %arg18[%mul3A_2] : memref<16384xf32, #tpu.memory_space<hbm>> -> memref<512xf32, #tpu.memory_space<hbm>>
      %dma_start3A_72 = tpu.memref_slice %arg18[%mul3A_2] : memref<16384xf32, #tpu.memory_space<hbm>> -> memref<512xf32, #tpu.memory_space<hbm>>
      tpu.enqueue_dma source(%arg35 : memref<512xf32, #tpu.memory_space<vmem>>) target(%dma_start3A_72 : memref<512xf32, #tpu.memory_space<hbm>>) target_semaphore(%run_scoped3A : memref<!tpu.dma_semaphore, #tpu.memory_space<semaphore_mem>>)
      %dma_wait3A_73 = tpu.memref_slice %arg18[%mul3A_2] : memref<16384xf32, #tpu.memory_space<hbm>> -> memref<512xf32, #tpu.memory_space<hbm>>
      %dma_wait3A_74 = tpu.memref_slice %arg18[%mul3A_2] : memref<16384xf32, #tpu.memory_space<hbm>> -> memref<512xf32, #tpu.memory_space<hbm>>
      tpu.wait_dma2 semaphore(%run_scoped3A : memref<!tpu.dma_semaphore, #tpu.memory_space<semaphore_mem>>) src(%arg35 : memref<512xf32, #tpu.memory_space<vmem>>) dst(%dma_wait3A_74 : memref<512xf32, #tpu.memory_space<hbm>>)
      tpu.yield
    }) : () -> ()
    return
  }
}

module attributes {stable_mosaic.version = 14 : i64} {
  func.func @_tables_body(%arg0: memref<20x128xf32, #tpu.memory_space<vmem>>, %arg1: memref<3x20x20xf32, #tpu.memory_space<vmem>>) attributes {dimension_semantics = [], scalar_prefetch = 0 : i64, scratch_operands = 0 : i64, tpu.core_type = #tpu.core_type<tc>} {
    %get3A = arith.constant 0 : index
    %get3A_0 = arith.constant 0 : index
    %get3A_1 = vector.load %arg0[%get3A, %get3A_0] : memref<20x128xf32, #tpu.memory_space<vmem>>, vector<20x128xf32>
    %dot_general3A = arith.constant dense<0.000000e+00> : vector<20x20xf32>
    %dot_general3A_2 = tpu.matmul %get3A_1, %get3A_1, %dot_general3A {dimension_numbers = #tpu.dot_dimension_numbers<[1], [1], [0], [0], [0, 0, 1, 0], [], []>, precision = #tpu.contract_precision<fp32>, transpose_lhs_hint = false} : vector<20x128xf32>, vector<20x128xf32>, vector<20x20xf32> -> vector<20x20xf32>
    %swap3A = arith.constant 0 : index
    %swap3A_3 = arith.constant 0 : index
    %swap3A_4 = arith.constant 0 : index
    %swap3A_5 = vector.load %arg1[%swap3A, %swap3A_3, %swap3A_4] : memref<3x20x20xf32, #tpu.memory_space<vmem>>, vector<1x20x20xf32>
    %swap3A_6 = vector.shape_cast %swap3A_5 : vector<1x20x20xf32> to vector<20x20xf32>
    %swap3A_7 = vector.shape_cast %dot_general3A_2 : vector<20x20xf32> to vector<1x20x20xf32>
    tpu.vector_store %arg1[%swap3A, %swap3A_3, %swap3A_4], %swap3A_7 {strides = array<i32>} : memref<3x20x20xf32, #tpu.memory_space<vmem>>, vector<1x20x20xf32>,
    %neg3A = arith.constant 0.000000e+00 : f32
    %neg3A_8 = vector.broadcast %neg3A : f32 to vector<20x20xf32>
    %neg3A_9 = arith.subf %neg3A_8, %dot_general3A_2 : vector<20x20xf32>
    %custom_jvp_call3A = arith.constant 0.000000e+00 : f32
    %max3A = vector.broadcast %custom_jvp_call3A : f32 to vector<20x20xf32>
    %max3A_10 = arith.maximumf %neg3A_9, %max3A : vector<20x20xf32>
    %sub3A = vector.broadcast %custom_jvp_call3A : f32 to vector<20x20xf32>
    %sub3A_11 = arith.subf %neg3A_9, %sub3A : vector<20x20xf32>
    %ne3A = arith.cmpf one, %sub3A_11, %sub3A_11 : vector<20x20xf32>
    %add3A = vector.broadcast %custom_jvp_call3A : f32 to vector<20x20xf32>
    %add3A_12 = arith.addf %neg3A_9, %add3A : vector<20x20xf32>
    %abs3A = math.absf %sub3A_11 : vector<20x20xf32>
    %neg3A_13 = arith.constant 0.000000e+00 : f32
    %neg3A_14 = vector.broadcast %neg3A_13 : f32 to vector<20x20xf32>
    %neg3A_15 = arith.subf %neg3A_14, %abs3A : vector<20x20xf32>
    %exp3A = math.exp %neg3A_15 : vector<20x20xf32>
    %log1p3A = math.log1p %exp3A : vector<20x20xf32>
    %add3A_16 = arith.addf %max3A_10, %log1p3A : vector<20x20xf32>
    %select_n3A = arith.select %ne3A, %add3A_12, %add3A_16 : vector<20x20xi1>, vector<20x20xf32>
    %neg3A_17 = arith.constant 0.000000e+00 : f32
    %neg3A_18 = vector.broadcast %neg3A_17 : f32 to vector<20x20xf32>
    %neg3A_19 = arith.subf %neg3A_18, %select_n3A : vector<20x20xf32>
    %swap3A_20 = arith.constant 1 : index
    %swap3A_21 = arith.constant 0 : index
    %swap3A_22 = arith.constant 0 : index
    %swap3A_23 = vector.load %arg1[%swap3A_20, %swap3A_21, %swap3A_22] : memref<3x20x20xf32, #tpu.memory_space<vmem>>, vector<1x20x20xf32>
    %swap3A_24 = vector.shape_cast %swap3A_23 : vector<1x20x20xf32> to vector<20x20xf32>
    %swap3A_25 = vector.shape_cast %neg3A_19 : vector<20x20xf32> to vector<1x20x20xf32>
    tpu.vector_store %arg1[%swap3A_20, %swap3A_21, %swap3A_22], %swap3A_25 {strides = array<i32>} : memref<3x20x20xf32, #tpu.memory_space<vmem>>, vector<1x20x20xf32>,
    %neg3A_26 = arith.constant 0.000000e+00 : f32
    %neg3A_27 = vector.broadcast %neg3A_26 : f32 to vector<20x20xf32>
    %neg3A_28 = arith.subf %neg3A_27, %dot_general3A_2 : vector<20x20xf32>
    %neg3A_29 = arith.constant 0.000000e+00 : f32
    %neg3A_30 = vector.broadcast %neg3A_29 : f32 to vector<20x20xf32>
    %neg3A_31 = arith.subf %neg3A_30, %neg3A_28 : vector<20x20xf32>
    %custom_jvp_call3A_32 = arith.constant 0.000000e+00 : f32
    %max3A_33 = vector.broadcast %custom_jvp_call3A_32 : f32 to vector<20x20xf32>
    %max3A_34 = arith.maximumf %neg3A_31, %max3A_33 : vector<20x20xf32>
    %sub3A_35 = vector.broadcast %custom_jvp_call3A_32 : f32 to vector<20x20xf32>
    %sub3A_36 = arith.subf %neg3A_31, %sub3A_35 : vector<20x20xf32>
    %ne3A_37 = arith.cmpf one, %sub3A_36, %sub3A_36 : vector<20x20xf32>
    %add3A_38 = vector.broadcast %custom_jvp_call3A_32 : f32 to vector<20x20xf32>
    %add3A_39 = arith.addf %neg3A_31, %add3A_38 : vector<20x20xf32>
    %abs3A_40 = math.absf %sub3A_36 : vector<20x20xf32>
    %neg3A_41 = arith.constant 0.000000e+00 : f32
    %neg3A_42 = vector.broadcast %neg3A_41 : f32 to vector<20x20xf32>
    %neg3A_43 = arith.subf %neg3A_42, %abs3A_40 : vector<20x20xf32>
    %exp3A_44 = math.exp %neg3A_43 : vector<20x20xf32>
    %log1p3A_45 = math.log1p %exp3A_44 : vector<20x20xf32>
    %add3A_46 = arith.addf %max3A_34, %log1p3A_45 : vector<20x20xf32>
    %select_n3A_47 = arith.select %ne3A_37, %add3A_39, %add3A_46 : vector<20x20xi1>, vector<20x20xf32>
    %neg3A_48 = arith.constant 0.000000e+00 : f32
    %neg3A_49 = vector.broadcast %neg3A_48 : f32 to vector<20x20xf32>
    %neg3A_50 = arith.subf %neg3A_49, %select_n3A_47 : vector<20x20xf32>
    %swap3A_51 = arith.constant 2 : index
    %swap3A_52 = arith.constant 0 : index
    %swap3A_53 = arith.constant 0 : index
    %swap3A_54 = vector.load %arg1[%swap3A_51, %swap3A_52, %swap3A_53] : memref<3x20x20xf32, #tpu.memory_space<vmem>>, vector<1x20x20xf32>
    %swap3A_55 = vector.shape_cast %swap3A_54 : vector<1x20x20xf32> to vector<20x20xf32>
    %swap3A_56 = vector.shape_cast %neg3A_50 : vector<20x20xf32> to vector<1x20x20xf32>
    tpu.vector_store %arg1[%swap3A_51, %swap3A_52, %swap3A_53], %swap3A_56 {strides = array<i32>} : memref<3x20x20xf32, #tpu.memory_space<vmem>>, vector<1x20x20xf32>,
    return
  }
}

</mosaic_0001>

<sc_bundles>
// kernel: kernel.4.cloned.1.call-start
scs
__scs_entry_jumppad:
0x0: {  	(pc) =	sbr.rel $0x88, $3  }
0x1: {  	(tag) =	ssettag $0x0;
	lr =	simm.s32 $0x1  }
0x2: {  	[smem:$0x3F91] =	sst lr;
	_ =	strace $0xD0000000  }
0x3: {  	_ = 	snop  }
0x4: {  	_ = 	snop  }
0x5: {  	_ = 	snop  }
0x6: {  	_ = 	snop  }
0x7: {  	_ = 	snop  }
__scs_overlays_trampoline_lowered:
0x8: {  	[smem:$0x3FA0] =	sst s0  }
0x9: {  	[smem:$0x3FA1] =	sst s1  }
0xa: {  	[smem:$0x3FA2] =	sst s2  }
0xb: {  	[smem:$0x3FA3] =	sst s3  }
0xc: {  	[smem:$0x3FA4] =	sst s4  }
0xd: {  	[smem:$0x3FA5] =	sst s5  }
0xe: {  	[smem:$0x3FA6] =	sst s6  }
0xf: {  	[smem:$0x3FA7] =	sst s7  }
0x10: {  	[smem:$0x3FA8] =	sst s8  }
0x11: {  	[smem:$0x3FA9] =	sst s9;
	s0 =	simm.s32 @!p0 $0x0  }
0x12: {  	s1 =	sld [smem:$0x3F8F];
	s0 =	simm.s32 @p0 $0x1  }
0x13: {  	[smem:$0x3FAA] =	sst s0;
	s0 =	simm.s32 @!p1 $0x0  }
0x14: {  	s2 =	sld [smem:$0x3F8E];
	s0 =	simm.s32 @p1 $0x1  }
0x15: {  	[smem:$0x3FAB] =	sst s0;
	s0 =	simm.s32 @!p2 $0x0  }
0x16: {  	s3 =	sld [smem:$0x3FDB];
	s0 =	simm.s32 @p2 $0x1  }
0x17: {  	s4 =	simm.s32 $0x1BF5;
	[smem:$0x3FAD] =	sst s0  }
0x18: {  	s0 =	sld [smem:$0x3F90];
	_ =	swait.ge [sflag:s4], $0x0  }
0x19: {  	s7 =	sld [smem:$0x3F91]  }
0x1a: {  	s8 =	sadd.s32 $0xFFFFE003, lr  }
0x1b: {  	s9 =	sadd.s32 $0xFFFFFEF7, lr;
	s5 =	simm.s32 $0xFFFFFFFF;
	p2 =	slt.u32 s8, $0xFFFFF086  }
0x1c: {  	p1 =	slt.u32 s9, $0xF7A;
	s5 =	simm.s32 @!p2 $0x0  }
0x1d: {  	s5 =	simm.s32 @p1 $0x1;
	p0 =	seq.s32 s7, s2  }
0x1e: {  	s7 =	smul.u32 @!p0 $0xF7A, s2;
	p2 =	seq.s32 @!p0 s5, $0x0  }
0x1f: {  	s9 =	smul.u32 $0xF7A, s1;
	s8 =	simm.s32 @!p0 $0x1BF5;
	p2 =	por !p2, p0  }
0x20: {  	[sflag:s8] =	ssyncset.s32 @!p0 $0xFFFFF086;
	s6 =	sadd.s32 @!p0 s3, s7;
	s7 =	simm.s32 @!p0 $0x108  }
0x21: {  	s3 =	sadd.s32 s3, s9;
	s6 =	sadd.s32 @!p0 $0x88, s6;
	s7 =	simm.s32 @p2 $0x1082  }
0x22: {  	[simem:s7], [sflag:s8] =	dma.local @!p0 [hbm:s6], $0xF7A  }
0x23: {  	s9 =	sor.u32 $0xD0000000, s2;
	s6 =	simm.s32 $0x108;
	_ =	swait.ge @!p0 [sflag:s8], $0x0  }
0x24: {  	s3 =	sadd.s32 $0x88, s3;
	s6 =	simm.s32 @!p1 $0x1082;
	[sflag:s4] =	ssyncset.s32 $0xFFFFF086  }
0x25: {  	[simem:s6], [sflag:s4] =	dma.local [hbm:s3], $0xF7A  }
0x26: {  	[smem:$0x3F91] =	sst s1;
	(tag) =	ssettag s2;
	_ =	strace s9  }
0x27: {  	s1 =	sld [smem:$0x3FA1]  }
0x28: {  	s2 =	sld [smem:$0x3FA2]  }
0x29: {  	s4 =	sld [smem:$0x3FA4]  }
0x2a: {  	p0 =	seq.s32 s5, $0x0;
	s5 =	sld [smem:$0x3FA5]  }
0x2b: {  	s6 =	sld [smem:$0x3FA6]  }
0x2c: {  	s7 =	sld [smem:$0x3FA7]  }
0x2d: {  	s3 =	simm.s32 $0x108;
	s8 =	sld [smem:$0x3FA8]  }
0x2e: {  	s3 =	simm.s32 @!p0 $0x1082;
	s9 =	sld [smem:$0x3FA9]  }
0x2f: {  	lr =	sadd.s32 s0, s3;
	s0 =	sld [smem:$0x3FA0]  }
0x30: {  	s3 =	sld [smem:$0x3FA3]  }
0x31: {  	[smem:$0x3FAC] =	sst s10  }
0x32: {  	s10 =	sld [smem:$0x3FAA];
	_ =	sdelay $0x3  }
0x33: {  	p0 =	seq.s32 s10, $0x1;
	s10 =	sld [smem:$0x3FAC];
	_ =	sdelay $0x3  }
0x34: {  	[smem:$0x3FAC] =	sst s10  }
0x35: {  	s10 =	sld [smem:$0x3FAB];
	_ =	sdelay $0x3  }
0x36: {  	p1 =	seq.s32 s10, $0x1;
	s10 =	sld [smem:$0x3FAC];
	_ =	sdelay $0x3  }
0x37: {  	[smem:$0x3FAC] =	sst s10  }
0x38: {  	s10 =	sld [smem:$0x3FAD]  }
0x39: {  	_ = 	snop;
	(pc) =	sbr.ind lr, $3  }
0x3a: {  	_ = 	snop  }
0x3b: {  	_ = 	snop  }
0x3c: {  	p2 =	seq.s32 s10, $0x1;
	s10 =	sld [smem:$0x3FAC]  }
0x3d: {  	_ =	shalt  }
0x3e: {  	_ =	shalt  }
0x3f: {  	_ =	shalt  }
0x40: {  	_ =	shalt  }
0x41: {  	_ =	shalt  }
0x42: {  	_ =	shalt  }
0x43: {  	_ =	shalt  }
0x44: {  	_ =	shalt  }
0x45: {  	_ =	shalt  }
0x46: {  	_ =	shalt  }
0x47: {  	_ =	shalt  }
0x48: {  	_ =	shalt  }
0x49: {  	_ =	shalt  }
0x4a: {  	_ =	shalt  }
0x4b: {  	_ =	shalt  }
0x4c: {  	_ =	shalt  }
0x4d: {  	_ =	shalt  }
0x4e: {  	_ =	shalt  }
0x4f: {  	_ =	shalt  }
0x50: {  	_ =	shalt  }
0x51: {  	_ =	shalt  }
0x52: {  	_ =	shalt  }
0x53: {  	_ =	shalt  }
0x54: {  	_ =	shalt  }
0x55: {  	_ =	shalt  }
0x56: {  	_ =	shalt  }
0x57: {  	_ =	shalt  }
0x58: {  	_ =	shalt  }
0x59: {  	_ =	shalt  }
0x5a: {  	_ =	shalt  }
0x5b: {  	_ =	shalt  }
0x5c: {  	_ =	shalt  }
0x5d: {  	_ =	shalt  }
0x5e: {  	_ =	shalt  }
0x5f: {  	_ =	shalt  }
0x60: {  	_ =	shalt  }
0x61: {  	_ =	shalt  }
0x62: {  	_ =	shalt  }
0x63: {  	_ =	shalt  }
0x64: {  	_ =	shalt  }
0x65: {  	_ =	shalt  }
0x66: {  	_ =	shalt  }
0x67: {  	_ =	shalt  }
0x68: {  	_ =	shalt  }
0x69: {  	_ =	shalt  }
0x6a: {  	_ =	shalt  }
0x6b: {  	_ =	shalt  }
0x6c: {  	_ =	shalt  }
0x6d: {  	_ =	shalt  }
0x6e: {  	_ =	shalt  }
0x6f: {  	_ =	shalt  }
0x70: {  	_ =	shalt  }
0x71: {  	_ =	shalt  }
0x72: {  	_ =	shalt  }
0x73: {  	_ =	shalt  }
0x74: {  	_ =	shalt  }
0x75: {  	_ =	shalt  }
0x76: {  	_ =	shalt  }
0x77: {  	_ =	shalt  }
0x78: {  	_ =	shalt  }
0x79: {  	_ =	shalt  }
0x7a: {  	_ =	shalt  }
0x7b: {  	_ =	shalt  }
0x7c: {  	_ =	shalt  }
0x7d: {  	_ =	shalt  }
0x7e: {  	_ =	shalt  }
0x7f: {  	_ =	shalt  }
0x80: {  	_ =	shalt  }
0x81: {  	_ =	shalt  }
0x82: {  	_ =	shalt  }
0x83: {  	_ =	shalt  }
0x84: {  	_ =	shalt  }
0x85: {  	_ =	shalt  }
0x86: {  	_ =	shalt  }
0x87: {  	_ =	shalt  }
.Lfunc_end0:
.L_simem_size_0:
called_computation_lowered:
.L_overlay_start_0:
0x88: {  	s2 =	sld [smem:$0x3FD9]  }
0x89: {  	s3 =	sld [smem:$0x3FFE];
	_ =	sdelay $0x1  }
0x8a: {  	s1 =	srdreg.scid  }
0x8b: {  	s0 =	sand.u32 $0x1, s1  }
0x8c: {  	s23 =	sshll.u32 s0, $0xA;
	s2 =	sadd.s32 s3, s2  }
0x8d: {  	s2 =	sadd.s32 s2, s23  }
0x8e: {  	[smem:$0x3FB8] =	sst s2  }
0x8f: {  	_ = 	snop  }
0x90: {  	s2 =	sld [smem:$0x3FC9]  }
0x91: {  	s3 =	sld [smem:$0x3FC8]  }
0x92: {  	s4 =	sld [smem:$0x3FC7]  }
0x93: {  	s5 =	sld [smem:$0x3FC6]  }
0x94: {  	s6 =	sld [smem:$0x3FC5]  }
0x95: {  	s7 =	sld [smem:$0x3FC4]  }
0x96: {  	s8 =	sld [smem:$0x3FC3]  }
0x97: {  	s9 =	sld [smem:$0x3FC2]  }
0x98: {  	s10 =	sld [smem:$0x3FC1]  }
0x99: {  	s11 =	sld [smem:$0x3FC0]  }
0x9a: {  	s12 =	sld [smem:$0x3FBF]  }
0x9b: {  	s13 =	sld [smem:$0x3FBE]  }
0x9c: {  	s14 =	sld [smem:$0x3FBD]  }
0x9d: {  	s15 =	sld [smem:$0x3FBC]  }
0x9e: {  	s17 =	sld [smem:$0x3FBB]  }
0x9f: {  	s18 =	sld [smem:$0x3FD0];
	(tm) =	ssettm $0x1  }
0xa0: {  	s16 =	sld [smem:$0x3FFB];
	_ =	sdelay $0x3  }
0xa1: {  	_ =	strace s16  }
0xa2: {  	s16 =	sld [smem:$0x3FFC];
	_ =	sdelay $0x3  }
0xa3: {  	_ =	strace s16  }
0xa4: {  	s16 =	sld [smem:$0x3FFD];
	_ =	sdelay $0x3  }
0xa5: {  	_ =	strace s16  }
0xa6: {  	_ =	strace $0x8FFFFFFF  }
0xa7: {  	s24 =	sld [smem:$0x3FDB];
	_ =	sdelay $0x1  }
0xa8: {  	s19 =	simm.s32 $_scs_section_size  }
0xa9: {  	s20 =	simm.s32 $_size__tile_task_arg_handler_lowered;
	s21 =	simm.s32 $_tile_task_arg_handler_lowered  }
0xaa: {  	s28 =	simm.s32 $0x1BFF;
	s26 =	sshll.u32 s21, $0x1;
	s19 =	sadd.s32 s19, s24  }
0xab: {  	s22 =	simm.s32 $0x60;
	s25 =	sshll.u32 s20, $0x1;
	s20 =	sadd.s32 s26, s19  }
0xac: {  	[timem:s22], [sflag:s28] =	dma.local [hbm:s20], s25  }
0xad: {  	_ =	swait.ge [sflag:s28], s25  }
0xae: {  	s29 =	simm.s32 $_tile_overlayer_lowered;
	s16 =	ssub.s32 $0x0, s25;
	[sflag:s28] =	ssyncset.done $0x0  }
0xaf: {  	s30 =	simm.s32 $_size__tile_overlayer_lowered;
	s20 =	sshll.u32 s29, $0x1;
	[sflag:s28] =	ssyncadd.s32 s16  }
0xb0: {  	s31 =	sshll.u32 s30, $0x1;
	s20 =	sadd.s32 s20, s19;
	s16 =	simm.s32 $0x0  }
0xb1: {  	[timem:s16], [sflag:s28] =	dma.local [hbm:s20], s31  }
0xb2: {  	_ =	swait.ge [sflag:s28], s31  }
0xb3: {  	s22 =	ssub.s32 $0x0, s31;
	[sflag:s28] =	ssyncset.done $0x0  }
0xb4: {  	[sflag:s28] =	ssyncadd.s32 s22;
	_ =	sdelay $0x1  }
0xb5: {  	s23 =	simm.s32 $0x1B8B  }
0xb6: {  	_ =	swait.ge [sflag:s23], $0x1  }
0xb7: {  	[sflag:s23] =	ssyncset.done $0x0  }
0xb8: {  	s25 =	simm.s32 $0x1B8E;
	s24 =	sld [smem:$0x3FFE];
	[sflag:s23] =	ssyncadd.s32 $0xFFFFFFFF  }
0xb9: {  	s26 =	simm.s32 $execute0_lowered;
	[smem:$0x3FD2] =	sst s25  }
0xba: {  	s21 =	sshll.u32 s26, $0x1;
	_ =	strace $0x80000046;
	[dreg:$0x1] =	wrdreg $0xFFFFFFFF  }
0xbb: {  	s19 =	sadd.s32 s19, s21;
	s28 =	simm.s32 $_size_execute0_lowered;
	[dreg:$0x0] =	wrdreg $0x0  }
0xbc: {  	s21 =	sshll.u32 s28, $0x1;
	[dreg:$0x2] =	wrdreg s19  }
0xbd: {  	[dreg:$0x3] =	wrdreg s21  }
0xbe: {  	[dreg:$0x4] =	wrdreg $0xC0  }
0xbf: {  	_ =	task [dreg:s16], $0x5FFFF  }
0xc0: {  	[dreg:$0x1] =	wrdreg $0xFFFFFFFF  }
0xc1: {  	[dreg:$0x0] =	wrdreg $0x30  }
0xc2: {  	[dreg:$0x2] =	wrdreg $0x0  }
0xc3: {  	[dreg:$0x3] =	wrdreg s17  }
0xc4: {  	[dreg:$0x4] =	wrdreg s24  }
0xc5: {  	[dreg:$0x5] =	wrdreg s18  }
0xc6: {  	[dreg:$0x6] =	wrdreg $0x9  }
0xc7: {  	_ =	task [dreg:s16], $0x7FFFF  }
0xc8: {  	[dreg:$0x1] =	wrdreg $0xFFFFFFFF  }
0xc9: {  	[dreg:$0x0] =	wrdreg $0x60  }
0xca: {  	[dreg:$0x2] =	wrdreg s2  }
0xcb: {  	[dreg:$0x3] =	wrdreg s3  }
0xcc: {  	[dreg:$0x4] =	wrdreg s4  }
0xcd: {  	[dreg:$0x5] =	wrdreg s5  }
0xce: {  	[dreg:$0x6] =	wrdreg s6  }
0xcf: {  	[dreg:$0x7] =	wrdreg s7  }
0xd0: {  	[dreg:$0x8] =	wrdreg s8  }
0xd1: {  	[dreg:$0x9] =	wrdreg s9  }
0xd2: {  	[dreg:$0xa] =	wrdreg s10  }
0xd3: {  	[dreg:$0xb] =	wrdreg s11  }
0xd4: {  	[dreg:$0xc] =	wrdreg s12  }
0xd5: {  	[dreg:$0xd] =	wrdreg s13  }
0xd6: {  	[dreg:$0xe] =	wrdreg s14  }
0xd7: {  	[dreg:$0xf] =	wrdreg s15  }
0xd8: {  	_ =	task.clear_ibuf [dreg:s16], $0x10FFFF;
	_ =	strace $0x90000046  }
0xd9: {  	s29 =	simm.s32 $0x9;
	_ =	strace $0x80000048  }
0xda: {  	_ =	swait.ge [sflag:s29], $0x1  }
0xdb: {  	[sflag:s29] =	ssyncadd.s32 $0xFFFFFFFF  }
0xdc: {  	_ =	strace $0x90000048  }
0xdd: {  	_ =	sfence  }
0xde: {  	s30 =	sld [smem:$0x0];
	_ =	sdelay $0x2  }
0xdf: {  	s31 =	sshll.u32 s1, $0xD;
	s1 =	sshrl.u32 s1, $0x2  }
0xe0: {  	s3 =	sand.u32 $0x4000, s31;
	s1 =	sadd.s32 s1, s30  }
0xe1: {  	s0 =	sor.u32 s3, s0;
	s1 =	sshll.u32 s1, $0x11  }
0xe2: {  	s0 =	sor.u32 s1, s0  }
0xe3: {  	s0 =	sadd.s32 $0x8F2B, s0  }
0xe4: {  	[sflag:s0] =	ssyncadd.remote.s32 $0x1  }
0xe5: {  	_ =	sfence.sel $0xFFFF  }
0xe6: {  	[dreg:$0x0] =	wrdreg $0xFFFFFFFF;
	(pc) =	sbr.abs _section_cstart, $3  }
0xe7: {  	[dreg:$0x1] =	wrdreg $0xFFFFFFFF  }
0xe8: {  	_ =	task.clear_ibuf [dreg:s16], $0x2FFFF;
	_ =	strace $0x9FFFFFFF  }
0xe9: {  	(tm) =	ssettm $0x7FFFFFFF  }
tec
_tile_task_arg_handler_lowered:
.L_overlay_start_1:
0x0: {  	(tag) =	ssettag $0x1  }
0x1: {  	s0 =	rddreg [dreg:$0x0]  }
0x2: {  	s1 =	rddreg [dreg:$0x1]  }
0x3: {  	s2 =	rddreg [dreg:$0x2]  }
0x4: {  	s3 =	rddreg [dreg:$0x3]  }
0x5: {  	s4 =	rddreg [dreg:$0x4]  }
0x6: {  	s5 =	rddreg [dreg:$0x5]  }
0x7: {  	s6 =	rddreg [dreg:$0x6]  }
0x8: {  	s7 =	rddreg [dreg:$0x7]  }
0x9: {  	s8 =	rddreg [dreg:$0x8]  }
0xa: {  	s9 =	rddreg [dreg:$0x9]  }
0xb: {  	s10 =	rddreg [dreg:$0xa]  }
0xc: {  	s11 =	rddreg [dreg:$0xb]  }
0xd: {  	s12 =	rddreg [dreg:$0xc]  }
0xe: {  	s13 =	rddreg [dreg:$0xd]  }
0xf: {  	[smem:s0] =	sst s1  }
0x10: {  	[smem:s0+$0x1] =	sst s2  }
0x11: {  	[smem:s0+$0x2] =	sst s3  }
0x12: {  	[smem:s0+$0x3] =	sst s4  }
0x13: {  	[smem:s0+$0x4] =	sst s5  }
0x14: {  	[smem:s0+$0x5] =	sst s6  }
0x15: {  	[smem:s0+$0x6] =	sst s7  }
0x16: {  	[smem:s0+$0x7] =	sst s8  }
0x17: {  	[smem:s0+$0x8] =	sst s9  }
0x18: {  	[smem:s0+$0x9] =	sst s10  }
0x19: {  	[smem:s0+$0xA] =	sst s11  }
0x1a: {  	[smem:s0+$0xB] =	sst s12  }
0x1b: {  	[smem:s0+$0xC] =	sst s13;
	_ =	shalt  }
.Lfunc_end2:
execute0_lowered:
.L_overlay_start_2:
0x1c: {  	(tag) =	ssettag $0x2  }
0x1d: {  	s0 =	rddreg [dreg:$0x0]  }
0x1e: {  	s2 =	rddreg [dreg:$0x1]  }
0x1f: {  	s3 =	rddreg [dreg:$0x2]  }
0x20: {  	s4 =	rddreg [dreg:$0x3]  }
0x21: {  	s5 =	rddreg [dreg:$0x4]  }
0x22: {  	s11 =	rddreg [dreg:$0x5]  }
0x23: {  	s6 =	rddreg [dreg:$0x6]  }
0x24: {  	s12 =	rddreg [dreg:$0x7]  }
0x25: {  	s13 =	rddreg [dreg:$0x8]  }
0x26: {  	s14 =	rddreg [dreg:$0x9]  }
0x27: {  	s7 =	rddreg [dreg:$0xa]  }
0x28: {  	s15 =	rddreg [dreg:$0xb]  }
0x29: {  	s16 =	rddreg [dreg:$0xc]  }
0x2a: {  	s17 =	rddreg [dreg:$0xd];
	s1 =	simm.s32 $0x0;
	s9 =	srdreg.scid  }
0x2b: {  	s21 =	stileid.u32;
	s29 =	simm.s32 $0x1;
	[smem:$0x7FF] =	sst s1  }
0x2c: {  	s31 =	simm.s32 $0x2;
	s9 =	sand.u32 $0x1, s9;
	s18 =	sld [smem:$0x0]  }
0x2d: {  	s21 =	sshll.u32 s21, $0xA;
	s8 =	sld [smem:$0x1];
	s25 =	ssub.s32 $0x2, s9  }
0x2e: {  	s10 =	sld [smem:$0x3];
	s9 =	sshll.u32 s9, $0x9;
	s20 =	sshrl.u32 s25, $0x1  }
0x2f: {  	s19 =	sld [smem:$0x2];
	s26 =	sor.u32 s9, s21;
	s20 =	ssub.s32 s25, s20  }
0x30: {  	s6 =	sadd.s32 s6, s26;
	s28 =	sadd.s32 s7, s26;
	s21 =	sshrl.u32 s26, $0x3  }
0x31: {  	[dreg:$0xe] =	wrdreg s10;
	s8 =	sadd.s32 $0x600, s8;
	s0 =	sadd.s32 s0, s21  }
0x32: {  	s30 =	sadd.s32 s2, s21;
	s9 =	sadd.s32 s4, s21;
	s10 =	sadd.s32 s5, s21  }
0x33: {  	s11 =	sadd.s32 s11, s21;
	s12 =	sadd.s32 s12, s21;
	s13 =	sadd.s32 s13, s21  }
0x34: {  	s14 =	sadd.s32 s14, s21;
	_ =	strace $0x80000047;
	[dreg:$0xf] =	wrdreg s8  }
0x35: {  	s15 =	sadd.s32 s15, s21;
	s16 =	sadd.s32 s16, s21;
	[dreg:$0x10] =	wrdreg s6  }
0x36: {  	s17 =	sadd.s32 s17, s21;
	s18 =	sadd.s32 s18, s21;
	[dreg:$0x11] =	wrdreg s28  }
0x37: {  	s19 =	sadd.s32 s19, s21;
	s20 =	smax.u32 s20, $0x1;
	[dreg:$0x12] =	wrdreg s0  }
0x38: {  	s2 =	simm.s32 $0x0;
	[dreg:$0x13] =	wrdreg s30;
	s8 =	sadd.s32 s3, s21  }
.LBB3_1:
0x39: {  	s0 =	rddreg [dreg:$0xf]  }
0x3a: {  	s24 =	rddreg [dreg:$0x10]  }
0x3b: {  	[tilespmem:s1], [sflag:$0x1] =	stream.linear.gather [hbm4b:s0+s1], $0x500, $0x38;
	[tilespmem:$0x12100] =	vst v63  }
0x3c: {  	s3 =	simm.s32 $0x1000;
	s4 =	simm.s32 $0x20000;
	s5 =	simm.s32 $0x500  }
0x3d: {  	[tilespmem:s5], [sflag:$0x1] =	stream.strided.gather [hbm4b:s24+s3], $0x8000, s4, s3, $0x38;
	[tilespmem:$0x12100] =	vst v63  }
0x3e: {  	s25 =	rddreg [dreg:$0x11];
	s26 =	simm.s32 $0x8500  }
0x3f: {  	[tilespmem:s26], [sflag:$0x1] =	stream.strided.gather [hbm4b:s25+s3], $0x8000, s4, s3, $0x38;
	[tilespmem:$0x12100] =	vst v63  }
0x40: {  	s28 =	rddreg [dreg:$0x12];
	s30 =	simm.s32 $0x10500  }
0x41: {  	[tilespmem:s30], [sflag:$0x1] =	stream.linear.gather [hbm4b:s28+s1], $0x200, $0x38;
	[tilespmem:$0x12100] =	vst v63  }
0x42: {  	s3 =	rddreg [dreg:$0x13];
	s4 =	simm.s32 $0x10700  }
0x43: {  	[tilespmem:s4], [sflag:$0x1] =	stream.linear.gather [hbm4b:s3+s1], $0x200, $0x38;
	[tilespmem:$0x12100] =	vst v63  }
0x44: {  	s5 =	simm.s32 $0x10900  }
0x45: {  	[tilespmem:s5], [sflag:$0x1] =	stream.linear.gather [hbm4b:s8+s1], $0x200, $0x38;
	[tilespmem:$0x12100] =	vst v63  }
0x46: {  	s6 =	simm.s32 $0x10B00  }
0x47: {  	[tilespmem:s6], [sflag:$0x1] =	stream.linear.gather [hbm4b:s9+s1], $0x200, $0x38;
	[tilespmem:$0x12100] =	vst v63  }
0x48: {  	s7 =	simm.s32 $0x10D00  }
0x49: {  	[tilespmem:s7], [sflag:$0x1] =	stream.linear.gather [hbm4b:s10+s1], $0x200, $0x38;
	[tilespmem:$0x12100] =	vst v63  }
0x4a: {  	s21 =	simm.s32 $0x10F00  }
0x4b: {  	[tilespmem:s21], [sflag:$0x1] =	stream.linear.gather [hbm4b:s11+s1], $0x200, $0x38;
	[tilespmem:$0x12100] =	vst v63  }
0x4c: {  	s22 =	simm.s32 $0x11100  }
0x4d: {  	[tilespmem:s22], [sflag:$0x1] =	stream.linear.gather [hbm4b:s12+s1], $0x200, $0x38;
	[tilespmem:$0x12100] =	vst v63  }
0x4e: {  	s23 =	simm.s32 $0x11300  }
0x4f: {  	[tilespmem:s23], [sflag:$0x1] =	stream.linear.gather [hbm4b:s13+s1], $0x200, $0x38;
	[tilespmem:$0x12100] =	vst v63  }
0x50: {  	s24 =	simm.s32 $0x11500  }
0x51: {  	[tilespmem:s24], [sflag:$0x1] =	stream.linear.gather [hbm4b:s14+s1], $0x200, $0x38;
	[tilespmem:$0x12100] =	vst v63  }
0x52: {  	s25 =	simm.s32 $0x11700  }
0x53: {  	[tilespmem:s25], [sflag:$0x1] =	stream.linear.gather [hbm4b:s15+s1], $0x200, $0x38;
	[tilespmem:$0x12100] =	vst v63  }
0x54: {  	s26 =	simm.s32 $0x11900  }
0x55: {  	[tilespmem:s26], [sflag:$0x1] =	stream.linear.gather [hbm4b:s16+s1], $0x200, $0x38;
	[tilespmem:$0x12100] =	vst v63  }
0x56: {  	s28 =	simm.s32 $0x11B00  }
0x57: {  	[tilespmem:s28], [sflag:$0x1] =	stream.linear.gather [hbm4b:s17+s1], $0x200, $0x38;
	[tilespmem:$0x12100] =	vst v63  }
0x58: {  	s30 =	simm.s32 $0x11D00  }
0x59: {  	[tilespmem:s30], [sflag:$0x1] =	stream.linear.gather [hbm4b:s18+s1], $0x200, $0x38;
	[tilespmem:$0x12100] =	vst v63  }
0x5a: {  	_ =	swait.ge [sflag:s29], $0x500  }
0x5b: {  	[sflag:s29] =	ssyncset.done $0x0  }
0x5c: {  	[sflag:s29] =	ssyncadd.s32 $0xFFFFFB00  }
0x5d: {  	_ =	swait.ge [sflag:s29], $0x8000  }
0x5e: {  	[sflag:s29] =	ssyncset.done $0x0  }
0x5f: {  	[sflag:s29] =	ssyncadd.s32 $0xFFFF8000  }
0x60: {  	_ =	swait.ge [sflag:s29], $0x8000  }
0x61: {  	[sflag:s29] =	ssyncset.done $0x0  }
0x62: {  	[sflag:s29] =	ssyncadd.s32 $0xFFFF8000  }
0x63: {  	_ =	swait.ge [sflag:s29], $0x200  }
0x64: {  	[sflag:s29] =	ssyncset.done $0x0  }
0x65: {  	[sflag:s29] =	ssyncadd.s32 $0xFFFFFE00  }
0x66: {  	_ =	swait.ge [sflag:s29], $0x200  }
0x67: {  	[sflag:s29] =	ssyncset.done $0x0  }
0x68: {  	[sflag:s29] =	ssyncadd.s32 $0xFFFFFE00  }
0x69: {  	_ =	swait.ge [sflag:s29], $0x200  }
0x6a: {  	[sflag:s29] =	ssyncset.done $0x0  }
0x6b: {  	[sflag:s29] =	ssyncadd.s32 $0xFFFFFE00  }
0x6c: {  	_ =	swait.ge [sflag:s29], $0x200  }
0x6d: {  	[sflag:s29] =	ssyncset.done $0x0  }
0x6e: {  	[sflag:s29] =	ssyncadd.s32 $0xFFFFFE00  }
0x6f: {  	_ =	swait.ge [sflag:s29], $0x200  }
0x70: {  	[sflag:s29] =	ssyncset.done $0x0  }
0x71: {  	[sflag:s29] =	ssyncadd.s32 $0xFFFFFE00  }
0x72: {  	_ =	swait.ge [sflag:s29], $0x200  }
0x73: {  	[sflag:s29] =	ssyncset.done $0x0  }
0x74: {  	[sflag:s29] =	ssyncadd.s32 $0xFFFFFE00  }
0x75: {  	_ =	swait.ge [sflag:s29], $0x200  }
0x76: {  	[sflag:s29] =	ssyncset.done $0x0  }
0x77: {  	[sflag:s29] =	ssyncadd.s32 $0xFFFFFE00  }
0x78: {  	_ =	swait.ge [sflag:s29], $0x200  }
0x79: {  	[sflag:s29] =	ssyncset.done $0x0  }
0x7a: {  	[sflag:s29] =	ssyncadd.s32 $0xFFFFFE00  }
0x7b: {  	_ =	swait.ge [sflag:s29], $0x200  }
0x7c: {  	[sflag:s29] =	ssyncset.done $0x0  }
0x7d: {  	[sflag:s29] =	ssyncadd.s32 $0xFFFFFE00  }
0x7e: {  	_ =	swait.ge [sflag:s29], $0x200  }
0x7f: {  	[sflag:s29] =	ssyncset.done $0x0  }
0x80: {  	[sflag:s29] =	ssyncadd.s32 $0xFFFFFE00  }
0x81: {  	_ =	swait.ge [sflag:s29], $0x200  }
0x82: {  	[sflag:s29] =	ssyncset.done $0x0  }
0x83: {  	[sflag:s29] =	ssyncadd.s32 $0xFFFFFE00  }
0x84: {  	_ =	swait.ge [sflag:s29], $0x200  }
0x85: {  	[sflag:s29] =	ssyncset.done $0x0  }
0x86: {  	[sflag:s29] =	ssyncadd.s32 $0xFFFFFE00  }
0x87: {  	s0 =	simm.s32 $0xFFFFFFFE;
	_ =	swait.ge [sflag:s29], $0x200  }
0x88: {  	s23 =	simm.s32 $0x0;
	s24 =	simm.s32 $0x0;
	[sflag:s29] =	ssyncset.done $0x0  }
0x89: {  	s25 =	simm.s32 $0x0;
	s26 =	simm.s32 $0x0;
	[sflag:s29] =	ssyncadd.s32 $0xFFFFFE00  }
.LBB3_2:
0x8a: {  	s28 =	sshra.s32 s23, $0x2  }
0x8b: {  	v0 =	vld [tilespmem:s28+$0x10500]  }
0x8c: {  	v1 =	vld [tilespmem:s28+$0x10D00]  }
0x8d: {  	v2 =	vld [tilespmem:s28+$0x10700]  }
0x8e: {  	v3 =	vld [tilespmem:s28+$0x10F00]  }
0x8f: {  	v21 =	vld [tilespmem:s28+$0x11300]  }
0x90: {  	v4 =	vld [tilespmem:s28+$0x11500]  }
0x91: {  	s30 =	sand.u32 $0x60, s24;
	s3 =	sand.u32 $0xC00, s26;
	v5 =	vld [tilespmem:s28+$0x11900]  }
0x92: {  	v6 =	vld [tilespmem:s28+$0x11B00];
	s22 =	sor.u32 s30, s3  }
0x93: {  	v23 =	vld [tilespmem:s22+$0x500]  }
0x94: {  	v7 =	vld [tilespmem:s22+$0x8500]  }
0x95: {  	v26 =	vld [tilespmem:s22+$0x580]  }
0x96: {  	v9 =	vld [tilespmem:s22+$0x8580]  }
0x97: {  	v27 =	vld [tilespmem:s22+$0x600]  }
0x98: {  	v29 =	vld [tilespmem:s22+$0x8600]  }
0x99: {  	v35 =	vld [tilespmem:s22+$0x700]  }
0x9a: {  	v36 =	vld [tilespmem:s22+$0x8700]  }
0x9b: {  	v37 =	vld [tilespmem:s22+$0x780]  }
0x9c: {  	v38 =	vld [tilespmem:s22+$0x8780]  }
0x9d: {  	v43 =	vld [tilespmem:s22+$0x1500]  }
0x9e: {  	v44 =	vld [tilespmem:s22+$0x9500]  }
0x9f: {  	v50 =	vld [tilespmem:s22+$0x1580]  }
0xa0: {  	v51 =	vld [tilespmem:s22+$0x9580]  }
0xa1: {  	v52 =	vld [tilespmem:s22+$0x1600]  }
0xa2: {  	s4 =	sand.u32 $0xFFFFFC00, s26;
	v53 =	vld [tilespmem:s22+$0x9600]  }
0xa3: {  	s4 =	sadd.s32 s4, s24;
	v56 =	vld [tilespmem:s22+$0x1700]  }
0xa4: {  	s5 =	sor.u32 $0x180, s4;
	v57 =	vld [tilespmem:s22+$0x9700];
	v0 =	vmul.u32 $0x14, v0  }
0xa5: {  	s6 =	sand.u32 $0x3, s25;
	v10 =	vld [tilespmem:s5+$0x500]  }
0xa6: {  	v11 =	vld [tilespmem:s5+$0x8500];
	s5 =	sshll.u32 s6, $0x5;
	v0 =	vadd.s32 v2, v0  }
0xa7: {  	v58 =	vld [tilespmem:s22+$0x1780];
	s21 =	sadd.s32 s5, s26  }
0xa8: {  	v59 =	vld [tilespmem:s22+$0x9780];
	s6 =	sor.u32 $0x300, s21  }
0xa9: {  	v39 =	vld [tilespmem:s6+$0x500]  }
0xaa: {  	s5 =	sor.u32 s24, s26;
	v40 =	vld [tilespmem:s6+$0x8500]  }
0xab: {  	s7 =	sor.u32 $0x380, s5;
	v0 =	vld.idx.msk [tilespmem:v0+s1+$0x0], $0xffff  }
0xac: {  	v41 =	vld [tilespmem:s7+$0x500]  }
0xad: {  	v1 =	vmul.u32 $0x14, v1;
	v22 =	vmul.u32 $0x14, v21;
	v25 =	vmul.u32 $0x14, v5;
	v42 =	vld [tilespmem:s7+$0x8500];
	s7 =	sor.u32 $0x1180, s4  }
0xae: {  	v54 =	vld [tilespmem:s7+$0x500]  }
0xaf: {  	v55 =	vld [tilespmem:s7+$0x8500];
	s7 =	sor.u32 $0x1300, s21;
	v20 =	vadd.s32 v1, v3;
	v24 =	vadd.s32 v22, v4;
	v4 =	vadd.s32 v6, v25  }
0xb0: {  	v60 =	vld [tilespmem:s7+$0x500];
	v2 =	vadd.s32 $0x190, v20;
	[tilespmem:$0x1FFE0] =	vst v0;
	v0 =	vadd.s32 $0x320, v1  }
0xb1: {  	v61 =	vld [tilespmem:s7+$0x8500];
	s7 =	sor.u32 $0x1380, s5;
	v28 =	vadd.s32 v0, v23  }
0xb2: {  	v62 =	vld [tilespmem:s7+$0x500];
	v1 =	vadd.s32 $0x320, v22;
	v5 =	vadd.s32 v0, v26  }
0xb3: {  	v63 =	vld [tilespmem:s7+$0x8500];
	v30 =	vadd.s32 v1, v9  }
0xb4: {  	v4 =	vld.idx.msk [tilespmem:v4+s1+$0x0], $0xffff;
	v31 =	vadd.s32 v0, v27  }
0xb5: {  	v12 =	vld.idx.msk [tilespmem:v2+s1+$0x0], $0xffff;
	v32 =	vadd.s32 v1, v29  }
0xb6: {  	v33 =	vadd.s32 v0, v10;
	v18 =	vld.idx.msk [tilespmem:v28+s1+$0x0], $0xffff  }
0xb7: {  	v34 =	vadd.s32 v1, v11;
	v19 =	vld.idx.msk [tilespmem:v5+s1+$0x0], $0xffff  }
0xb8: {  	v2 =	vadd.s32 v0, v35;
	v21 =	vld.idx.msk [tilespmem:v30+s1+$0x0], $0xffff  }
0xb9: {  	v3 =	vadd.s32 v1, v36;
	v16 =	vld.idx.msk [tilespmem:v31+s1+$0x0], $0xffff  }
0xba: {  	[tilespmem:$0x1FFF0] =	vst v4;
	v4 =	vadd.s32 v0, v37;
	v17 =	vld.idx.msk [tilespmem:v32+s1+$0x0], $0xffff  }
0xbb: {  	v6 =	vadd.s32 v0, v39;
	v14 =	vld.idx.msk [tilespmem:v33+s1+$0x0], $0xffff  }
0xbc: {  	v45 =	vadd.s32 v1, v40;
	v15 =	vld.idx.msk [tilespmem:v34+s1+$0x0], $0xffff  }
0xbd: {  	v46 =	vadd.s32 v0, v41;
	v22 =	vld.idx.msk [tilespmem:v2+s1+$0x0], $0xffff  }
0xbe: {  	v47 =	vadd.s32 v1, v42;
	v23 =	vld.idx.msk [tilespmem:v3+s1+$0x0], $0xffff  }
0xbf: {  	v8 =	vadd.s32 $0x190, v24;
	v48 =	vadd.s32 v0, v43;
	v24 =	vld.idx.msk [tilespmem:v4+s1+$0x0], $0xffff  }
0xc0: {  	v49 =	vadd.s32 v1, v44;
	v28 =	vld.idx.msk [tilespmem:v6+s1+$0x0], $0xffff  }
0xc1: {  	v31 =	vld.idx.msk [tilespmem:v45+s1+$0x0], $0xffff  }
0xc2: {  	v29 =	vld.idx.msk [tilespmem:v46+s1+$0x0], $0xffff  }
0xc3: {  	v30 =	vld.idx.msk [tilespmem:v47+s1+$0x0], $0xffff  }
0xc4: {  	v25 =	vld.idx.msk [tilespmem:v48+s1+$0x0], $0xffff  }
0xc5: {  	v26 =	vld.idx.msk [tilespmem:v49+s1+$0x0], $0xffff  }
0xc6: {  	s7 =	sor.u32 $0x2180, s4;
	v5 =	vadd.s32 v1, v38;
	v6 =	vadd.s32 v0, v58;
	v58 =	vld [tilespmem:s22+$0xA600]  }
0xc7: {  	v2 =	vadd.s32 v0, v50;
	v48 =	vadd.s32 v1, v59;
	v59 =	vld [tilespmem:s7+$0x500]  }
0xc8: {  	v3 =	vadd.s32 v1, v51;
	v49 =	vadd.s32 v0, v60;
	v60 =	vld [tilespmem:s7+$0x8500]  }
0xc9: {  	v4 =	vadd.s32 v0, v52;
	v50 =	vadd.s32 v1, v61;
	v61 =	vld [tilespmem:s22+$0x2700]  }
0xca: {  	v51 =	vadd.s32 v0, v62;
	v62 =	vld [tilespmem:s22+$0xA700]  }
0xcb: {  	v27 =	vld.idx.msk [tilespmem:v5+s1+$0x0], $0xffff  }
0xcc: {  	v34 =	vld.idx.msk [tilespmem:v2+s1+$0x0], $0xffff  }
0xcd: {  	v35 =	vld.idx.msk [tilespmem:v3+s1+$0x0], $0xffff  }
0xce: {  	v32 =	vld.idx.msk [tilespmem:v4+s1+$0x0], $0xffff  }
0xcf: {  	v52 =	vadd.s32 v1, v63;
	v44 =	vld.idx.msk [tilespmem:v6+s1+$0x0], $0xffff  }
0xd0: {  	v45 =	vld.idx.msk [tilespmem:v48+s1+$0x0], $0xffff  }
0xd1: {  	v39 =	vld.idx.msk [tilespmem:v49+s1+$0x0], $0xffff  }
0xd2: {  	v40 =	vld.idx.msk [tilespmem:v50+s1+$0x0], $0xffff  }
0xd3: {  	v36 =	vld.idx.msk [tilespmem:v51+s1+$0x0], $0xffff  }
0xd4: {  	v37 =	vld.idx.msk [tilespmem:v52+s1+$0x0], $0xffff  }
0xd5: {  	v5 =	vadd.s32 v1, v53;
	v53 =	vld [tilespmem:s22+$0x2500]  }
0xd6: {  	v2 =	vadd.s32 v0, v54;
	v54 =	vld [tilespmem:s22+$0xA500]  }
0xd7: {  	v3 =	vadd.s32 v1, v55;
	v55 =	vld [tilespmem:s22+$0x2580]  }
0xd8: {  	v4 =	vadd.s32 v0, v56;
	v56 =	vld [tilespmem:s22+$0xA580]  }
0xd9: {  	v46 =	vadd.s32 v0, v59;
	v59 =	vld [tilespmem:s22+$0x2780]  }
0xda: {  	s7 =	sor.u32 $0x2300, s21;
	v47 =	vadd.s32 v1, v60;
	v60 =	vld [tilespmem:s22+$0xA780]  }
0xdb: {  	v63 =	vadd.s32 v1, v58;
	v58 =	vadd.s32 v1, v62;
	v62 =	vld [tilespmem:s7+$0x8500]  }
0xdc: {  	v33 =	vld.idx.msk [tilespmem:v5+s1+$0x0], $0xffff  }
0xdd: {  	v38 =	vld.idx.msk [tilespmem:v2+s1+$0x0], $0xffff  }
0xde: {  	v41 =	vld.idx.msk [tilespmem:v3+s1+$0x0], $0xffff  }
0xdf: {  	v42 =	vld.idx.msk [tilespmem:v4+s1+$0x0], $0xffff  }
0xe0: {  	v5 =	vadd.s32 v1, v57;
	v57 =	vld [tilespmem:s22+$0x2600]  }
0xe1: {  	v4 =	vadd.s32 v0, v55;
	v55 =	vld.idx.msk [tilespmem:v63+s1+$0x0], $0xffff  }
0xe2: {  	v2 =	vadd.s32 v0, v53;
	v51 =	vld.idx.msk [tilespmem:v46+s1+$0x0], $0xffff  }
0xe3: {  	v3 =	vadd.s32 v1, v54;
	v52 =	vld.idx.msk [tilespmem:v47+s1+$0x0], $0xffff  }
0xe4: {  	v47 =	vld.idx.msk [tilespmem:v58+s1+$0x0], $0xffff  }
0xe5: {  	v58 =	vld [tilespmem:s22+$0xB500]  }
0xe6: {  	v43 =	vld.idx.msk [tilespmem:v5+s1+$0x0], $0xffff  }
0xe7: {  	v48 =	vld.idx.msk [tilespmem:v2+s1+$0x0], $0xffff  }
0xe8: {  	v53 =	vld.idx.msk [tilespmem:v3+s1+$0x0], $0xffff  }
0xe9: {  	v49 =	vld.idx.msk [tilespmem:v4+s1+$0x0], $0xffff  }
0xea: {  	v5 =	vadd.s32 v1, v56;
	v6 =	vadd.s32 v0, v57;
	v57 =	vadd.s32 v0, v61;
	v61 =	vld [tilespmem:s7+$0x500]  }
0xeb: {  	v2 =	vadd.s32 v0, v59;
	v59 =	vld [tilespmem:s22+$0x3580]  }
0xec: {  	s7 =	sor.u32 $0x2380, s5;
	v3 =	vadd.s32 v1, v60;
	v60 =	vld [tilespmem:s22+$0xB580]  }
0xed: {  	v63 =	vld [tilespmem:s7+$0x500]  }
0xee: {  	v56 =	vld [tilespmem:s7+$0x8500]  }
0xef: {  	v54 =	vld.idx.msk [tilespmem:v5+s1+$0x0], $0xffff  }
0xf0: {  	v50 =	vld.idx.msk [tilespmem:v6+s1+$0x0], $0xffff  }
0xf1: {  	v46 =	vld.idx.msk [tilespmem:v57+s1+$0x0], $0xffff  }
0xf2: {  	v57 =	vld [tilespmem:s22+$0x3500];
	v4 =	vadd.s32 v0, v61  }
0xf3: {  	v5 =	vadd.s32 v1, v62;
	v2 =	vld.idx.msk [tilespmem:v2+s1+$0x0], $0xffff  }
0xf4: {  	v3 =	vld.idx.msk [tilespmem:v3+s1+$0x0], $0xffff;
	v9 =	vadd.s32 v0, v59  }
0xf5: {  	v10 =	vadd.s32 v1, v60;
	v59 =	vld [tilespmem:s22+$0x3600]  }
0xf6: {  	v60 =	vld [tilespmem:s22+$0xB600];
	v6 =	vadd.s32 v0, v63  }
0xf7: {  	v61 =	vadd.s32 v1, v56;
	v4 =	vld.idx.msk [tilespmem:v4+s1+$0x0], $0xffff  }
0xf8: {  	v63 =	vadd.s32 v1, v58;
	v5 =	vld.idx.msk [tilespmem:v5+s1+$0x0], $0xffff  }
0xf9: {  	v62 =	vadd.s32 v0, v57;
	v57 =	vld.idx.msk [tilespmem:v9+s1+$0x0], $0xffff  }
0xfa: {  	v58 =	vld.idx.msk [tilespmem:v10+s1+$0x0], $0xffff  }
0xfb: {  	v6 =	vld.idx.msk [tilespmem:v6+s1+$0x0], $0xffff  }
0xfc: {  	[tilespmem:$0x1F620] =	vst v2;
	v2 =	vld.idx.msk [tilespmem:v61+s1+$0x0], $0xffff  }
0xfd: {  	s7 =	sor.u32 $0x3180, s4;
	v56 =	vld.idx.msk [tilespmem:v63+s1+$0x0], $0xffff  }
0xfe: {  	v61 =	vld [tilespmem:s7+$0x500]  }
0xff: {  	[tilespmem:$0x1F630] =	vst v3;
	v3 =	vadd.s32 v1, v60;
	v63 =	vld [tilespmem:s22+$0x3700]  }
0x100: {  	[tilespmem:$0x1F640] =	vst v4;
	v11 =	vld.idx.msk [tilespmem:v62+s1+$0x0], $0xffff  }
0x101: {  	[tilespmem:$0x1F6A0] =	vst v57;
	v62 =	vld [tilespmem:s7+$0x8500]  }
0x102: {  	[tilespmem:$0x1F6B0] =	vst v58;
	v57 =	vld [tilespmem:s22+$0x3780]  }
0x103: {  	v58 =	vld [tilespmem:s22+$0xB780];
	[tilespmem:$0x1F670] =	vst v2;
	v2 =	vadd.s32 v0, v59  }
0x104: {  	v3 =	vld.idx.msk [tilespmem:v3+s1+$0x0], $0xffff;
	[tilespmem:$0x1F660] =	vst v6;
	v4 =	vadd.s32 v0, v61  }
0x105: {  	s7 =	sor.u32 $0x3300, s21;
	[tilespmem:$0x1F690] =	vst v56;
	v56 =	vld [tilespmem:s22+$0xB700];
	v6 =	vadd.s32 v0, v63  }
0x106: {  	v59 =	vld [tilespmem:s7+$0x500]  }
0x107: {  	v60 =	vld [tilespmem:s7+$0x8500]  }
0x108: {  	[tilespmem:$0x1F650] =	vst v5;
	v5 =	vadd.s32 v1, v62;
	v2 =	vld.idx.msk [tilespmem:v2+s1+$0x0], $0xffff  }
0x109: {  	v62 =	vadd.s32 v0, v57;
	v4 =	vld.idx.msk [tilespmem:v4+s1+$0x0], $0xffff  }
0x10a: {  	s7 =	sor.u32 $0x3380, s5;
	v63 =	vadd.s32 v1, v58;
	v6 =	vld.idx.msk [tilespmem:v6+s1+$0x0], $0xffff  }
0x10b: {  	v9 =	vadd.s32 v0, v59;
	v59 =	vld [tilespmem:s7+$0x500]  }
0x10c: {  	v10 =	vadd.s32 v1, v60;
	v60 =	vld [tilespmem:s7+$0x8500]  }
0x10d: {  	v61 =	vadd.s32 v1, v56;
	v5 =	vld.idx.msk [tilespmem:v5+s1+$0x0], $0xffff  }
0x10e: {  	[tilespmem:$0x1F680] =	vst v11;
	v11 =	vld.idx.msk [tilespmem:v62+s1+$0x0], $0xffff  }
0x10f: {  	v56 =	vld.idx.msk [tilespmem:v63+s1+$0x0], $0xffff  }
0x110: {  	v62 =	vld [tilespmem:s22+$0xC500]  }
0x111: {  	v63 =	vld [tilespmem:s22+$0x4580]  }
0x112: {  	[tilespmem:$0x1F6C0] =	vst v2;
	v2 =	vld.idx.msk [tilespmem:v61+s1+$0x0], $0xffff  }
0x113: {  	v57 =	vld.idx.msk [tilespmem:v9+s1+$0x0], $0xffff  }
0x114: {  	[tilespmem:$0x1F6D0] =	vst v3;
	v58 =	vld.idx.msk [tilespmem:v10+s1+$0x0], $0xffff  }
0x115: {  	s7 =	sor.u32 $0x4180, s4;
	[tilespmem:$0x1F700] =	vst v6;
	v61 =	vld [tilespmem:s22+$0x4500]  }
0x116: {  	v3 =	vadd.s32 v1, v60;
	v60 =	vld [tilespmem:s7+$0x8500];
	[tilespmem:$0x1F6F0] =	vst v5  }
0x117: {  	[tilespmem:$0x1F730] =	vst v56;
	v56 =	vld [tilespmem:s22+$0xC580]  }
0x118: {  	v5 =	vadd.s32 v1, v62;
	[tilespmem:$0x1F740] =	vst v57;
	v57 =	vld [tilespmem:s22+$0x4600]  }
0x119: {  	v6 =	vadd.s32 v0, v63;
	[tilespmem:$0x1F750] =	vst v58;
	v58 =	vld [tilespmem:s22+$0xC600]  }
0x11a: {  	[tilespmem:$0x1F710] =	vst v2;
	v2 =	vadd.s32 v0, v59;
	v59 =	vld [tilespmem:s7+$0x500]  }
0x11b: {  	[tilespmem:$0x1F6E0] =	vst v4;
	v4 =	vadd.s32 v0, v61;
	v3 =	vld.idx.msk [tilespmem:v3+s1+$0x0], $0xffff  }
0x11c: {  	v10 =	vadd.s32 v1, v60;
	v60 =	vld [tilespmem:s22+$0xC700]  }
0x11d: {  	v5 =	vld.idx.msk [tilespmem:v5+s1+$0x0], $0xffff  }
0x11e: {  	v6 =	vld.idx.msk [tilespmem:v6+s1+$0x0], $0xffff  }
0x11f: {  	v61 =	vadd.s32 v1, v56;
	v2 =	vld.idx.msk [tilespmem:v2+s1+$0x0], $0xffff  }
0x120: {  	v62 =	vadd.s32 v0, v57;
	v4 =	vld.idx.msk [tilespmem:v4+s1+$0x0], $0xffff  }
0x121: {  	v63 =	vadd.s32 v1, v58;
	v58 =	vld.idx.msk [tilespmem:v10+s1+$0x0], $0xffff  }
0x122: {  	v9 =	vadd.s32 v0, v59;
	v59 =	vld [tilespmem:s22+$0x4700]  }
0x123: {  	[tilespmem:$0x1F770] =	vst v3;
	v3 =	vadd.s32 v1, v60;
	v60 =	vld [tilespmem:s22+$0xD500]  }
0x124: {  	[tilespmem:$0x1F760] =	vst v2;
	v2 =	vld.idx.msk [tilespmem:v61+s1+$0x0], $0xffff  }
0x125: {  	[tilespmem:$0x1F720] =	vst v11;
	v11 =	vld.idx.msk [tilespmem:v62+s1+$0x0], $0xffff  }
0x126: {  	v56 =	vld.idx.msk [tilespmem:v63+s1+$0x0], $0xffff  }
0x127: {  	v57 =	vld.idx.msk [tilespmem:v9+s1+$0x0], $0xffff  }
0x128: {  	v61 =	vld [tilespmem:s22+$0x4780]  }
0x129: {  	s6 =	sor.u32 $0x4300, s21;
	v62 =	vld [tilespmem:s22+$0xC780]  }
0x12a: {  	s7 =	sor.u32 $0x4380, s5;
	v63 =	vld [tilespmem:s6+$0x500]  }
0x12b: {  	[tilespmem:$0x1F7F0] =	vst v58;
	v58 =	vld [tilespmem:s7+$0x8500]  }
0x12c: {  	[tilespmem:$0x1F780] =	vst v4;
	v3 =	vld.idx.msk [tilespmem:v3+s1+$0x0], $0xffff;
	v10 =	vadd.s32 v1, v60  }
0x12d: {  	v60 =	vld [tilespmem:s22+$0xD580];
	[tilespmem:$0x1F7B0] =	vst v2  }
0x12e: {  	[tilespmem:$0x1F7D0] =	vst v56;
	v2 =	vadd.s32 v0, v59;
	v56 =	vld [tilespmem:s6+$0x8500]  }
0x12f: {  	[tilespmem:$0x1F7E0] =	vst v57;
	v57 =	vld [tilespmem:s7+$0x500];
	v4 =	vadd.s32 v0, v61  }
0x130: {  	[tilespmem:$0x1F790] =	vst v5;
	v5 =	vadd.s32 v1, v62;
	v59 =	vld [tilespmem:s22+$0x5500]  }
0x131: {  	[tilespmem:$0x1F7A0] =	vst v6;
	v6 =	vadd.s32 v0, v63;
	v63 =	vadd.s32 v1, v58;
	v58 =	vld.idx.msk [tilespmem:v10+s1+$0x0], $0xffff  }
0x132: {  	[tilespmem:$0x1F810] =	vst v3;
	v3 =	vadd.s32 v1, v60;
	v60 =	vld [tilespmem:s22+$0xD780]  }
0x133: {  	v2 =	vld.idx.msk [tilespmem:v2+s1+$0x0], $0xffff  }
0x134: {  	v4 =	vld.idx.msk [tilespmem:v4+s1+$0x0], $0xffff  }
0x135: {  	v5 =	vld.idx.msk [tilespmem:v5+s1+$0x0], $0xffff  }
0x136: {  	v6 =	vld.idx.msk [tilespmem:v6+s1+$0x0], $0xffff  }
0x137: {  	v61 =	vadd.s32 v1, v56;
	v56 =	vld.idx.msk [tilespmem:v63+s1+$0x0], $0xffff  }
0x138: {  	s7 =	sor.u32 $0x5180, s4;
	v9 =	vadd.s32 v0, v59;
	v59 =	vld [tilespmem:s22+$0x5580]  }
0x139: {  	v62 =	vadd.s32 v0, v57;
	v63 =	vld [tilespmem:s7+$0x500]  }
0x13a: {  	[tilespmem:$0x1F890] =	vst v58;
	v58 =	vld [tilespmem:s22+$0xD700]  }
0x13b: {  	s6 =	sor.u32 $0x5300, s21;
	v3 =	vld.idx.msk [tilespmem:v3+s1+$0x0], $0xffff  }
0x13c: {  	v10 =	vadd.s32 v1, v60;
	v60 =	vld [tilespmem:s6+$0x8500]  }
0x13d: {  	[tilespmem:$0x1F800] =	vst v2;
	v2 =	vld.idx.msk [tilespmem:v61+s1+$0x0], $0xffff  }
0x13e: {  	[tilespmem:$0x1F7C0] =	vst v11;
	v11 =	vld.idx.msk [tilespmem:v62+s1+$0x0], $0xffff  }
0x13f: {  	v57 =	vld.idx.msk [tilespmem:v9+s1+$0x0], $0xffff  }
0x140: {  	v61 =	vld [tilespmem:s22+$0x5600]  }
0x141: {  	[tilespmem:$0x1F840] =	vst v6;
	v62 =	vld [tilespmem:s22+$0xD600]  }
0x142: {  	[tilespmem:$0x1F870] =	vst v56;
	v56 =	vld [tilespmem:s7+$0x8500];
	v6 =	vadd.s32 v0, v63  }
0x143: {  	v63 =	vadd.s32 v1, v58;
	v58 =	vld.idx.msk [tilespmem:v10+s1+$0x0], $0xffff  }
0x144: {  	[tilespmem:$0x1F8B0] =	vst v3;
	v3 =	vadd.s32 v1, v60;
	v60 =	vld [tilespmem:s22+$0xE600]  }
0x145: {  	[tilespmem:$0x1F880] =	vst v57;
	v57 =	vld [tilespmem:s22+$0x5700]  }
0x146: {  	[tilespmem:$0x1F850] =	vst v2;
	v2 =	vadd.s32 v0, v59;
	v59 =	vld [tilespmem:s22+$0x5780]  }
0x147: {  	v6 =	vld.idx.msk [tilespmem:v6+s1+$0x0], $0xffff  }
0x148: {  	[tilespmem:$0x1F820] =	vst v4;
	v4 =	vadd.s32 v0, v61;
	v61 =	vadd.s32 v1, v56;
	v56 =	vld.idx.msk [tilespmem:v63+s1+$0x0], $0xffff  }
0x149: {  	[tilespmem:$0x1F830] =	vst v5;
	v5 =	vadd.s32 v1, v62;
	v63 =	vld [tilespmem:s22+$0x6500]  }
0x14a: {  	[tilespmem:$0x1F930] =	vst v58;
	v58 =	vld [tilespmem:s22+$0xE580]  }
0x14b: {  	v3 =	vld.idx.msk [tilespmem:v3+s1+$0x0], $0xffff  }
0x14c: {  	v10 =	vadd.s32 v1, v60;
	v2 =	vld.idx.msk [tilespmem:v2+s1+$0x0], $0xffff  }
0x14d: {  	v4 =	vld.idx.msk [tilespmem:v4+s1+$0x0], $0xffff  }
0x14e: {  	v62 =	vadd.s32 v0, v57;
	v5 =	vld.idx.msk [tilespmem:v5+s1+$0x0], $0xffff  }
0x14f: {  	v9 =	vadd.s32 v0, v59;
	v59 =	vld [tilespmem:s6+$0x500]  }
0x150: {  	[tilespmem:$0x1F910] =	vst v56;
	v56 =	vld [tilespmem:s22+$0xE500]  }
0x151: {  	[tilespmem:$0x1F8E0] =	vst v6;
	v6 =	vadd.s32 v0, v63;
	v63 =	vadd.s32 v1, v58;
	v58 =	vld.idx.msk [tilespmem:v10+s1+$0x0], $0xffff  }
0x152: {  	[tilespmem:$0x1F8A0] =	vst v2;
	v2 =	vld.idx.msk [tilespmem:v61+s1+$0x0], $0xffff  }
0x153: {  	[tilespmem:$0x1F860] =	vst v11;
	v11 =	vld.idx.msk [tilespmem:v62+s1+$0x0], $0xffff  }
0x154: {  	s7 =	sor.u32 $0x5380, s5;
	v57 =	vld.idx.msk [tilespmem:v9+s1+$0x0], $0xffff  }
0x155: {  	v61 =	vld [tilespmem:s7+$0x500]  }
0x156: {  	v62 =	vld [tilespmem:s7+$0x8500]  }
0x157: {  	s6 =	sor.u32 $0x6300, s21;
	[tilespmem:$0x1F8C0] =	vst v4;
	v6 =	vld.idx.msk [tilespmem:v6+s1+$0x0], $0xffff  }
0x158: {  	[tilespmem:$0x1F9D0] =	vst v58;
	s7 =	sor.u32 $0x6180, s4;
	v58 =	vld [tilespmem:s6+$0x8500]  }
0x159: {  	v60 =	vld [tilespmem:s7+$0x8500];
	[tilespmem:$0x1F8F0] =	vst v2;
	v2 =	vadd.s32 v0, v59  }
0x15a: {  	[tilespmem:$0x1F920] =	vst v57;
	v57 =	vld [tilespmem:s22+$0x6580];
	v4 =	vadd.s32 v0, v61  }
0x15b: {  	[tilespmem:$0x1F8D0] =	vst v5;
	v5 =	vadd.s32 v1, v62;
	v59 =	vld [tilespmem:s22+$0x6600]  }
0x15c: {  	v61 =	vadd.s32 v1, v56;
	v56 =	vld.idx.msk [tilespmem:v63+s1+$0x0], $0xffff  }
0x15d: {  	v63 =	vld [tilespmem:s22+$0x6780]  }
0x15e: {  	v2 =	vld.idx.msk [tilespmem:v2+s1+$0x0], $0xffff  }
0x15f: {  	[tilespmem:$0x1F950] =	vst v3;
	v3 =	vadd.s32 v1, v60;
	v4 =	vld.idx.msk [tilespmem:v4+s1+$0x0], $0xffff  }
0x160: {  	v5 =	vld.idx.msk [tilespmem:v5+s1+$0x0], $0xffff  }
0x161: {  	v62 =	vadd.s32 v0, v57;
	v9 =	vadd.s32 v0, v59;
	v59 =	vld [tilespmem:s7+$0x500]  }
0x162: {  	[tilespmem:$0x1F9B0] =	vst v56;
	v56 =	vld [tilespmem:s22+$0xE780];
	s7 =	sor.u32 $0x6380, s5  }
0x163: {  	v60 =	vld [tilespmem:s7+$0x8500]  }
0x164: {  	[tilespmem:$0x1F980] =	vst v6;
	v3 =	vld.idx.msk [tilespmem:v3+s1+$0x0], $0xffff  }
0x165: {  	v6 =	vadd.s32 v0, v63;
	[tilespmem:$0x1F940] =	vst v2;
	v2 =	vld.idx.msk [tilespmem:v61+s1+$0x0], $0xffff  }
0x166: {  	[tilespmem:$0x1F900] =	vst v11;
	v11 =	vld.idx.msk [tilespmem:v62+s1+$0x0], $0xffff  }
0x167: {  	v57 =	vld.idx.msk [tilespmem:v9+s1+$0x0], $0xffff  }
0x168: {  	v61 =	vld [tilespmem:s22+$0x6700]  }
0x169: {  	v63 =	vadd.s32 v1, v58;
	v62 =	vld [tilespmem:s22+$0xE700]  }
0x16a: {  	v6 =	vld.idx.msk [tilespmem:v6+s1+$0x0], $0xffff  }
0x16b: {  	v10 =	vadd.s32 v1, v60;
	v60 =	vld [tilespmem:s22+$0xF500]  }
0x16c: {  	[tilespmem:$0x1F9C0] =	vst v57;
	v57 =	vld [tilespmem:s6+$0x500]  }
0x16d: {  	[tilespmem:$0x1F990] =	vst v2;
	v2 =	vadd.s32 v0, v59;
	v59 =	vld [tilespmem:s7+$0x500]  }
0x16e: {  	[tilespmem:$0x1F960] =	vst v4;
	v4 =	vadd.s32 v0, v61;
	v61 =	vadd.s32 v1, v56;
	v56 =	vld.idx.msk [tilespmem:v63+s1+$0x0], $0xffff  }
0x16f: {  	[tilespmem:$0x1F970] =	vst v5;
	v5 =	vadd.s32 v1, v62;
	v63 =	vld [tilespmem:s22+$0x7600]  }
0x170: {  	v58 =	vld.idx.msk [tilespmem:v10+s1+$0x0], $0xffff  }
0x171: {  	[tilespmem:$0x1F9F0] =	vst v3;
	v3 =	vadd.s32 v1, v60;
	v60 =	vld [tilespmem:s22+$0xF700]  }
0x172: {  	v2 =	vld.idx.msk [tilespmem:v2+s1+$0x0], $0xffff  }
0x173: {  	v4 =	vld.idx.msk [tilespmem:v4+s1+$0x0], $0xffff  }
0x174: {  	v5 =	vld.idx.msk [tilespmem:v5+s1+$0x0], $0xffff  }
0x175: {  	v9 =	vadd.s32 v0, v59;
	v59 =	vld [tilespmem:s22+$0x7500]  }
0x176: {  	s4 =	sor.u32 $0x7180, s4;
	[tilespmem:$0x1FA50] =	vst v56;
	v56 =	vld [tilespmem:s22+$0xF600]  }
0x177: {  	[tilespmem:$0x1FA70] =	vst v58;
	v58 =	vld [tilespmem:s4+$0x8500]  }
0x178: {  	v62 =	vadd.s32 v0, v57;
	v3 =	vld.idx.msk [tilespmem:v3+s1+$0x0], $0xffff  }
0x179: {  	v10 =	vadd.s32 v1, v60;
	v60 =	vld [tilespmem:s22+$0xF780]  }
0x17a: {  	[tilespmem:$0x1F9E0] =	vst v2;
	v2 =	vld.idx.msk [tilespmem:v61+s1+$0x0], $0xffff  }
0x17b: {  	[tilespmem:$0x1FA20] =	vst v6;
	v6 =	vadd.s32 v0, v63;
	v57 =	vld.idx.msk [tilespmem:v9+s1+$0x0], $0xffff  }
0x17c: {  	v61 =	vld [tilespmem:s22+$0x7580]  }
0x17d: {  	[tilespmem:$0x1F9A0] =	vst v11;
	v11 =	vld.idx.msk [tilespmem:v62+s1+$0x0], $0xffff  }
0x17e: {  	v62 =	vld [tilespmem:s22+$0xF580];
	v63 =	vadd.s32 v1, v58  }
0x17f: {  	[tilespmem:$0x1FA30] =	vst v2;
	v2 =	vadd.s32 v0, v59;
	v59 =	vld [tilespmem:s22+$0x7700]  }
0x180: {  	[tilespmem:$0x1FA00] =	vst v4;
	v6 =	vld.idx.msk [tilespmem:v6+s1+$0x0], $0xffff  }
0x181: {  	[tilespmem:$0x1FA60] =	vst v57;
	v57 =	vld [tilespmem:s4+$0x500];
	v4 =	vadd.s32 v0, v61  }
0x182: {  	v58 =	vld.idx.msk [tilespmem:v10+s1+$0x0], $0xffff  }
0x183: {  	s5 =	sor.u32 $0x7380, s5;
	v61 =	vadd.s32 v1, v56;
	v56 =	vld.idx.msk [tilespmem:v63+s1+$0x0], $0xffff  }
0x184: {  	v63 =	vld [tilespmem:s5+$0x500];
	v9 =	vadd.s32 v0, v59  }
0x185: {  	v2 =	vld.idx.msk [tilespmem:v2+s1+$0x0], $0xffff  }
0x186: {  	[tilespmem:$0x1FA10] =	vst v5;
	v5 =	vadd.s32 v1, v62;
	v62 =	vadd.s32 v0, v57;
	v4 =	vld.idx.msk [tilespmem:v4+s1+$0x0], $0xffff  }
0x187: {  	v59 =	vld [tilespmem:s22+$0x7780]  }
0x188: {  	[tilespmem:$0x1FAF0] =	vst v56;
	v56 =	vld [tilespmem:s5+$0x8500]  }
0x189: {  	v57 =	vld.idx.msk [tilespmem:v9+s1+$0x0], $0xffff  }
0x18a: {  	[tilespmem:$0x1FA80] =	vst v2;
	v2 =	vld.idx.msk [tilespmem:v61+s1+$0x0], $0xffff  }
0x18b: {  	s7 =	sor.u32 $0x7300, s21;
	[tilespmem:$0x1FA40] =	vst v11;
	v11 =	vld.idx.msk [tilespmem:v62+s1+$0x0], $0xffff  }
0x18c: {  	[tilespmem:$0x1FA90] =	vst v3;
	v3 =	vadd.s32 v1, v60;
	s22 =	sor.u32 $0x10, s30;
	s30 =	sand.u32 $0x180, s24;
	v61 =	vld [tilespmem:s7+$0x500]  }
0x18d: {  	s30 =	sor.u32 s30, s22;
	v62 =	vld [tilespmem:s7+$0x8500]  }
0x18e: {  	[tilespmem:$0x1FB00] =	vst v57;
	v57 =	vld [tilespmem:s30+$0x10D00]  }
0x18f: {  	[tilespmem:$0x1FB10] =	vst v58;
	v58 =	vld [tilespmem:s30+$0x11300]  }
0x190: {  	[tilespmem:$0x1FAD0] =	vst v2;
	v2 =	vadd.s32 v0, v59;
	v59 =	vld [tilespmem:s30+$0x10F00]  }
0x191: {  	v3 =	vld.idx.msk [tilespmem:v3+s1+$0x0], $0xffff  }
0x192: {  	v5 =	vld.idx.msk [tilespmem:v5+s1+$0x0], $0xffff;
	[tilespmem:$0x1FAA0] =	vst v4;
	v4 =	vadd.s32 v0, v61  }
0x193: {  	s3 =	sor.u32 s3, s22;
	v60 =	vld [tilespmem:s30+$0x11500];
	v61 =	vadd.s32 v1, v62;
	v0 =	vadd.s32 v0, v63;
	v62 =	vmul.u32 $0x14, v57  }
0x194: {  	v7 =	vadd.s32 v1, v7;
	v63 =	vld [tilespmem:s3+$0x500];
	v1 =	vadd.s32 v1, v56  }
0x195: {  	v56 =	vmul.u32 $0x14, v58;
	v2 =	vld.idx.msk [tilespmem:v2+s1+$0x0], $0xffff;
	v58 =	vadd.s32 v62, v59  }
0x196: {  	[tilespmem:$0x1FB30] =	vst v3;
	v57 =	vld [tilespmem:s3+$0x8500];
	v3 =	vadd.s32 $0x190, v58  }
0x197: {  	v4 =	vld.idx.msk [tilespmem:v4+s1+$0x0], $0xffff  }
0x198: {  	[tilespmem:$0x1FAC0] =	vst v6;
	v0 =	vld.idx.msk [tilespmem:v0+s1+$0x0], $0xffff  }
0x199: {  	[tilespmem:$0x1FAB0] =	vst v5;
	v1 =	vld.idx.msk [tilespmem:v1+s1+$0x0], $0xffff  }
0x19a: {  	[tilespmem:$0x1FB20] =	vst v2;
	v2 =	vld.idx.msk [tilespmem:v61+s1+$0x0], $0xffff  }
0x19b: {  	[tilespmem:$0x1FAE0] =	vst v11;
	v59 =	vadd.s32 v56, v60;
	v3 =	vld.idx.msk [tilespmem:v3+s1+$0x0], $0xffff  }
0x19c: {  	v20 =	vld.idx.msk [tilespmem:v7+s1+$0x0], $0xffff;
	v7 =	vadd.s32 $0x320, v62;
	v60 =	vadd.s32 $0x190, v59;
	[tilespmem:$0x1FB40] =	vst v4  }
0x19d: {  	[tilespmem:$0x1FB60] =	vst v0;
	v4 =	vadd.s32 $0x320, v56;
	v61 =	vadd.s32 v7, v63  }
0x19e: {  	[tilespmem:$0x1FB70] =	vst v1;
	v62 =	vadd.s32 v4, v57  }
0x19f: {  	v13 =	vld.idx.msk [tilespmem:v8+s1+$0x0], $0xffff;
	[tilespmem:$0x1FB50] =	vst v2  }
0x1a0: {  	v63 =	vld [tilespmem:s3+$0x580];
	[tilespmem:$0x1FB80] =	vst v3  }
0x1a1: {  	v2 =	vld.idx.msk [tilespmem:v60+s1+$0x0], $0xffff  }
0x1a2: {  	v0 =	vld.idx.msk [tilespmem:v61+s1+$0x0], $0xffff  }
0x1a3: {  	v8 =	vld.idx.msk [tilespmem:v62+s1+$0x0], $0xffff  }
0x1a4: {  	v10 =	vld [tilespmem:s3+$0x8580]  }
0x1a5: {  	v11 =	vld [tilespmem:s3+$0x600]  }
0x1a6: {  	v3 =	vld [tilespmem:s3+$0x8600]  }
0x1a7: {  	v9 =	vadd.s32 v7, v63;
	v56 =	vld [tilespmem:s3+$0x680]  }
0x1a8: {  	v57 =	vld [tilespmem:s3+$0x8680]  }
0x1a9: {  	v60 =	vld [tilespmem:s3+$0x700]  }
0x1aa: {  	v62 =	vld [tilespmem:s3+$0x780]  }
0x1ab: {  	v63 =	vld [tilespmem:s3+$0x8780]  }
0x1ac: {  	[tilespmem:$0x1FB90] =	vst v0;
	v0 =	vld.idx.msk [tilespmem:v9+s1+$0x0], $0xffff;
	v58 =	vadd.s32 v4, v10  }
0x1ad: {  	v59 =	vadd.s32 v7, v11  }
0x1ae: {  	s21 =	sadd.s32 $0x10, s21;
	v3 =	vadd.s32 v4, v3  }
0x1af: {  	s5 =	sor.u32 $0x300, s21;
	v61 =	vld [tilespmem:s3+$0x8700];
	v5 =	vadd.s32 v7, v56;
	v6 =	vadd.s32 v4, v57  }
0x1b0: {  	v56 =	vadd.s32 v7, v60;
	v60 =	vadd.s32 v7, v62;
	v62 =	vadd.s32 v4, v63;
	v63 =	vld [tilespmem:s5+$0x500]  }
0x1b1: {  	[tilespmem:$0x1FBC0] =	vst v0;
	v0 =	vld.idx.msk [tilespmem:v58+s1+$0x0], $0xffff  }
0x1b2: {  	v11 =	vld.idx.msk [tilespmem:v59+s1+$0x0], $0xffff  }
0x1b3: {  	v57 =	vld.idx.msk [tilespmem:v3+s1+$0x0], $0xffff  }
0x1b4: {  	v59 =	vld.idx.msk [tilespmem:v5+s1+$0x0], $0xffff  }
0x1b5: {  	v58 =	vadd.s32 v4, v61;
	v61 =	vld.idx.msk [tilespmem:v6+s1+$0x0], $0xffff  }
0x1b6: {  	[tilespmem:$0x1FBB0] =	vst v8;
	v8 =	vld.idx.msk [tilespmem:v60+s1+$0x0], $0xffff  }
0x1b7: {  	v9 =	vld.idx.msk [tilespmem:v62+s1+$0x0], $0xffff  }
0x1b8: {  	v62 =	vld [tilespmem:s3+$0x1580]  }
0x1b9: {  	[tilespmem:$0x1FBD0] =	vst v0;
	v0 =	vld.idx.msk [tilespmem:v56+s1+$0x0], $0xffff  }
0x1ba: {  	v6 =	vld.idx.msk [tilespmem:v58+s1+$0x0], $0xffff  }
0x1bb: {  	s6 =	sor.u32 $0x380, s21;
	v10 =	vadd.s32 v7, v63;
	[tilespmem:$0x1FBE0] =	vst v11;
	v11 =	vld [tilespmem:s5+$0x8500]  }
0x1bc: {  	v56 =	vld [tilespmem:s6+$0x500]  }
0x1bd: {  	[tilespmem:$0x1FBF0] =	vst v57;
	v57 =	vld [tilespmem:s6+$0x8500]  }
0x1be: {  	v58 =	vld [tilespmem:s3+$0x1500]  }
0x1bf: {  	[tilespmem:$0x1FC00] =	vst v59;
	v59 =	vld [tilespmem:s3+$0x9500]  }
0x1c0: {  	[tilespmem:$0x1FC20] =	vst v0;
	v0 =	vld.idx.msk [tilespmem:v10+s1+$0x0], $0xffff;
	v60 =	vadd.s32 v4, v11  }
0x1c1: {  	v63 =	vld [tilespmem:s3+$0x9580];
	[tilespmem:$0x1FC10] =	vst v61;
	v61 =	vadd.s32 v7, v56  }
0x1c2: {  	[tilespmem:$0x1FC50] =	vst v9;
	v9 =	vld [tilespmem:s3+$0x1680];
	v3 =	vadd.s32 v4, v57  }
0x1c3: {  	v5 =	vadd.s32 v7, v58;
	v56 =	vld [tilespmem:s3+$0x1600]  }
0x1c4: {  	[tilespmem:$0x1FC30] =	vst v6;
	v6 =	vadd.s32 v4, v59;
	v57 =	vld [tilespmem:s3+$0x9600]  }
0x1c5: {  	[tilespmem:$0x1FC60] =	vst v0;
	v0 =	vld.idx.msk [tilespmem:v60+s1+$0x0], $0xffff  }
0x1c6: {  	v59 =	vadd.s32 v7, v62;
	v58 =	vld.idx.msk [tilespmem:v61+s1+$0x0], $0xffff  }
0x1c7: {  	v60 =	vld.idx.msk [tilespmem:v3+s1+$0x0], $0xffff;
	v61 =	vadd.s32 v4, v63  }
0x1c8: {  	v62 =	vld.idx.msk [tilespmem:v5+s1+$0x0], $0xffff;
	v63 =	vadd.s32 v7, v56  }
0x1c9: {  	[tilespmem:$0x1FC40] =	vst v8;
	v6 =	vld.idx.msk [tilespmem:v6+s1+$0x0], $0xffff;
	v8 =	vadd.s32 v4, v57  }
0x1ca: {  	v57 =	vadd.s32 v7, v9;
	v9 =	vld [tilespmem:s3+$0xA500]  }
0x1cb: {  	[tilespmem:$0x1FC70] =	vst v0;
	v0 =	vld.idx.msk [tilespmem:v59+s1+$0x0], $0xffff  }
0x1cc: {  	v10 =	vld.idx.msk [tilespmem:v61+s1+$0x0], $0xffff  }
0x1cd: {  	v11 =	vld.idx.msk [tilespmem:v63+s1+$0x0], $0xffff  }
0x1ce: {  	v56 =	vld.idx.msk [tilespmem:v8+s1+$0x0], $0xffff  }
0x1cf: {  	[tilespmem:$0x1FC80] =	vst v58;
	v58 =	vld [tilespmem:s3+$0x9680]  }
0x1d0: {  	v59 =	vld [tilespmem:s3+$0x1700]  }
0x1d1: {  	[tilespmem:$0x1FC90] =	vst v60;
	v60 =	vld [tilespmem:s3+$0x9700]  }
0x1d2: {  	v61 =	vld [tilespmem:s3+$0x1780]  }
0x1d3: {  	[tilespmem:$0x1FCA0] =	vst v62;
	v62 =	vld [tilespmem:s3+$0x9780]  }
0x1d4: {  	s7 =	sor.u32 $0x1300, s21;
	[tilespmem:$0x1FCC0] =	vst v0;
	v0 =	vld.idx.msk [tilespmem:v57+s1+$0x0], $0xffff  }
0x1d5: {  	v63 =	vadd.s32 v4, v58;
	v57 =	vld [tilespmem:s7+$0x500]  }
0x1d6: {  	s22 =	sor.u32 $0x1380, s21;
	[tilespmem:$0x1FCF0] =	vst v56;
	v56 =	vadd.s32 v7, v59;
	v58 =	vld [tilespmem:s7+$0x8500]  }
0x1d7: {  	v3 =	vadd.s32 v4, v60;
	v59 =	vld [tilespmem:s22+$0x500]  }
0x1d8: {  	[tilespmem:$0x1FCB0] =	vst v6;
	v60 =	vld [tilespmem:s22+$0x8500]  }
0x1d9: {  	[tilespmem:$0x1FCD0] =	vst v10;
	v5 =	vadd.s32 v7, v61;
	v10 =	vld [tilespmem:s3+$0x2580]  }
0x1da: {  	v6 =	vadd.s32 v4, v62;
	[tilespmem:$0x1FD00] =	vst v0;
	v0 =	vld.idx.msk [tilespmem:v63+s1+$0x0], $0xffff  }
0x1db: {  	v61 =	vld.idx.msk [tilespmem:v56+s1+$0x0], $0xffff;
	v62 =	vadd.s32 v7, v57  }
0x1dc: {  	v63 =	vld.idx.msk [tilespmem:v3+s1+$0x0], $0xffff;
	v8 =	vadd.s32 v4, v58  }
0x1dd: {  	v56 =	vadd.s32 v7, v59;
	v59 =	vld [tilespmem:s3+$0x2500]  }
0x1de: {  	[tilespmem:$0x1FCE0] =	vst v11;
	v11 =	vld.idx.msk [tilespmem:v5+s1+$0x0], $0xffff;
	v58 =	vadd.s32 v4, v60  }
0x1df: {  	v57 =	vld.idx.msk [tilespmem:v6+s1+$0x0], $0xffff  }
0x1e0: {  	[tilespmem:$0x1FD10] =	vst v0;
	v0 =	vld.idx.msk [tilespmem:v62+s1+$0x0], $0xffff  }
0x1e1: {  	[tilespmem:$0x1FD20] =	vst v61;
	v60 =	vld.idx.msk [tilespmem:v8+s1+$0x0], $0xffff  }
0x1e2: {  	[tilespmem:$0x1FD30] =	vst v63;
	v61 =	vld.idx.msk [tilespmem:v56+s1+$0x0], $0xffff;
	v63 =	vadd.s32 v7, v59  }
0x1e3: {  	v62 =	vld.idx.msk [tilespmem:v58+s1+$0x0], $0xffff  }
0x1e4: {  	[tilespmem:$0x1FD40] =	vst v11;
	v11 =	vld [tilespmem:s3+$0xA580]  }
0x1e5: {  	v56 =	vld [tilespmem:s3+$0x2600]  }
0x1e6: {  	[tilespmem:$0x1FD50] =	vst v57;
	v57 =	vld [tilespmem:s3+$0xA600]  }
0x1e7: {  	v59 =	vadd.s32 v7, v10;
	[tilespmem:$0x1FD60] =	vst v0;
	v0 =	vld.idx.msk [tilespmem:v63+s1+$0x0], $0xffff  }
0x1e8: {  	v58 =	vadd.s32 v4, v9;
	[tilespmem:$0x1FD70] =	vst v60;
	v60 =	vld [tilespmem:s3+$0x2680]  }
0x1e9: {  	[tilespmem:$0x1FD80] =	vst v61;
	v3 =	vadd.s32 v4, v11;
	v61 =	vld [tilespmem:s3+$0xA680]  }
0x1ea: {  	[tilespmem:$0x1FD90] =	vst v62;
	v5 =	vadd.s32 v7, v56;
	v62 =	vld [tilespmem:s3+$0x2700]  }
0x1eb: {  	v6 =	vadd.s32 v4, v57;
	v63 =	vld [tilespmem:s3+$0xA700]  }
0x1ec: {  	v11 =	vld.idx.msk [tilespmem:v59+s1+$0x0], $0xffff  }
0x1ed: {  	[tilespmem:$0x1FDA0] =	vst v0;
	v0 =	vld.idx.msk [tilespmem:v58+s1+$0x0], $0xffff  }
0x1ee: {  	v56 =	vadd.s32 v7, v60;
	v57 =	vld.idx.msk [tilespmem:v3+s1+$0x0], $0xffff  }
0x1ef: {  	v58 =	vadd.s32 v4, v61;
	v59 =	vld.idx.msk [tilespmem:v5+s1+$0x0], $0xffff  }
0x1f0: {  	v60 =	vadd.s32 v7, v62;
	v61 =	vld.idx.msk [tilespmem:v6+s1+$0x0], $0xffff  }
0x1f1: {  	v62 =	vadd.s32 v4, v63;
	v63 =	vld [tilespmem:s3+$0x2780]  }
0x1f2: {  	[tilespmem:$0x1FDC0] =	vst v11;
	v11 =	vld [tilespmem:s3+$0xA780]  }
0x1f3: {  	[tilespmem:$0x1FDB0] =	vst v0;
	v0 =	vld.idx.msk [tilespmem:v56+s1+$0x0], $0xffff  }
0x1f4: {  	v6 =	vld.idx.msk [tilespmem:v58+s1+$0x0], $0xffff  }
0x1f5: {  	v8 =	vld.idx.msk [tilespmem:v60+s1+$0x0], $0xffff  }
0x1f6: {  	s5 =	sor.u32 $0x2300, s21;
	v9 =	vld.idx.msk [tilespmem:v62+s1+$0x0], $0xffff  }
0x1f7: {  	v10 =	vadd.s32 v7, v63;
	v56 =	vld [tilespmem:s5+$0x500]  }
0x1f8: {  	s6 =	sor.u32 $0x2380, s21;
	[tilespmem:$0x1FDD0] =	vst v57;
	v57 =	vld [tilespmem:s5+$0x8500]  }
0x1f9: {  	v58 =	vld [tilespmem:s6+$0x500]  }
0x1fa: {  	[tilespmem:$0x1FDE0] =	vst v59;
	v59 =	vld [tilespmem:s6+$0x8500]  }
0x1fb: {  	v62 =	vld [tilespmem:s3+$0x3500]  }
0x1fc: {  	v60 =	vadd.s32 v4, v11;
	[tilespmem:$0x1FE00] =	vst v0;
	v0 =	vld.idx.msk [tilespmem:v10+s1+$0x0], $0xffff  }
0x1fd: {  	[tilespmem:$0x1FDF0] =	vst v61;
	v63 =	vld [tilespmem:s3+$0xB500];
	v61 =	vadd.s32 v7, v56  }
0x1fe: {  	v3 =	vadd.s32 v4, v57;
	v56 =	vld [tilespmem:s3+$0x3580]  }
0x1ff: {  	[tilespmem:$0x1FE10] =	vst v6;
	v5 =	vadd.s32 v7, v58;
	v57 =	vld [tilespmem:s3+$0xB580]  }
0x200: {  	[tilespmem:$0x1FE30] =	vst v9;
	v6 =	vadd.s32 v4, v59;
	v9 =	vld [tilespmem:s3+$0x3600]  }
0x201: {  	[tilespmem:$0x1FE40] =	vst v0;
	v0 =	vld.idx.msk [tilespmem:v60+s1+$0x0], $0xffff  }
0x202: {  	v59 =	vadd.s32 v7, v62;
	v58 =	vld.idx.msk [tilespmem:v61+s1+$0x0], $0xffff  }
0x203: {  	v60 =	vld.idx.msk [tilespmem:v3+s1+$0x0], $0xffff;
	v61 =	vadd.s32 v4, v63  }
0x204: {  	v62 =	vld.idx.msk [tilespmem:v5+s1+$0x0], $0xffff;
	v63 =	vadd.s32 v7, v56  }
0x205: {  	s22 =	sor.u32 $0x3380, s21;
	[tilespmem:$0x1FE20] =	vst v8;
	v6 =	vld.idx.msk [tilespmem:v6+s1+$0x0], $0xffff;
	v8 =	vadd.s32 v4, v57  }
0x206: {  	v57 =	vadd.s32 v7, v9;
	v9 =	vld [tilespmem:s22+$0x8500]  }
0x207: {  	[tilespmem:$0x1FE50] =	vst v0;
	v0 =	vld.idx.msk [tilespmem:v59+s1+$0x0], $0xffff  }
0x208: {  	v10 =	vld.idx.msk [tilespmem:v61+s1+$0x0], $0xffff  }
0x209: {  	v11 =	vld.idx.msk [tilespmem:v63+s1+$0x0], $0xffff  }
0x20a: {  	v56 =	vld.idx.msk [tilespmem:v8+s1+$0x0], $0xffff  }
0x20b: {  	[tilespmem:$0x1FE60] =	vst v58;
	v58 =	vld [tilespmem:s3+$0xB600]  }
0x20c: {  	v59 =	vld [tilespmem:s3+$0x3680]  }
0x20d: {  	[tilespmem:$0x1FE70] =	vst v60;
	v60 =	vld [tilespmem:s3+$0xB680]  }
0x20e: {  	v61 =	vld [tilespmem:s3+$0x3700]  }
0x20f: {  	[tilespmem:$0x1FE80] =	vst v62;
	v62 =	vld [tilespmem:s3+$0xB700]  }
0x210: {  	[tilespmem:$0x1FEA0] =	vst v0;
	v0 =	vld.idx.msk [tilespmem:v57+s1+$0x0], $0xffff  }
0x211: {  	v63 =	vadd.s32 v4, v58;
	v57 =	vld [tilespmem:s3+$0x3780]  }
0x212: {  	s7 =	sor.u32 $0x3300, s21;
	[tilespmem:$0x1FED0] =	vst v56;
	v56 =	vadd.s32 v7, v59;
	v58 =	vld [tilespmem:s3+$0xB780]  }
0x213: {  	v3 =	vadd.s32 v4, v60;
	v59 =	vld [tilespmem:s7+$0x500]  }
0x214: {  	[tilespmem:$0x1FE90] =	vst v6;
	v60 =	vld [tilespmem:s7+$0x8500]  }
0x215: {  	[tilespmem:$0x1FEB0] =	vst v10;
	v5 =	vadd.s32 v7, v61;
	v10 =	vld [tilespmem:s3+$0x4500]  }
0x216: {  	v6 =	vadd.s32 v4, v62;
	[tilespmem:$0x1FEE0] =	vst v0;
	v0 =	vld.idx.msk [tilespmem:v63+s1+$0x0], $0xffff  }
0x217: {  	v61 =	vld.idx.msk [tilespmem:v56+s1+$0x0], $0xffff;
	v62 =	vadd.s32 v7, v57  }
0x218: {  	v63 =	vld.idx.msk [tilespmem:v3+s1+$0x0], $0xffff;
	v8 =	vadd.s32 v4, v58  }
0x219: {  	v56 =	vadd.s32 v7, v59;
	v59 =	vld [tilespmem:s22+$0x500]  }
0x21a: {  	[tilespmem:$0x1FEC0] =	vst v11;
	v11 =	vld.idx.msk [tilespmem:v5+s1+$0x0], $0xffff;
	v58 =	vadd.s32 v4, v60  }
0x21b: {  	v57 =	vld.idx.msk [tilespmem:v6+s1+$0x0], $0xffff  }
0x21c: {  	[tilespmem:$0x1FEF0] =	vst v0;
	v0 =	vld.idx.msk [tilespmem:v62+s1+$0x0], $0xffff  }
0x21d: {  	[tilespmem:$0x1FF00] =	vst v61;
	v60 =	vld.idx.msk [tilespmem:v8+s1+$0x0], $0xffff  }
0x21e: {  	[tilespmem:$0x1FF10] =	vst v63;
	v61 =	vld.idx.msk [tilespmem:v56+s1+$0x0], $0xffff;
	v63 =	vadd.s32 v7, v59  }
0x21f: {  	v62 =	vld.idx.msk [tilespmem:v58+s1+$0x0], $0xffff  }
0x220: {  	[tilespmem:$0x1FF20] =	vst v11;
	v11 =	vld [tilespmem:s3+$0xC500]  }
0x221: {  	v56 =	vld [tilespmem:s3+$0x4580]  }
0x222: {  	[tilespmem:$0x1FF30] =	vst v57;
	v57 =	vld [tilespmem:s3+$0xC580]  }
0x223: {  	v59 =	vadd.s32 v7, v10;
	[tilespmem:$0x1FF40] =	vst v0;
	v0 =	vld.idx.msk [tilespmem:v63+s1+$0x0], $0xffff  }
0x224: {  	[tilespmem:$0x1FF50] =	vst v60;
	v60 =	vld [tilespmem:s3+$0x4600]  }
0x225: {  	[tilespmem:$0x1FF60] =	vst v61;
	v61 =	vld [tilespmem:s3+$0xC600]  }
0x226: {  	v58 =	vadd.s32 v4, v9;
	[tilespmem:$0x1FF70] =	vst v62;
	v62 =	vld [tilespmem:s3+$0x4680]  }
0x227: {  	v6 =	vadd.s32 v4, v57;
	v63 =	vld [tilespmem:s3+$0xC680];
	v57 =	vadd.f32 v18, v12;
	v12 =	vadd.f32 $0.0e+00, v19  }
0x228: {  	v3 =	vadd.s32 v4, v11;
	v11 =	vld.idx.msk [tilespmem:v59+s1+$0x0], $0xffff  }
0x229: {  	v5 =	vadd.s32 v7, v56;
	v1 =	vadd.f32 v16, v57;
	v8 =	vadd.f32 v14, v12;
	v12 =	vld [tilespmem:$0x1F620]  }
0x22a: {  	v14 =	vld [tilespmem:$0x1F9E0]  }
0x22b: {  	v1 =	vadd.f32 v22, v1;
	v22 =	vld [tilespmem:s3+$0x5580]  }
0x22c: {  	[tilespmem:$0x1FF80] =	vst v0;
	v0 =	vld.idx.msk [tilespmem:v58+s1+$0x0], $0xffff  }
0x22d: {  	v3 =	vld.idx.msk [tilespmem:v3+s1+$0x0], $0xffff  }
0x22e: {  	v5 =	vld.idx.msk [tilespmem:v5+s1+$0x0], $0xffff  }
0x22f: {  	v6 =	vld.idx.msk [tilespmem:v6+s1+$0x0], $0xffff  }
0x230: {  	v58 =	vadd.f32 v20, v13;
	v13 =	vadd.f32 $0.0e+00, v21;
	v21 =	vld [tilespmem:s3+$0x4700]  }
0x231: {  	v1 =	vadd.f32 v28, v1;
	v28 =	vld [tilespmem:$0x1F6D0]  }
0x232: {  	v20 =	vadd.f32 v15, v13;
	v15 =	vld [tilespmem:$0x1F630]  }
0x233: {  	[tilespmem:$0x1FBA0] =	vst v2;
	v56 =	vadd.s32 v7, v60;
	v2 =	vadd.f32 v17, v58;
	v17 =	vld [tilespmem:$0x1F640]  }
0x234: {  	v59 =	vadd.s32 v4, v61;
	v13 =	vld [tilespmem:$0x1F8C0]  }
0x235: {  	v18 =	vadd.s32 v7, v62;
	v1 =	vadd.f32 v25, v1;
	v25 =	vld [tilespmem:$0x1F6A0]  }
0x236: {  	v19 =	vadd.s32 v4, v63;
	v27 =	vadd.f32 v27, v20;
	v20 =	vld [tilespmem:$0x1F660]  }
0x237: {  	v2 =	vadd.f32 v23, v2;
	v23 =	vld [tilespmem:$0x1F680]  }
0x238: {  	v62 =	vld.idx.msk [tilespmem:v56+s1+$0x0], $0xffff  }
0x239: {  	v61 =	vld.idx.msk [tilespmem:v59+s1+$0x0], $0xffff  }
0x23a: {  	v60 =	vld.idx.msk [tilespmem:v18+s1+$0x0], $0xffff  }
0x23b: {  	v24 =	vadd.f32 v24, v8;
	v59 =	vld.idx.msk [tilespmem:v19+s1+$0x0], $0xffff  }
0x23c: {  	v18 =	vld [tilespmem:$0x1F650]  }
0x23d: {  	[tilespmem:$0x1FF90] =	vst v0;
	v0 =	vadd.f32 v29, v24;
	v24 =	vld [tilespmem:$0x1F690]  }
0x23e: {  	v1 =	vadd.f32 v32, v1;
	v32 =	vld [tilespmem:$0x1F710]  }
0x23f: {  	v2 =	vadd.f32 v31, v2;
	v31 =	vld [tilespmem:s3+$0xC700]  }
0x240: {  	v29 =	vadd.f32 v30, v27;
	v30 =	vadd.s32 v7, v21;
	v21 =	vld [tilespmem:$0x1F670]  }
0x241: {  	v27 =	vld [tilespmem:$0x1F6C0]  }
0x242: {  	v0 =	vadd.f32 v34, v0;
	v34 =	vld [tilespmem:s3+$0x4780]  }
0x243: {  	[tilespmem:$0x1FFB0] =	vst v3;
	v3 =	vadd.f32 v35, v29;
	v35 =	vld [tilespmem:s3+$0xC780]  }
0x244: {  	v2 =	vadd.f32 v26, v2;
	v26 =	vld [tilespmem:$0x1F6B0]  }
0x245: {  	s5 =	sor.u32 $0x4300, s21;
	v1 =	vadd.f32 v42, v1;
	v29 =	vld [tilespmem:$0x1F6E0]  }
0x246: {  	v0 =	vadd.f32 v38, v0;
	v38 =	vld [tilespmem:s5+$0x500]  }
0x247: {  	v1 =	vadd.f32 v39, v1;
	v39 =	vld [tilespmem:$0x1F750]  }
0x248: {  	v3 =	vadd.f32 v41, v3;
	v41 =	vld [tilespmem:s5+$0x8500]  }
0x249: {  	v2 =	vadd.f32 v33, v2;
	v33 =	vadd.s32 v7, v22;
	v22 =	vld [tilespmem:$0x1F7E0]  }
0x24a: {  	s6 =	sor.u32 $0x4380, s21;
	v58 =	vld.idx.msk [tilespmem:v30+s1+$0x0], $0xffff  }
0x24b: {  	v0 =	vadd.f32 v44, v0;
	v44 =	vld [tilespmem:s6+$0x500]  }
0x24c: {  	v1 =	vadd.f32 v48, v1;
	v48 =	vld [tilespmem:s3+$0x5500]  }
0x24d: {  	v30 =	vld [tilespmem:$0x1F6F0]  }
0x24e: {  	v42 =	vadd.s32 v4, v31;
	v31 =	vld [tilespmem:$0x1F700]  }
0x24f: {  	v3 =	vadd.f32 v45, v3;
	v45 =	vld [tilespmem:s6+$0x8500]  }
0x250: {  	v2 =	vadd.f32 v43, v2;
	v43 =	vadd.s32 v7, v34;
	v34 =	vld [tilespmem:s3+$0xD580]  }
0x251: {  	v9 =	vadd.s32 v4, v35;
	v35 =	vld [tilespmem:$0x1F720]  }
0x252: {  	v0 =	vadd.f32 v36, v0;
	v36 =	vld [tilespmem:$0x1F730]  }
0x253: {  	v3 =	vadd.f32 v37, v3;
	v37 =	vld [tilespmem:s3+$0x5600]  }
0x254: {  	v10 =	vadd.s32 v7, v38;
	v38 =	vld [tilespmem:$0x1F740]  }
0x255: {  	v2 =	vadd.f32 v40, v2;
	v40 =	vld [tilespmem:s3+$0xD600]  }
0x256: {  	v1 =	vadd.f32 v50, v1;
	v0 =	vadd.f32 v49, v0;
	v49 =	vld [tilespmem:s3+$0xD500]  }
0x257: {  	[tilespmem:$0x1FFA0] =	vst v11;
	v11 =	vadd.s32 v4, v41;
	v41 =	vld [tilespmem:$0x1F760]  }
0x258: {  	v1 =	vadd.f32 v46, v1;
	v46 =	vld [tilespmem:s3+$0xD680]  }
0x259: {  	v57 =	vld.idx.msk [tilespmem:v42+s1+$0x0], $0xffff  }
0x25a: {  	v42 =	vld [tilespmem:$0x1F770]  }
0x25b: {  	v50 =	vadd.s32 v7, v44;
	v44 =	vld [tilespmem:$0x1F780]  }
0x25c: {  	v16 =	vadd.s32 v7, v48;
	v48 =	vld [tilespmem:$0x1F7B0]  }
0x25d: {  	v56 =	vld.idx.msk [tilespmem:v43+s1+$0x0], $0xffff  }
0x25e: {  	v43 =	vld [tilespmem:s3+$0x5680]  }
0x25f: {  	v2 =	vadd.f32 v53, v2;
	v63 =	vadd.s32 v4, v45;
	v45 =	vld [tilespmem:$0x1F790]  }
0x260: {  	v1 =	vadd.f32 v17, v1;
	v17 =	vld [tilespmem:$0x1F8E0]  }
0x261: {  	v2 =	vadd.f32 v55, v2;
	v55 =	vld.idx.msk [tilespmem:v9+s1+$0x0], $0xffff  }
0x262: {  	v3 =	vadd.f32 v54, v3;
	v54 =	vld.idx.msk [tilespmem:v10+s1+$0x0], $0xffff  }
0x263: {  	v1 =	vadd.f32 v23, v1;
	v23 =	vld [tilespmem:$0x1F7F0]  }
0x264: {  	v3 =	vadd.f32 v52, v3;
	v53 =	vld.idx.msk [tilespmem:v11+s1+$0x0], $0xffff  }
0x265: {  	v2 =	vadd.f32 v47, v2;
	v47 =	vld [tilespmem:$0x1F7A0]  }
0x266: {  	v3 =	vadd.f32 v15, v3;
	v15 =	vld [tilespmem:$0x1F8D0]  }
0x267: {  	v52 =	vld.idx.msk [tilespmem:v50+s1+$0x0], $0xffff  }
0x268: {  	v50 =	vld.idx.msk [tilespmem:v16+s1+$0x0], $0xffff  }
0x269: {  	v0 =	vadd.f32 v51, v0;
	v1 =	vadd.f32 v27, v1;
	v27 =	vld [tilespmem:s3+$0x5780]  }
0x26a: {  	v51 =	vld.idx.msk [tilespmem:v63+s1+$0x0], $0xffff  }
0x26b: {  	v0 =	vadd.f32 v12, v0;
	v2 =	vadd.f32 v18, v2;
	v18 =	vld [tilespmem:$0x1F7C0]  }
0x26c: {  	v3 =	vadd.f32 v21, v3;
	v21 =	vld [tilespmem:s3+$0x5700]  }
0x26d: {  	v0 =	vadd.f32 v20, v0;
	v63 =	vadd.s32 v4, v34;
	v34 =	vld [tilespmem:$0x1F870]  }
0x26e: {  	v19 =	vadd.s32 v4, v49;
	v10 =	vadd.s32 v7, v43;
	v43 =	vld [tilespmem:$0x1F890]  }
0x26f: {  	v0 =	vadd.f32 v25, v0;
	v25 =	vld [tilespmem:$0x1F800]  }
0x270: {  	v1 =	vadd.f32 v31, v1;
	v31 =	vld [tilespmem:$0x1F840]  }
0x271: {  	v2 =	vadd.f32 v24, v2;
	v24 =	vld [tilespmem:s3+$0xD700]  }
0x272: {  	v3 =	vadd.f32 v26, v3;
	v26 =	vld [tilespmem:$0x1F810]  }
0x273: {  	v20 =	vadd.s32 v7, v37;
	v49 =	vld.idx.msk [tilespmem:v19+s1+$0x0], $0xffff  }
0x274: {  	v19 =	vld [tilespmem:$0x1F7D0]  }
0x275: {  	v0 =	vadd.f32 v29, v0;
	v29 =	vld [tilespmem:$0x1F830]  }
0x276: {  	v2 =	vadd.f32 v28, v2;
	v28 =	vld [tilespmem:$0x1F820]  }
0x277: {  	v3 =	vadd.f32 v30, v3;
	v30 =	vld [tilespmem:s3+$0xD780]  }
0x278: {  	v11 =	vadd.s32 v4, v46;
	v46 =	vld.idx.msk [tilespmem:v20+s1+$0x0], $0xffff  }
0x279: {  	v20 =	vld [tilespmem:$0x1F900]  }
0x27a: {  	v1 =	vadd.f32 v38, v1;
	v12 =	vadd.s32 v7, v27;
	v27 =	vld [tilespmem:$0x1F970]  }
0x27b: {  	v9 =	vadd.s32 v4, v40;
	v40 =	vld.idx.msk [tilespmem:v10+s1+$0x0], $0xffff  }
0x27c: {  	v0 =	vadd.f32 v35, v0;
	v1 =	vadd.f32 v44, v1;
	v35 =	vadd.s32 v7, v21;
	v21 =	vld [tilespmem:$0x1F910]  }
0x27d: {  	v2 =	vadd.f32 v32, v2;
	v32 =	vld [tilespmem:$0x1F850]  }
0x27e: {  	v1 =	vadd.f32 v18, v1;
	v18 =	vld [tilespmem:$0x1F8F0]  }
0x27f: {  	v3 =	vadd.f32 v36, v3;
	v44 =	vadd.s32 v4, v24;
	v24 =	vld [tilespmem:$0x1F940]  }
0x280: {  	v0 =	vadd.f32 v41, v0;
	v41 =	vld [tilespmem:$0x1F9B0]  }
0x281: {  	v3 =	vadd.f32 v42, v3;
	v42 =	vld [tilespmem:$0x1F880]  }
0x282: {  	v2 =	vadd.f32 v39, v2;
	v39 =	vld.idx.msk [tilespmem:v11+s1+$0x0], $0xffff  }
0x283: {  	v0 =	vadd.f32 v47, v0;
	v47 =	vld.idx.msk [tilespmem:v63+s1+$0x0], $0xffff  }
0x284: {  	v63 =	vld [tilespmem:$0x1F8B0]  }
0x285: {  	v1 =	vadd.f32 v25, v1;
	v25 =	vld [tilespmem:$0x1F950]  }
0x286: {  	v37 =	vld.idx.msk [tilespmem:v12+s1+$0x0], $0xffff  }
0x287: {  	v3 =	vadd.f32 v48, v3;
	v48 =	vld.idx.msk [tilespmem:v33+s1+$0x0], $0xffff  }
0x288: {  	v33 =	vld [tilespmem:$0x1F860]  }
0x289: {  	v2 =	vadd.f32 v45, v2;
	v45 =	vld [tilespmem:$0x1F8A0]  }
0x28a: {  	v38 =	vld.idx.msk [tilespmem:v35+s1+$0x0], $0xffff  }
0x28b: {  	s7 =	sor.u32 $0x5300, s21;
	v0 =	vadd.f32 v22, v0;
	v22 =	vld [tilespmem:$0x1F920]  }
0x28c: {  	v1 =	vadd.f32 v31, v1;
	v31 =	vld [tilespmem:s7+$0x8500]  }
0x28d: {  	v2 =	vadd.f32 v19, v2;
	v19 =	vld [tilespmem:s7+$0x500]  }
0x28e: {  	v3 =	vadd.f32 v23, v3;
	v23 =	vld [tilespmem:$0x1F930]  }
0x28f: {  	v16 =	vadd.s32 v4, v30;
	v36 =	vld.idx.msk [tilespmem:v44+s1+$0x0], $0xffff  }
0x290: {  	v44 =	vld [tilespmem:$0x1F9C0]  }
0x291: {  	s22 =	sor.u32 $0x5380, s21;
	v0 =	vadd.f32 v28, v0;
	v28 =	vld [tilespmem:$0x1F980]  }
0x292: {  	v1 =	vadd.f32 v42, v1;
	v42 =	vld [tilespmem:s22+$0x500]  }
0x293: {  	v2 =	vadd.f32 v26, v2;
	v26 =	vld [tilespmem:$0x1F960]  }
0x294: {  	v35 =	vld.idx.msk [tilespmem:v16+s1+$0x0], $0xffff  }
0x295: {  	v3 =	vadd.f32 v29, v3;
	v29 =	vld [tilespmem:$0x1F990]  }
0x296: {  	v16 =	vld [tilespmem:s3+$0x6500]  }
0x297: {  	v0 =	vadd.f32 v33, v0;
	v33 =	vld [tilespmem:$0x1FA70]  }
0x298: {  	v1 =	vadd.f32 v13, v1;
	v13 =	vld [tilespmem:$0x1FB50]  }
0x299: {  	v3 =	vadd.f32 v34, v3;
	v34 =	vld [tilespmem:$0x1F9A0]  }
0x29a: {  	v2 =	vadd.f32 v32, v2;
	v32 =	vld [tilespmem:$0x1FA60]  }
0x29b: {  	v0 =	vadd.f32 v45, v0;
	v45 =	vld [tilespmem:$0x1F9D0]  }
0x29c: {  	v30 =	vadd.s32 v7, v19;
	v19 =	vld [tilespmem:s3+$0xE500]  }
0x29d: {  	v1 =	vadd.f32 v20, v1;
	v20 =	vld [tilespmem:$0x1FAE0]  }
0x29e: {  	v2 =	vadd.f32 v43, v2;
	v43 =	vld.idx.msk [tilespmem:v9+s1+$0x0], $0xffff  }
0x29f: {  	v3 =	vadd.f32 v63, v3;
	v63 =	vld [tilespmem:s22+$0x8500]  }
0x2a0: {  	v0 =	vadd.f32 v17, v0;
	v17 =	vld [tilespmem:$0x1FA00]  }
0x2a1: {  	v1 =	vadd.f32 v24, v1;
	v24 =	vld [tilespmem:$0x1FA30]  }
0x2a2: {  	v10 =	vadd.s32 v7, v16;
	v16 =	vld [tilespmem:$0x1FAB0]  }
0x2a3: {  	v2 =	vadd.f32 v15, v2;
	v15 =	vld [tilespmem:$0x1F9F0]  }
0x2a4: {  	v3 =	vadd.f32 v18, v3;
	v18 =	vld [tilespmem:$0x1FA10]  }
0x2a5: {  	v1 =	vadd.f32 v28, v1;
	v28 =	vadd.s32 v7, v42;
	v42 =	vld [tilespmem:$0x1FA80]  }
0x2a6: {  	v0 =	vadd.f32 v22, v0;
	v22 =	vld [tilespmem:$0x1FBC0]  }
0x2a7: {  	v3 =	vadd.f32 v23, v3;
	v23 =	vld [tilespmem:$0x1FA20]  }
0x2a8: {  	v11 =	vadd.s32 v4, v19;
	v19 =	vld [tilespmem:$0x1FAD0]  }
0x2a9: {  	v0 =	vadd.f32 v26, v0;
	v26 =	vld [tilespmem:$0x1FA40]  }
0x2aa: {  	v1 =	vadd.f32 v44, v1;
	v44 =	vld [tilespmem:$0x1FA90]  }
0x2ab: {  	v9 =	vadd.s32 v4, v63;
	v63 =	vld [tilespmem:$0x1FAA0]  }
0x2ac: {  	v3 =	vadd.f32 v27, v3;
	v27 =	vld [tilespmem:$0x1FA50]  }
0x2ad: {  	v2 =	vadd.f32 v21, v2;
	v0 =	vadd.f32 v34, v0;
	v34 =	vld.idx.msk [tilespmem:v30+s1+$0x0], $0xffff  }
0x2ae: {  	v1 =	vadd.f32 v17, v1;
	v17 =	vld [tilespmem:s3+$0xE600]  }
0x2af: {  	v2 =	vadd.f32 v25, v2;
	v30 =	vld.idx.msk [tilespmem:v10+s1+$0x0], $0xffff  }
0x2b0: {  	v10 =	vld [tilespmem:$0x1FB40]  }
0x2b1: {  	v2 =	vadd.f32 v29, v2;
	v29 =	vld [tilespmem:s3+$0x6580]  }
0x2b2: {  	v3 =	vadd.f32 v41, v3;
	v41 =	vld [tilespmem:s3+$0xE580]  }
0x2b3: {  	v0 =	vadd.f32 v14, v0;
	v14 =	vld [tilespmem:$0x1FB60]  }
0x2b4: {  	v2 =	vadd.f32 v45, v2;
	v45 =	vld [tilespmem:s3+$0x6600]  }
0x2b5: {  	v25 =	vadd.s32 v4, v31;
	v31 =	vld.idx.msk [tilespmem:v9+s1+$0x0], $0xffff  }
0x2b6: {  	v9 =	vld [tilespmem:$0x1FB30]  }
0x2b7: {  	v3 =	vadd.f32 v15, v3;
	v15 =	vld [tilespmem:$0x1FB70]  }
0x2b8: {  	v0 =	vadd.f32 v23, v0;
	v23 =	vld [tilespmem:$0x1FAF0]  }
0x2b9: {  	v2 =	vadd.f32 v18, v2;
	v18 =	vld [tilespmem:$0x1FAC0]  }
0x2ba: {  	v3 =	vadd.f32 v24, v3;
	v24 =	vld [tilespmem:$0x1FB00]  }
0x2bb: {  	v0 =	vadd.f32 v32, v0;
	v32 =	vld.idx.msk [tilespmem:v25+s1+$0x0], $0xffff  }
0x2bc: {  	v25 =	vld [tilespmem:$0x1FB10]  }
0x2bd: {  	v8 =	vadd.s32 v7, v29;
	v29 =	vld.idx.msk [tilespmem:v11+s1+$0x0], $0xffff  }
0x2be: {  	v11 =	vld [tilespmem:$0x1FC10]  }
0x2bf: {  	v1 =	vadd.f32 v26, v1;
	v3 =	vadd.f32 v33, v3;
	v33 =	vld.idx.msk [tilespmem:v28+s1+$0x0], $0xffff  }
0x2c0: {  	v2 =	vadd.f32 v27, v2;
	v27 =	vld [tilespmem:$0x1FBD0]  }
0x2c1: {  	v1 =	vadd.f32 v42, v1;
	v0 =	vadd.f32 v63, v0;
	v63 =	vld [tilespmem:$0x1FB20]  }
0x2c2: {  	v3 =	vadd.f32 v16, v3;
	v16 =	vld [tilespmem:s3+$0x6680]  }
0x2c3: {  	v2 =	vadd.f32 v44, v2;
	v1 =	vadd.f32 v18, v1;
	v18 =	vld [tilespmem:$0x1FB90]  }
0x2c4: {  	v0 =	vadd.f32 v20, v0;
	v20 =	vld [tilespmem:$0x1FBB0]  }
0x2c5: {  	v2 =	vadd.f32 v19, v2;
	v19 =	vld [tilespmem:$0x1FBA0]  }
0x2c6: {  	v28 =	vld.idx.msk [tilespmem:v8+s1+$0x0], $0xffff  }
0x2c7: {  	v8 =	vld [tilespmem:s3+$0xE700]  }
0x2c8: {  	v3 =	vadd.f32 v23, v3;
	v23 =	vadd.f32 $0.0e+00, v22;
	v22 =	vld [tilespmem:$0x1FCB0]  }
0x2c9: {  	v21 =	vadd.s32 v7, v45;
	v1 =	vadd.f32 v24, v1;
	v0 =	vadd.f32 v63, v0;
	v63 =	vld [tilespmem:$0x1FBE0]  }
0x2ca: {  	v3 =	vadd.f32 v9, v3;
	v9 =	vld [tilespmem:$0x1FBF0]  }
0x2cb: {  	v44 =	vadd.f32 v10, v1;
	v1 =	vadd.s32 v4, v17;
	v17 =	vld [tilespmem:$0x1FB80]  }
0x2cc: {  	v10 =	vld [tilespmem:$0x1FC00]  }
0x2cd: {  	[tilespmem:$0x1FFC0] =	vst v5;
	v2 =	vadd.f32 v25, v2;
	v5 =	vadd.s32 v7, v16;
	v16 =	vld [tilespmem:$0x1FC50]  }
0x2ce: {  	v26 =	vadd.s32 v4, v41;
	v41 =	vadd.f32 v14, v0;
	v0 =	vadd.f32 $0.0e+00, v27;
	v27 =	vld.idx.msk [tilespmem:v21+s1+$0x0], $0xffff  }
0x2cf: {  	v45 =	vadd.f32 v13, v2;
	v13 =	vld [tilespmem:$0x1FC20]  }
0x2d0: {  	v14 =	vld [tilespmem:$0x1FC30]  }
0x2d1: {  	v42 =	vadd.f32 v15, v3;
	v15 =	vld [tilespmem:$0x1FC40]  }
0x2d2: {  	v21 =	vld [tilespmem:$0x1FCA0]  }
0x2d3: {  	v3 =	vadd.f32 v20, v19;
	v19 =	vld [tilespmem:$0x1FC80]  }
0x2d4: {  	v20 =	vld [tilespmem:$0x1FC90]  }
0x2d5: {  	[tilespmem:$0x1FFD0] =	vst v6;
	v6 =	vadd.f32 v9, v3;
	v3 =	vld [tilespmem:s3+$0x6700]  }
0x2d6: {  	v9 =	vld [tilespmem:s3+$0x6780]  }
0x2d7: {  	v25 =	vld.idx.msk [tilespmem:v1+s1+$0x0], $0xffff  }
0x2d8: {  	v2 =	vadd.f32 v18, v17;
	v17 =	vld [tilespmem:$0x1FC60]  }
0x2d9: {  	v0 =	vadd.f32 v11, v0;
	v18 =	vld [tilespmem:$0x1FC70]  }
0x2da: {  	v12 =	vadd.f32 v10, v23;
	v23 =	vld [tilespmem:s3+$0xE780]  }
0x2db: {  	s5 =	sor.u32 $0x6300, s21;
	v0 =	vadd.f32 v16, v0;
	v16 =	vld [tilespmem:$0x1FCF0]  }
0x2dc: {  	v10 =	vld [tilespmem:s5+$0x500]  }
0x2dd: {  	v2 =	vadd.f32 v63, v2;
	v63 =	vld [tilespmem:$0x1FCC0]  }
0x2de: {  	v12 =	vadd.f32 v15, v12;
	v15 =	vld [tilespmem:$0x1FCE0]  }
0x2df: {  	v0 =	vadd.f32 v20, v0;
	v20 =	vld [tilespmem:$0x1FD30]  }
0x2e0: {  	v1 =	vadd.f32 v13, v2;
	v2 =	vadd.f32 v14, v6;
	v6 =	vld [tilespmem:s3+$0xE680]  }
0x2e1: {  	v14 =	vld [tilespmem:$0x1FCD0]  }
0x2e2: {  	v11 =	vadd.s32 v7, v3;
	v3 =	vld [tilespmem:s5+$0x8500]  }
0x2e3: {  	v12 =	vadd.f32 v19, v12;
	v19 =	vld [tilespmem:$0x1FD20]  }
0x2e4: {  	v13 =	vadd.s32 v4, v23;
	v23 =	vld [tilespmem:$0x1FD60]  }
0x2e5: {  	v1 =	vadd.f32 v17, v1;
	v17 =	vld [tilespmem:$0x1FD00]  }
0x2e6: {  	v2 =	vadd.f32 v18, v2;
	v18 =	vld [tilespmem:$0x1FD10]  }
0x2e7: {  	v12 =	vadd.f32 v63, v12;
	v63 =	vld [tilespmem:$0x1FD70]  }
0x2e8: {  	v1 =	vadd.f32 v21, v1;
	v21 =	vld [tilespmem:$0x1FD40]  }
0x2e9: {  	v2 =	vadd.f32 v22, v2;
	v22 =	vld [tilespmem:$0x1FD50]  }
0x2ea: {  	v0 =	vadd.f32 v14, v0;
	v1 =	vadd.f32 v15, v1;
	v15 =	vld [tilespmem:$0x1FDF0]  }
0x2eb: {  	v2 =	vadd.f32 v16, v2;
	v16 =	vld [tilespmem:$0x1FE00]  }
0x2ec: {  	v14 =	vadd.s32 v4, v6;
	v0 =	vadd.f32 v18, v0;
	v18 =	vld [tilespmem:$0x1FD80]  }
0x2ed: {  	v12 =	vadd.f32 v17, v12;
	v17 =	vld [tilespmem:$0x1FE10]  }
0x2ee: {  	v1 =	vadd.f32 v19, v1;
	v19 =	vld [tilespmem:$0x1FD90]  }
0x2ef: {  	v2 =	vadd.f32 v20, v2;
	v20 =	vld [tilespmem:$0x1FDA0]  }
0x2f0: {  	v12 =	vadd.f32 v21, v12;
	v21 =	vld [tilespmem:$0x1FDB0]  }
0x2f1: {  	v0 =	vadd.f32 v22, v0;
	v22 =	vld.idx.msk [tilespmem:v14+s1+$0x0], $0xffff  }
0x2f2: {  	v9 =	vadd.s32 v7, v9;
	v1 =	vadd.f32 v23, v1;
	v23 =	vld.idx.msk [tilespmem:v11+s1+$0x0], $0xffff  }
0x2f3: {  	v2 =	vadd.f32 v63, v2;
	v63 =	vld [tilespmem:$0x1FDC0]  }
0x2f4: {  	v11 =	vld [tilespmem:$0x1FDD0]  }
0x2f5: {  	v14 =	vld [tilespmem:$0x1FDE0]  }
0x2f6: {  	v12 =	vadd.f32 v18, v12;
	v18 =	vld [tilespmem:$0x1FE20]  }
0x2f7: {  	v8 =	vadd.s32 v4, v8;
	v1 =	vadd.f32 v20, v1;
	v20 =	vld.idx.msk [tilespmem:v9+s1+$0x0], $0xffff  }
0x2f8: {  	v0 =	vadd.f32 v19, v0;
	v19 =	vld.idx.msk [tilespmem:v13+s1+$0x0], $0xffff  }
0x2f9: {  	v13 =	vld [tilespmem:$0x1FE40]  }
0x2fa: {  	v12 =	vadd.f32 v63, v12;
	v63 =	vld [tilespmem:$0x1FE30]  }
0x2fb: {  	v9 =	vld [tilespmem:$0x1FEA0];
	v2 =	vadd.f32 v21, v2  }
0x2fc: {  	v10 =	vadd.s32 v7, v10;
	v21 =	vld.idx.msk [tilespmem:v8+s1+$0x0], $0xffff  }
0x2fd: {  	v1 =	vadd.f32 v14, v1;
	v14 =	vld [tilespmem:$0x1FE50];
	v2 =	vadd.f32 v15, v2  }
0x2fe: {  	v8 =	vadd.s32 v4, v3;
	v15 =	vld [tilespmem:$0x1FE60]  }
0x2ff: {  	v2 =	vadd.f32 v63, v2;
	v63 =	vld [tilespmem:$0x1FE80]  }
0x300: {  	v12 =	vadd.f32 v16, v12;
	v16 =	vld [tilespmem:$0x1FE70]  }
0x301: {  	v0 =	vadd.f32 v11, v0;
	v1 =	vadd.f32 v18, v1;
	v18 =	vld.idx.msk [tilespmem:v10+s1+$0x0], $0xffff  }
0x302: {  	v10 =	vld [tilespmem:$0x1FEB0];
	v12 =	vadd.f32 v13, v12  }
0x303: {  	v0 =	vadd.f32 v17, v0;
	v17 =	vld.idx.msk [tilespmem:v8+s1+$0x0], $0xffff  }
0x304: {  	v12 =	vadd.f32 v63, v12;
	v63 =	vld [tilespmem:$0x1FEF0]  }
0x305: {  	v8 =	vld [tilespmem:$0x1FE90];
	v2 =	vadd.f32 v16, v2  }
0x306: {  	v0 =	vadd.f32 v14, v0;
	v14 =	vld [tilespmem:$0x1FEE0]  }
0x307: {  	v13 =	vld [tilespmem:$0x1FED0];
	v1 =	vadd.f32 v15, v1;
	v2 =	vadd.f32 v10, v2;
	_ =	sdelay $0x1  }
0x308: {  	v1 =	vadd.f32 v9, v1;
	v2 =	vadd.f32 v63, v2;
	v63 =	vld [tilespmem:$0x1FF20]  }
0x309: {  	v11 =	vld [tilespmem:$0x1FEC0];
	v0 =	vadd.f32 v8, v0  }
0x30a: {  	v1 =	vadd.f32 v14, v1;
	v14 =	vld [tilespmem:$0x1FF10]  }
0x30b: {  	v0 =	vadd.f32 v13, v0;
	v13 =	vld [tilespmem:$0x1FF00]  }
0x30c: {  	v24 =	vld.idx.msk [tilespmem:v5+s1+$0x0], $0xffff  }
0x30d: {  	s6 =	sor.u32 $0x6380, s21;
	v1 =	vadd.f32 v63, v1;
	v63 =	vld [tilespmem:$0x1FF50]  }
0x30e: {  	v6 =	vld [tilespmem:s6+$0x8500];
	v12 =	vadd.f32 v11, v12  }
0x30f: {  	v0 =	vadd.f32 v14, v0;
	v14 =	vld [tilespmem:$0x1FF40]  }
0x310: {  	v12 =	vadd.f32 v13, v12;
	v13 =	vld [tilespmem:$0x1FF30]  }
0x311: {  	v5 =	vld [tilespmem:s6+$0x500]  }
0x312: {  	v0 =	vadd.f32 v63, v0;
	v63 =	vld [tilespmem:$0x1FF80]  }
0x313: {  	v6 =	vadd.s32 v4, v6;
	_ =	sdelay $0x1  }
0x314: {  	v12 =	vadd.f32 v14, v12;
	v2 =	vadd.f32 v13, v2;
	v13 =	vld [tilespmem:$0x1FF60]  }
0x315: {  	v5 =	vadd.s32 v7, v5;
	v3 =	vld [tilespmem:s3+$0x7500]  }
0x316: {  	v12 =	vadd.f32 v63, v12;
	v63 =	vld [tilespmem:$0x1FFA0]  }
0x317: {  	v15 =	vld.idx.msk [tilespmem:v6+s1+$0x0], $0xffff  }
0x318: {  	v6 =	vld [tilespmem:s3+$0x7580]  }
0x319: {  	v14 =	vld [tilespmem:$0x1FF70];
	v1 =	vadd.f32 v13, v1  }
0x31a: {  	v16 =	vld.idx.msk [tilespmem:v5+s1+$0x0], $0xffff  }
0x31b: {  	v1 =	vadd.f32 v63, v1;
	v63 =	vld [tilespmem:$0x1FFB0]  }
0x31c: {  	v5 =	vld [tilespmem:s3+$0xF500]  }
0x31d: {  	v3 =	vadd.s32 v7, v3;
	v9 =	vld [tilespmem:s3+$0x7600]  }
0x31e: {  	v8 =	vld [tilespmem:s3+$0xF580];
	v2 =	vadd.f32 v14, v2  }
0x31f: {  	v10 =	vld [tilespmem:s3+$0xF600]  }
0x320: {  	v2 =	vadd.f32 v63, v2;
	v63 =	vld [tilespmem:$0x1FFC0]  }
0x321: {  	v26 =	vld.idx.msk [tilespmem:v26+s1+$0x0], $0xffff;
	v6 =	vadd.s32 v7, v6  }
0x322: {  	v3 =	vld.idx.msk [tilespmem:v3+s1+$0x0], $0xffff;
	v5 =	vadd.s32 v4, v5  }
0x323: {  	v9 =	vadd.s32 v7, v9;
	v14 =	vld [tilespmem:$0x1FF90]  }
0x324: {  	v11 =	vld [tilespmem:s30+$0x11900];
	v8 =	vadd.s32 v4, v8  }
0x325: {  	v10 =	vadd.s32 v4, v10;
	v12 =	vadd.f32 v63, v12;
	v63 =	vld [tilespmem:$0x1FFD0]  }
0x326: {  	v6 =	vld.idx.msk [tilespmem:v6+s1+$0x0], $0xffff  }
0x327: {  	v5 =	vld.idx.msk [tilespmem:v5+s1+$0x0], $0xffff  }
0x328: {  	v9 =	vld.idx.msk [tilespmem:v9+s1+$0x0], $0xffff;
	v0 =	vadd.f32 v14, v0  }
0x329: {  	v8 =	vld.idx.msk [tilespmem:v8+s1+$0x0], $0xffff;
	v1 =	vadd.f32 v62, v1  }
0x32a: {  	v10 =	vld.idx.msk [tilespmem:v10+s1+$0x0], $0xffff;
	v0 =	vadd.f32 v63, v0  }
0x32b: {  	v13 =	vld [tilespmem:s30+$0x10500];
	v1 =	vadd.f32 v58, v1;
	v2 =	vadd.f32 v61, v2  }
0x32c: {  	v58 =	vld [tilespmem:s3+$0x7680];
	v12 =	vadd.f32 v60, v12;
	v0 =	vadd.f32 v59, v0  }
0x32d: {  	v14 =	vld [tilespmem:s30+$0x10700];
	v1 =	vadd.f32 v54, v1;
	v2 =	vadd.f32 v57, v2  }
0x32e: {  	s22 =	sor.u32 $0x7380, s21;
	v62 =	vld [tilespmem:s3+$0x7780];
	v12 =	vadd.f32 v56, v12;
	v0 =	vadd.f32 v55, v0  }
0x32f: {  	v54 =	vld [tilespmem:s22+$0x500];
	v1 =	vadd.f32 v50, v1;
	v2 =	vadd.f32 v53, v2  }
0x330: {  	s7 =	sor.u32 $0x7300, s21;
	v61 =	vld [tilespmem:s3+$0xF700];
	v12 =	vadd.f32 v52, v12;
	v0 =	vadd.f32 v51, v0  }
0x331: {  	v50 =	vld [tilespmem:s7+$0x500];
	v1 =	vadd.f32 v46, v1;
	v46 =	vadd.s32 v7, v58;
	v2 =	vadd.f32 v49, v2  }
0x332: {  	v60 =	vld [tilespmem:s3+$0x7700];
	v12 =	vadd.f32 v48, v12;
	v0 =	vadd.f32 v47, v0  }
0x333: {  	v56 =	vld [tilespmem:s22+$0x8500];
	v2 =	vadd.f32 v43, v2  }
0x334: {  	v63 =	vld [tilespmem:s30+$0x11B00];
	v12 =	vadd.f32 v40, v12;
	v0 =	vadd.f32 v39, v0  }
0x335: {  	v1 =	vadd.f32 v38, v1;
	v59 =	vld [tilespmem:s3+$0xF680];
	v2 =	vadd.f32 v36, v2  }
0x336: {  	v57 =	vld.idx.msk [tilespmem:v46+s1+$0x0], $0xffff;
	v55 =	vadd.s32 v7, v62;
	v12 =	vadd.f32 v37, v12;
	v0 =	vadd.f32 v35, v0  }
0x337: {  	v1 =	vadd.f32 v34, v1;
	v48 =	vld [tilespmem:s3+$0xF780];
	v2 =	vadd.f32 v32, v2;
	v51 =	vadd.s32 v7, v60  }
0x338: {  	v52 =	vld [tilespmem:s7+$0x8500];
	v60 =	vadd.s32 v7, v50;
	v12 =	vadd.f32 v33, v12;
	v0 =	vadd.f32 v31, v0  }
0x339: {  	v43 =	vld [tilespmem:s28+$0x11700];
	v1 =	vadd.f32 v30, v1;
	v2 =	vadd.f32 v29, v2;
	v7 =	vadd.s32 v7, v54  }
0x33a: {  	v46 =	vld [tilespmem:s28+$0x10B00];
	v49 =	vadd.s32 v4, v59;
	v12 =	vadd.f32 v28, v12;
	v0 =	vadd.f32 v26, v0  }
0x33b: {  	v53 =	vadd.s32 v4, v61;
	v1 =	vadd.f32 v27, v1;
	v2 =	vadd.f32 v25, v2;
	v32 =	vld.idx.msk [tilespmem:v55+s1+$0x0], $0xffff  }
0x33c: {  	v58 =	vadd.s32 v4, v48;
	v61 =	vld.idx.msk [tilespmem:v51+s1+$0x0], $0xffff;
	v12 =	vadd.f32 v24, v12;
	v0 =	vadd.f32 v22, v0  }
0x33d: {  	v1 =	vadd.f32 v23, v1;
	v62 =	vadd.s32 v4, v52;
	v2 =	vadd.f32 v21, v2;
	v34 =	vld.idx.msk [tilespmem:v60+s1+$0x0], $0xffff  }
0x33e: {  	v4 =	vadd.s32 v4, v56;
	v37 =	vld.idx.msk [tilespmem:v7+s1+$0x0], $0xffff;
	v12 =	vadd.f32 v20, v12;
	v0 =	vadd.f32 v19, v0  }
0x33f: {  	v1 =	vadd.f32 v18, v1;
	v59 =	vld.idx.msk [tilespmem:v49+s1+$0x0], $0xffff;
	v2 =	vadd.f32 v17, v2  }
0x340: {  	v31 =	vld.idx.msk [tilespmem:v53+s1+$0x0], $0xffff;
	v12 =	vadd.f32 v16, v12;
	v0 =	vadd.f32 v15, v0  }
0x341: {  	v1 =	vadd.f32 v3, v1;
	v33 =	vld.idx.msk [tilespmem:v58+s1+$0x0], $0xffff;
	v2 =	vadd.f32 v5, v2  }
0x342: {  	v35 =	vld.idx.msk [tilespmem:v62+s1+$0x0], $0xffff;
	v36 =	vadd.f32 v6, v12;
	v0 =	vadd.f32 v8, v0  }
0x343: {  	v38 =	vmul.u32 $0x14, v13;
	v1 =	vadd.f32 v9, v1;
	v4 =	vld.idx.msk [tilespmem:v4+s1+$0x0], $0xffff;
	v2 =	vadd.f32 v10, v2  }
0x344: {  	v40 =	vmul.u32 $0x14, v11;
	v47 =	vld [tilespmem:s28+$0x11D00];
	v5 =	vadd.f32 v57, v36;
	v0 =	vadd.f32 v59, v0  }
0x345: {  	v48 =	vld [tilespmem:s30+$0x11100];
	v7 =	vadd.s32 v14, v38;
	v1 =	vadd.f32 v61, v1;
	v2 =	vadd.f32 v31, v2  }
0x346: {  	v56 =	vld [tilespmem:s30+$0x10B00];
	v9 =	vadd.s32 v63, v40;
	v5 =	vadd.f32 v32, v5;
	v0 =	vadd.f32 v33, v0  }
0x347: {  	v39 =	vld [tilespmem:s28+$0x11100];
	v1 =	vadd.f32 v34, v1;
	v2 =	vadd.f32 v35, v2  }
0x348: {  	v51 =	vld [tilespmem:s30+$0x11700];
	v5 =	vadd.f32 v37, v5;
	v0 =	vadd.f32 v4, v0  }
0x349: {  	v50 =	vadd.f32 v42, v45;
	v60 =	vld [tilespmem:$0x1FFF0];
	v49 =	vadd.f32 v41, v44  }
0x34a: {  	v52 =	vld.idx.msk [tilespmem:v7+s1+$0x0], $0xffff;
	v1 =	vadd.f32 v5, v1;
	v0 =	vadd.f32 v0, v2  }
0x34b: {  	v54 =	vsub.f32 $0.0e+00, v50;
	v53 =	vsub.f32 $0.0e+00, v49;
	v55 =	vld.idx.msk [tilespmem:v9+s1+$0x0], $0xffff  }
0x34c: {  	v59 =	vld [tilespmem:$0x1FFE0];
	v1 =	vsub.f32 $0.0e+00, v1;
	v0 =	vsub.f32 $0.0e+00, v0  }
0x34d: {  	v6 =	vmul.f32 v54, v43;
	v57 =	vld [tilespmem:s30+$0x11D00];
	v2 =	vmul.f32 v39, v53  }
0x34e: {  	v1 =	vmul.f32 v48, v1;
	v0 =	vmul.f32 v0, v51  }
0x34f: {  	v2 =	vadd.f32 v6, v2  }
0x350: {  	v58 =	vld [tilespmem:s28+$0x10900];
	v0 =	vadd.f32 v0, v1  }
0x351: {  	v3 =	vadd.f32 v47, v60;
	v61 =	vld [tilespmem:s30+$0x10900];
	v4 =	vmul.f32 v46, v59;
	v2 =	vmul.f32 $1.000000010e-01, v2  }
0x352: {  	v7 =	vadd.f32 v57, v55;
	v5 =	vmul.f32 v56, v52;
	v0 =	vmul.f32 $1.000000010e-01, v0  }
0x353: {  	v3 =	vmul.f32 $9.999999770e-03, v3;
	v2 =	vadd.f32 v2, v4  }
0x354: {  	s0 =	sadd.s32 $0x2, s0;
	v62 =	vmul.f32 $9.999999770e-03, v7;
	v0 =	vadd.f32 v0, v5  }
0x355: {  	p0 =	slt.u32 s0, $0x1E;
	v1 =	vmul.f32 $1.000000050e-03, v58;
	v2 =	vadd.f32 v2, v3  }
.Ltmp0:
0x356: {  	v63 =	vmul.f32 $1.000000050e-03, v61;
	v0 =	vadd.f32 v0, v62;
	(pc) =	sbr.rel @p0 .LBB3_2-.Ltmp0, $4  }
0x357: {  	v1 =	vadd.f32 v2, v1  }
0x358: {  	v0 =	vadd.f32 v0, v63  }
0x359: {  	s25 =	sadd.s32 $0x1, s25;
	[tilespmem:s28+$0x11F00] =	vst v1  }
0x35a: {  	s23 =	sadd.s32 $0x80, s23;
	s26 =	sadd.s32 $0x100, s26;
	s24 =	sadd.s32 $0x20, s24;
	[tilespmem:s30+$0x11F00] =	vst v0  }
0x35b: {  	s2 =	sadd.s32 $0x1, s2  }
0x35c: {  	p0 =	sne.s32 s2, s20  }
.Ltmp1:
0x35d: {  	s0 =	simm.s32 $0x11F00;
	(pc) =	sbr.rel @p0 .LBB3_1-.Ltmp1, $4  }
0x35e: {  	[hbm4b:s19+s1] =	stream.linear.scatter [tilespmem:s0], [sflag:$0x2], $0x200, $0x38;
	[tilespmem:$0x12100] =	vst v63  }
0x35f: {  	_ =	swait.ge [sflag:s31], $0x200  }
0x360: {  	[sflag:s31] =	ssyncset.done $0x0  }
0x361: {  	[sflag:s31] =	ssyncadd.s32 $0xFFFFFE00  }
0x362: {  	_ =	sfence.sel $0x180000  }
0x363: {  	[bflag:$0x0] =	sbarrier.arrive $0xFFFF  }
0x364: {  	_ =	strace $0x90000047  }
0x365: {  	s0 =	stileid.u32;
	[bflag:$0x2] =	sbarrier.arrive $0xFFFF  }
0x366: {  	p0 =	sne.s32 s0, $0x0;
	s0 =	rddreg [dreg:$0xe]  }
0x367: {  	s0 =	sadd.s32 @!p0 $0x100000, s0  }
0x368: {  	[sflag:s0] =	ssyncadd.tile.s32 @!p0 $0x1;
	_ =	shalt  }
.Lfunc_end3:
_tile_overlayer_lowered:
.L_overlay_start_3:
0x369: {  	(tag) =	ssettag $0x3  }
0x36a: {  	s0 =	rddreg [dreg:$0x0];
	s2 =	stileid.u32  }
0x36b: {  	s1 =	rddreg [dreg:$0x1];
	p0 =	sne.s32 s2, $0x0  }
0x36c: {  	s3 =	rddreg [dreg:$0x2];
	[bflag:$0x3] =	sbarrier.arrive $0xFFFF;
	s2 =	simm.s32 @!p0 $0x1C02  }
0x36d: {  	[timem:s3], [sflag:s2] =	dma.local @!p0 [hbm:s0], s1  }
0x36e: {  	s0 =	simm.s32 @!p0 $0x2  }
0x36f: {  	_ =	swait.ge @!p0 [sflag:s0], s1  }
0x370: {  	s1 =	ssub.s32 @!p0 $0x0, s1;
	[sflag:s0] =	ssyncset.done @!p0 $0x0  }
0x371: {  	[sflag:s0] =	ssyncadd.s32 @!p0 s1  }
0x372: {  	[bflag:$0x3] =	sbarrier.arrive $0xFFFF  }
0x373: {  	_ =	shalt  }

</sc_bundles>
